<compile_context>
chip_gen: v7x
topology: tpu7x:2x2x1
jax: 0.10.2.dev20260603
libtpu: 0.0.44.dev20260713+nightly
codegen_flags: <defaults>
</compile_context>

<pallas_src>
import functools

import jax
import jax.numpy as jnp
from jax import lax
from jax.experimental import pallas as pl
from jax.experimental.pallas import tpu as pltpu
from jax.experimental.pallas import tpu_sc as plsc

N = 8192
C = 256
NS = 16
SEG = 2048
NSEG = 4
HID = 32
SHARE = 8
EPS = 1e-5
EDGES = N * NS

_QKV_BLK = 256
_KNN_QB = 256
_QB = 128


def _qkv_body(x_ref, wq_ref, bq_ref, wk_ref, bk_ref, wv_ref, bv_ref,
              xq_ref, xk_ref, xv_ref):
    x = x_ref[...]
    xq_ref[...] = jnp.dot(x, wq_ref[...], preferred_element_type=jnp.float32) + bq_ref[...]
    xk_ref[...] = jnp.dot(x, wk_ref[...], preferred_element_type=jnp.float32) + bk_ref[...]
    xv_ref[...] = jnp.dot(x, wv_ref[...], preferred_element_type=jnp.float32) + bv_ref[...]


def _qkv(x, WqT, bq, WkT, bk, WvT, bv):
    grid = N // _QKV_BLK
    blk = pl.BlockSpec((_QKV_BLK, C), lambda i: (i, 0))
    wspec = pl.BlockSpec((C, C), lambda i: (0, 0))
    bspec = pl.BlockSpec((1, C), lambda i: (0, 0))
    return pl.pallas_call(
        _qkv_body,
        grid=(grid,),
        in_specs=[blk, wspec, bspec, wspec, bspec, wspec, bspec],
        out_specs=[blk, blk, blk],
        out_shape=[jax.ShapeDtypeStruct((N, C), jnp.float32)] * 3,
    )(x, WqT, bq, WkT, bk, WvT, bv)


def _knn_body(p_ref, pT_ref, idx_ref):
    s = pl.program_id(0)
    q = p_ref[...]
    sT = pT_ref[...]
    sq_q = q[:, 0:1] * q[:, 0:1] + q[:, 1:2] * q[:, 1:2] + q[:, 2:3] * q[:, 2:3]
    sq_s = (sT[0:1, :] * sT[0:1, :] + sT[1:2, :] * sT[1:2, :]
            + sT[2:3, :] * sT[2:3, :])
    dot = jnp.dot(q.astype(jnp.bfloat16), sT.astype(jnp.bfloat16),
                  preferred_element_type=jnp.float32)
    d2 = sq_q + sq_s - 2.0 * dot
    loc = lax.broadcasted_iota(jnp.int32, (_KNN_QB, SEG), 1)
    big = jnp.int32(2 ** 30)
    cols = []
    for _ in range(NS):
        m = jnp.min(d2, axis=1, keepdims=True)
        idxc = jnp.min(jnp.where(d2 == m, loc, big), axis=1, keepdims=True)
        cols.append(idxc + s * SEG)
        d2 = jnp.where(loc == idxc, jnp.inf, d2)
    idx_ref[...] = jnp.concatenate(cols, axis=1)


def _knn(p, pT):
    qpb = SEG // _KNN_QB
    return pl.pallas_call(
        _knn_body,
        grid=(NSEG, qpb),
        in_specs=[
            pl.BlockSpec((_KNN_QB, 3), lambda s, j: (s * qpb + j, 0)),
            pl.BlockSpec((3, SEG), lambda s, j: (0, s)),
        ],
        out_specs=pl.BlockSpec((_KNN_QB, NS), lambda s, j: (s * qpb + j, 0)),
        out_shape=jax.ShapeDtypeStruct((N, NS), jnp.int32),
    )(p, pT)


_GCHUNK = 128
_NW = 32


def _sc_gather_kp(xk, p128, idxf):
    per_w = EDGES // _NW
    ch = 64
    nch = per_w // ch
    mesh = plsc.VectorSubcoreMesh(core_axis_name="c", subcore_axis_name="s")

    @functools.partial(
        pl.kernel,
        mesh=mesh,
        out_type=[
            jax.ShapeDtypeStruct((EDGES, C), jnp.float32),
            jax.ShapeDtypeStruct((EDGES, 16), jnp.float32),
        ],
        scratch_types=[
            pltpu.VMEM((2, ch), jnp.int32),
            pltpu.VMEM((2, ch, C), jnp.float32),
            pltpu.VMEM((2, ch, 128), jnp.float32),
            pltpu.VMEM((2, ch, 16), jnp.float32),
            pltpu.SemaphoreType.DMA,
            pltpu.SemaphoreType.DMA,
            pltpu.SemaphoreType.DMA,
            pltpu.SemaphoreType.DMA,
        ],
    )
    def gk(xk_hbm, p_hbm, idx_hbm, xkg_hbm, pg_hbm,
           idx_v, bufk, bufp, bufpn, g0, g1, w0, w1):
        wid = lax.axis_index("s") * 2 + lax.axis_index("c")
        gsem = (g0, g1)
        wsem = (w0, w1)

        def start_g(c, b):
            pltpu.sync_copy(idx_hbm.at[pl.ds(wid * per_w + c * ch, ch)],
                            idx_v.at[b])
            pltpu.async_copy(xk_hbm.at[idx_v.at[b]], bufk.at[b], gsem[b])
            pltpu.async_copy(p_hbm.at[idx_v.at[b]], bufp.at[b], gsem[b])

        def wait_g(b):
            pltpu.make_async_copy(xk_hbm.at[idx_v.at[b]], bufk.at[b], gsem[b]).wait()
            pltpu.make_async_copy(p_hbm.at[idx_v.at[b]], bufp.at[b], gsem[b]).wait()

        def compact(b):
            def cbody(r, carry):
                bufpn[b, r, :] = bufp[b, r, 0:16]
                return carry
            lax.fori_loop(0, ch, cbody, 0)

        def start_w(c, b):
            base = wid * per_w + c * ch
            pltpu.async_copy(bufk.at[b], xkg_hbm.at[pl.ds(base, ch)], wsem[b])
            pltpu.async_copy(bufpn.at[b], pg_hbm.at[pl.ds(base, ch)], wsem[b])

        def wait_w(c, b):
            base = wid * per_w + c * ch
            pltpu.make_async_copy(bufk.at[b], xkg_hbm.at[pl.ds(base, ch)], wsem[b]).wait()
            pltpu.make_async_copy(bufpn.at[b], pg_hbm.at[pl.ds(base, ch)], wsem[b]).wait()

        def body(j, carry):
            for b in (0, 1):
                c = 2 * j + b

                @pl.when(c >= 2)
                def _():
                    wait_w(c - 2, b)

                start_g(c, b)

                @pl.when(c >= 1)
                def _():
                    wait_g(1 - b)
                    compact(1 - b)
                    start_w(c - 1, 1 - b)
            return carry

        lax.fori_loop(0, nch // 2, body, 0)
        wait_g(1)
        compact(1)
        start_w(nch - 1, 1)
        wait_w(nch - 2, 0)
        wait_w(nch - 1, 1)

    return gk(xk, p128, idxf)


def _sc_gather_v(xv, idxf):
    per_w = EDGES // _NW
    nch = per_w // _GCHUNK
    mesh = plsc.VectorSubcoreMesh(core_axis_name="c", subcore_axis_name="s")

    @functools.partial(
        pl.kernel,
        mesh=mesh,
        out_type=jax.ShapeDtypeStruct((EDGES, C), jnp.float32),
        scratch_types=[
            pltpu.VMEM((2, _GCHUNK), jnp.int32),
            pltpu.VMEM((2, _GCHUNK, C), jnp.float32),
            pltpu.SemaphoreType.DMA,
            pltpu.SemaphoreType.DMA,
            pltpu.SemaphoreType.DMA,
            pltpu.SemaphoreType.DMA,
        ],
    )
    def gk(xv_hbm, idx_hbm, xvg_hbm, idx_v, bufv, g0, g1, w0, w1):
        wid = lax.axis_index("s") * 2 + lax.axis_index("c")
        gsem = (g0, g1)
        wsem = (w0, w1)

        def start_g(c, b):
            pltpu.sync_copy(idx_hbm.at[pl.ds(wid * per_w + c * _GCHUNK, _GCHUNK)],
                            idx_v.at[b])
            pltpu.async_copy(xv_hbm.at[idx_v.at[b]], bufv.at[b], gsem[b])

        def wait_g(b):
            pltpu.make_async_copy(xv_hbm.at[idx_v.at[b]], bufv.at[b], gsem[b]).wait()

        def start_w(c, b):
            base = wid * per_w + c * _GCHUNK
            pltpu.async_copy(bufv.at[b], xvg_hbm.at[pl.ds(base, _GCHUNK)], wsem[b])

        def wait_w(c, b):
            base = wid * per_w + c * _GCHUNK
            pltpu.make_async_copy(bufv.at[b], xvg_hbm.at[pl.ds(base, _GCHUNK)], wsem[b]).wait()

        def body(j, carry):
            for b in (0, 1):
                c = 2 * j + b

                @pl.when(c >= 2)
                def _():
                    wait_w(c - 2, b)

                start_g(c, b)

                @pl.when(c >= 1)
                def _():
                    wait_g(1 - b)
                    start_w(c - 1, 1 - b)
            return carry

        lax.fori_loop(0, nch // 2, body, 0)
        wait_g(1)
        start_w(nch - 1, 1)
        wait_w(nch - 2, 0)
        wait_w(nch - 1, 1)

    return gk(xv, idxf)


def _hstats_body(pg_ref, p_ref, wp1t_ref, bp1_ref, st_ref):
    @pl.when(pl.program_id(0) == 0)
    def _():
        st_ref[...] = jnp.zeros_like(st_ref)

    qb = p_ref.shape[0]
    p_r = pg_ref[:, :, :3] - jnp.reshape(p_ref[...], (qb, 1, 3))
    h = jnp.dot(p_r.reshape(qb * NS, 3), wp1t_ref[...],
                preferred_element_type=jnp.float32) + bp1_ref[...]
    st_ref[0:1, 0:3] += jnp.sum(h, axis=0, keepdims=True)
    st_ref[1:2, 0:3] += jnp.sum(h * h, axis=0, keepdims=True)


def _hstats(pg3, p, Wp1T, bp1):
    grid = N // 256
    return pl.pallas_call(
        _hstats_body,
        grid=(grid,),
        in_specs=[
            pl.BlockSpec((256, NS, 16), lambda i: (i, 0, 0)),
            pl.BlockSpec((256, 3), lambda i: (i, 0)),
            pl.BlockSpec((3, 3), lambda i: (0, 0)),
            pl.BlockSpec((1, 3), lambda i: (0, 0)),
        ],
        out_specs=pl.BlockSpec((8, 128), lambda i: (0, 0)),
        out_shape=jax.ShapeDtypeStruct((8, 128), jnp.float32),
    )(pg3, p, Wp1T, bp1)


def _pe_block(pg_b, p_b, wp1t, bp1, s1, t1, wp2t, bp2):
    qb = p_b.shape[0]
    p_r = pg_b[:, :, :3] - jnp.reshape(p_b, (qb, 1, 3))
    h = jnp.dot(p_r.reshape(qb * NS, 3), wp1t,
                preferred_element_type=jnp.float32) + bp1
    h = jnp.maximum(h * s1 + t1, 0.0)
    pe = jnp.dot(h, wp2t, preferred_element_type=jnp.float32) + bp2
    return pe.reshape(qb, NS, C)


def _rstats_body(pg_ref, p_ref, xq_ref, xkg_ref, wp1t_ref, bp1_ref,
                 s1_ref, t1_ref, wp2t_ref, bp2_ref, st_ref):
    @pl.when(pl.program_id(0) == 0)
    def _():
        st_ref[...] = jnp.zeros_like(st_ref)

    pe = _pe_block(pg_ref[...], p_ref[...], wp1t_ref[...], bp1_ref[...],
                   s1_ref[...], t1_ref[...], wp2t_ref[...], bp2_ref[...])
    r = xkg_ref[...] - jnp.reshape(xq_ref[...], (_QB, 1, C)) + pe
    r2 = r.reshape(_QB * NS, C)
    st_ref[0:1, :] += jnp.sum(r2, axis=0, keepdims=True)
    st_ref[1:2, :] += jnp.sum(r2 * r2, axis=0, keepdims=True)


def _rstats(pg3, p, xq, xkg3, Wp1T, bp1, s1, t1, Wp2T, bp2):
    grid = N // _QB
    return pl.pallas_call(
        _rstats_body,
        grid=(grid,),
        in_specs=[
            pl.BlockSpec((_QB, NS, 16), lambda i: (i, 0, 0)),
            pl.BlockSpec((_QB, 3), lambda i: (i, 0)),
            pl.BlockSpec((_QB, C), lambda i: (i, 0)),
            pl.BlockSpec((_QB, NS, C), lambda i: (i, 0, 0)),
            pl.BlockSpec((3, 3), lambda i: (0, 0)),
            pl.BlockSpec((1, 3), lambda i: (0, 0)),
            pl.BlockSpec((1, 3), lambda i: (0, 0)),
            pl.BlockSpec((1, 3), lambda i: (0, 0)),
            pl.BlockSpec((3, C), lambda i: (0, 0)),
            pl.BlockSpec((1, C), lambda i: (0, 0)),
        ],
        out_specs=pl.BlockSpec((8, C), lambda i: (0, 0)),
        out_shape=jax.ShapeDtypeStruct((8, C), jnp.float32),
    )(pg3, p, xq, xkg3, Wp1T, bp1, s1, t1, Wp2T, bp2)


def _w1_body(pg_ref, p_ref, xq_ref, xkg_ref, wp1t_ref, bp1_ref,
             s1_ref, t1_ref, wp2t_ref, bp2_ref, s2_ref, t2_ref,
             ww1t_ref, bw1_ref, w1_ref, st_ref):
    @pl.when(pl.program_id(0) == 0)
    def _():
        st_ref[...] = jnp.zeros_like(st_ref)

    pe = _pe_block(pg_ref[...], p_ref[...], wp1t_ref[...], bp1_ref[...],
                   s1_ref[...], t1_ref[...], wp2t_ref[...], bp2_ref[...])
    r = xkg_ref[...] - jnp.reshape(xq_ref[...], (_QB, 1, C)) + pe
    r2 = r.reshape(_QB * NS, C)
    w = jnp.maximum(r2 * s2_ref[...] + t2_ref[...], 0.0)
    w1 = jnp.dot(w, ww1t_ref[...], preferred_element_type=jnp.float32) + bw1_ref[...]
    w1_ref[...] = w1.reshape(_QB, NS, HID)
    st_ref[0:1, 0:HID] += jnp.sum(w1, axis=0, keepdims=True)
    st_ref[1:2, 0:HID] += jnp.sum(w1 * w1, axis=0, keepdims=True)


def _w1pass(pg3, p, xq, xkg3, Wp1T, bp1, s1, t1, Wp2T, bp2, s2, t2, Ww1T, bw1):
    grid = N // _QB
    return pl.pallas_call(
        _w1_body,
        grid=(grid,),
        in_specs=[
            pl.BlockSpec((_QB, NS, 16), lambda i: (i, 0, 0)),
            pl.BlockSpec((_QB, 3), lambda i: (i, 0)),
            pl.BlockSpec((_QB, C), lambda i: (i, 0)),
            pl.BlockSpec((_QB, NS, C), lambda i: (i, 0, 0)),
            pl.BlockSpec((3, 3), lambda i: (0, 0)),
            pl.BlockSpec((1, 3), lambda i: (0, 0)),
            pl.BlockSpec((1, 3), lambda i: (0, 0)),
            pl.BlockSpec((1, 3), lambda i: (0, 0)),
            pl.BlockSpec((3, C), lambda i: (0, 0)),
            pl.BlockSpec((1, C), lambda i: (0, 0)),
            pl.BlockSpec((1, C), lambda i: (0, 0)),
            pl.BlockSpec((1, C), lambda i: (0, 0)),
            pl.BlockSpec((C, HID), lambda i: (0, 0)),
            pl.BlockSpec((1, HID), lambda i: (0, 0)),
        ],
        out_specs=[
            pl.BlockSpec((_QB, NS, HID), lambda i: (i, 0, 0)),
            pl.BlockSpec((8, 128), lambda i: (0, 0)),
        ],
        out_shape=[
            jax.ShapeDtypeStruct((N, NS, HID), jnp.float32),
            jax.ShapeDtypeStruct((8, 128), jnp.float32),
        ],
    )(pg3, p, xq, xkg3, Wp1T, bp1, s1, t1, Wp2T, bp2, s2, t2, Ww1T, bw1)


def _final_body(pg_ref, p_ref, w1_ref, xvg_ref, wp1t_ref, bp1_ref,
                s1_ref, t1_ref, wp2t_ref, bp2_ref, s3_ref, t3_ref,
                ww2t_ref, bw2_ref, out_ref):
    y = jnp.maximum(w1_ref[...].reshape(_QB * NS, HID) * s3_ref[...] + t3_ref[...], 0.0)
    w2 = jnp.dot(y, ww2t_ref[...], preferred_element_type=jnp.float32) + bw2_ref[...]
    w2 = w2.reshape(_QB, NS, HID)
    m = jnp.max(w2, axis=1, keepdims=True)
    e = jnp.exp(w2 - m)
    sm = e / jnp.sum(e, axis=1, keepdims=True)
    pe = _pe_block(pg_ref[...], p_ref[...], wp1t_ref[...], bp1_ref[...],
                   s1_ref[...], t1_ref[...], wp2t_ref[...], bp2_ref[...])
    xvp = xvg_ref[...] + pe
    wf = jnp.concatenate([sm] * SHARE, axis=2)
    out_ref[...] = jnp.sum(xvp * wf, axis=1)


def _final(pg3, p, w1, xvg3, Wp1T, bp1, s1, t1, Wp2T, bp2, s3, t3, Ww2T, bw2):
    grid = N // _QB
    return pl.pallas_call(
        _final_body,
        grid=(grid,),
        in_specs=[
            pl.BlockSpec((_QB, NS, 16), lambda i: (i, 0, 0)),
            pl.BlockSpec((_QB, 3), lambda i: (i, 0)),
            pl.BlockSpec((_QB, NS, HID), lambda i: (i, 0, 0)),
            pl.BlockSpec((_QB, NS, C), lambda i: (i, 0, 0)),
            pl.BlockSpec((3, 3), lambda i: (0, 0)),
            pl.BlockSpec((1, 3), lambda i: (0, 0)),
            pl.BlockSpec((1, 3), lambda i: (0, 0)),
            pl.BlockSpec((1, 3), lambda i: (0, 0)),
            pl.BlockSpec((3, C), lambda i: (0, 0)),
            pl.BlockSpec((1, C), lambda i: (0, 0)),
            pl.BlockSpec((1, HID), lambda i: (0, 0)),
            pl.BlockSpec((1, HID), lambda i: (0, 0)),
            pl.BlockSpec((HID, HID), lambda i: (0, 0)),
            pl.BlockSpec((1, HID), lambda i: (0, 0)),
        ],
        out_specs=pl.BlockSpec((_QB, C), lambda i: (i, 0)),
        out_shape=jax.ShapeDtypeStruct((N, C), jnp.float32),
    )(pg3, p, w1, xvg3, Wp1T, bp1, s1, t1, Wp2T, bp2, s3, t3, Ww2T, bw2)


def _bn_affine(s1, s2, gamma, beta, count):
    mean = s1 / count
    var = s2 / count - mean * mean
    scale = gamma * lax.rsqrt(var + EPS)
    shift = beta - mean * scale
    return scale, shift


def kernel(p, x, o, params):
    del o
    WqT = params["Wq"].T
    WkT = params["Wk"].T
    WvT = params["Wv"].T
    bq = params["bq"].reshape(1, C)
    bk = params["bk"].reshape(1, C)
    bv = params["bv"].reshape(1, C)
    Wp1T = params["Wp1"].T
    bp1 = params["bp1"].reshape(1, 3)
    Wp2T = params["Wp2"].T
    bp2 = params["bp2"].reshape(1, C)
    Ww1T = params["Ww1"].T
    bw1 = params["bw1"].reshape(1, HID)
    Ww2T = params["Ww2"].T
    bw2 = params["bw2"].reshape(1, HID)

    xq, xk, xv = _qkv(x, WqT, bq, WkT, bk, WvT, bv)
    idx = _knn(p, p.T)

    p128 = jnp.concatenate([p, jnp.zeros((N, 125), jnp.float32)], axis=1)
    idxf = idx.reshape(EDGES)
    xkg, pg = _sc_gather_kp(xk, p128, idxf)
    xvg = _sc_gather_v(xv, idxf)
    pg3 = pg.reshape(N, NS, 16)
    xkg3 = xkg.reshape(N, NS, C)
    xvg3 = xvg.reshape(N, NS, C)

    cnt = float(EDGES)
    st1 = _hstats(pg3, p, Wp1T, bp1)
    sc1, sh1 = _bn_affine(st1[0, 0:3], st1[1, 0:3], params["gp"], params["bnp"], cnt)
    s1 = sc1.reshape(1, 3)
    t1 = sh1.reshape(1, 3)

    st2 = _rstats(pg3, p, xq, xkg3, Wp1T, bp1, s1, t1, Wp2T, bp2)
    sc2, sh2 = _bn_affine(st2[0, :], st2[1, :], params["gw1"], params["bnw1"], cnt)
    s2 = sc2.reshape(1, C)
    t2 = sh2.reshape(1, C)

    w1, st3 = _w1pass(pg3, p, xq, xkg3, Wp1T, bp1, s1, t1, Wp2T, bp2, s2, t2, Ww1T, bw1)
    sc3, sh3 = _bn_affine(st3[0, 0:HID], st3[1, 0:HID],
                          params["gw2"], params["bnw2"], cnt)
    s3 = sc3.reshape(1, HID)
    t3 = sh3.reshape(1, HID)

    out = _final(pg3, p, w1, xvg3, Wp1T, bp1, s1, t1, Wp2T, bp2, s3, t3, Ww2T, bw2)
    return out

# --- scband reference (transcript-rebuilt; emitter-appended) ---
"""Pipeline reference for scband-point-transformer-layer-10857677325125 (READ-ONLY COPY).

The authoritative reference and input builder live on the scoring server;
editing this copy changes nothing except your own understanding.
"""

import jax, jax.numpy as jnp
import numpy as np

N = 8192
C = 256
OUT = 256
SHARE = 8
NSAMPLE = 16
MID = OUT
HID = OUT // SHARE
EPS = 1e-5


def _pbn(t, gamma, beta):
    axes = (0, 1) if t.ndim == 3 else (0,)
    mean = jnp.mean(t, axis=axes, keepdims=True)
    var = jnp.var(t, axis=axes, keepdims=True)
    return (t - mean) / jnp.sqrt(var + EPS) * gamma + beta


def _linear_init(k, fan_in, fan_out):
    s = 1.0 / np.sqrt(fan_in)
    kw, kb = jax.random.split(k)
    W = jax.random.uniform(kw, (fan_out, fan_in), minval=-s, maxval=s, dtype=jnp.float32)
    b = jax.random.uniform(kb, (fan_out,), minval=-s, maxval=s, dtype=jnp.float32)
    return W, b


def setup_inputs(seed: int = 0):
    key = jax.random.key(seed)
    ks = jax.random.split(key, 10)
    p = jax.random.uniform(ks[0], (N, 3), dtype=jnp.float32) * 10.0
    x = jax.random.normal(ks[1], (N, C), dtype=jnp.float32)
    o = jnp.array([2048, 4096, 6144, 8192], dtype=jnp.int32)
    Wq, bq = _linear_init(ks[2], C, MID)
    Wk, bk = _linear_init(ks[3], C, MID)
    Wv, bv = _linear_init(ks[4], C, OUT)
    Wp1, bp1 = _linear_init(ks[5], 3, 3)
    Wp2, bp2 = _linear_init(ks[6], 3, OUT)
    Ww1, bw1 = _linear_init(ks[7], MID, HID)
    Ww2, bw2 = _linear_init(ks[8], HID, HID)
    params = {
        "Wq": Wq, "bq": bq, "Wk": Wk, "bk": bk, "Wv": Wv, "bv": bv,
        "Wp1": Wp1, "bp1": bp1, "gp": jnp.ones(3, jnp.float32), "bnp": jnp.zeros(3, jnp.float32),
        "Wp2": Wp2, "bp2": bp2,
        "gw1": jnp.ones(MID, jnp.float32), "bnw1": jnp.zeros(MID, jnp.float32),
        "Ww1": Ww1, "bw1": bw1,
        "gw2": jnp.ones(HID, jnp.float32), "bnw2": jnp.zeros(HID, jnp.float32),
        "Ww2": Ww2, "bw2": bw2,
    }
    return {"p": p, "x": x, "o": o, "params": params}


def _knn_idx(p, o, nsample):
    n = p.shape[0]
    seg = jnp.searchsorted(o, jnp.arange(n), side="right")
    sq = jnp.sum(p * p, axis=-1)
    d2 = sq[:, None] + sq[None, :] - 2.0 * (p @ p.T)
    d2 = jnp.where(seg[:, None] != seg[None, :], jnp.inf, d2)
    _, idx = jax.lax.top_k(-jax.lax.stop_gradient(d2), nsample)
    return idx


def _forward(p, x, o, params):
    x_q = x @ params["Wq"].T + params["bq"]
    x_k = x @ params["Wk"].T + params["bk"]
    x_v = x @ params["Wv"].T + params["bv"]
    idx = _knn_idx(p, o, NSAMPLE)
    p_r = p[idx] - p[:, None, :]
    xk_g = x_k[idx]
    xv_g = x_v[idx]
    h = p_r @ params["Wp1"].T + params["bp1"]
    h = jax.nn.relu(_pbn(h, params["gp"], params["bnp"]))
    p_e = h @ params["Wp2"].T + params["bp2"]
    # einops.reduce '(i j) -> j' with j = mid_planes = out_planes means i == 1, i.e. identity
    r_qk = xk_g - x_q[:, None, :] + p_e
    w = jax.nn.relu(_pbn(r_qk, params["gw1"], params["bnw1"]))
    w = w @ params["Ww1"].T + params["bw1"]
    w = jax.nn.relu(_pbn(w, params["gw2"], params["bnw2"]))
    w = w @ params["Ww2"].T + params["bw2"]
    w = jax.nn.softmax(w, axis=1)
    xvp = (xv_g + p_e).reshape(N, NSAMPLE, SHARE, HID)
    out = jnp.einsum("ntsi,nti->nsi", xvp, w)
    return out.reshape(N, OUT)


def reference(p, x, o, params):
    return _forward(p, x, o, params)

if __name__ == "__main__":
    import jax
    _d = setup_inputs()
    print(jax.jit(kernel)(*tuple(_d.values())))

</pallas_src>

<mosaic_0001>
#map = affine_map<(d0, d1) -> (0, 0)>
#map1 = affine_map<(d0, d1) -> (0)>
module attributes {stable_mosaic.version = 14 : i64} {
  func.func @gk(%arg0: i32, %arg1: i32, %arg2: memref<8192x256xf32, #tpu.memory_space<hbm>>, %arg3: memref<8192x128xf32, #tpu.memory_space<hbm>>, %arg4: memref<131072xi32, #tpu.memory_space<hbm>>, %arg5: memref<131072x256xf32, #tpu.memory_space<hbm>>, %arg6: memref<131072x16xf32, #tpu.memory_space<hbm>>, %arg7: memref<2x64xi32, #tpu.memory_space<vmem>>, %arg8: memref<2x64x256xf32, #tpu.memory_space<vmem>>, %arg9: memref<2x64x128xf32, #tpu.memory_space<vmem>>, %arg10: memref<2x64x16xf32, #tpu.memory_space<vmem>>, %arg11: memref<!tpu.dma_semaphore, #tpu.memory_space<semaphore_mem>>, %arg12: memref<!tpu.dma_semaphore, #tpu.memory_space<semaphore_mem>>, %arg13: memref<!tpu.dma_semaphore, #tpu.memory_space<semaphore_mem>>, %arg14: memref<!tpu.dma_semaphore, #tpu.memory_space<semaphore_mem>>) attributes {dimension_semantics = [#tpu.dimension_semantics<core_parallel>, #tpu.dimension_semantics<subcore_parallel>], iteration_bounds = array<i64: 2, 16>, scalar_prefetch = 0 : i64, scratch_operands = 8 : i64, tpu.core_type = #tpu.core_type<sc_vector_subcore>, window_params = [{transform_indices = #map}, {transform_indices = #map}, {transform_indices = #map1}, {transform_indices = #map}, {transform_indices = #map}]} {
    %mul3A = arith.constant 2 : i32
    %mul3A_0 = arith.muli %arg1, %mul3A : i32
    %add3A = arith.addi %mul3A_0, %arg0 : i32
    %scan3A = arith.constant 0 : i32
    %scan3A_1 = arith.constant 0 : i32
    %scan3A_2 = arith.constant 32 : i32
    %scan3A_3 = arith.addi %scan3A_1, %scan3A_2 : i32
    %scan3A_4 = arith.constant 1 : i32
    scf.for %scan3A_124 = %scan3A_1 to %scan3A_3 step %scan3A_4  : i32 {
      %mul3A_125 = arith.constant 2 : i32
      %mul3A_126 = arith.muli %mul3A_125, %scan3A_124 : i32
      %add3A_127 = arith.constant 0 : i32
      %add3A_128 = arith.addi %mul3A_126, %add3A_127 : i32
      %ge3A = arith.constant 2 : i32
      %ge3A_129 = arith.cmpi sge, %add3A_128, %ge3A : i32
      %convert_element_type3A = arith.extui %ge3A_129 : i1 to i32
      %cond3A = arith.constant 0 : i32
      %cond3A_130 = arith.cmpi ne, %convert_element_type3A, %cond3A : i32
      scf.if %cond3A_130 {
        %sub3A = arith.constant 2 : i32
        %sub3A_209 = arith.subi %add3A_128, %sub3A : i32
        %mul3A_210 = arith.constant 4096 : i32
        %mul3A_211 = arith.muli %add3A, %mul3A_210 : i32
        %mul3A_212 = arith.constant 64 : i32
        %mul3A_213 = arith.muli %sub3A_209, %mul3A_212 : i32
        %add3A_214 = arith.addi %mul3A_211, %mul3A_213 : i32
        %dma_wait3A_215 = arith.constant 0 : i32
        %dma_wait3A_216 = arith.constant 0 : i32
        %dma_wait3A_217 = arith.constant 0 : i32
        %dma_wait3A_218 = tpu.memref_slice %arg8[%dma_wait3A_215, %dma_wait3A_216, %dma_wait3A_217] : memref<2x64x256xf32, #tpu.memory_space<vmem>> -> memref<1x64x256xf32, #tpu.memory_space<vmem>>
        %dma_wait3A_219 = tpu.memref_squeeze %dma_wait3A_218 : memref<1x64x256xf32, #tpu.memory_space<vmem>> -> memref<64x256xf32, #tpu.memory_space<vmem>>
        %dma_wait3A_220 = arith.constant 0 : i32
        %dma_wait3A_221 = tpu.memref_slice %arg5[%add3A_214, %dma_wait3A_220] : memref<131072x256xf32, #tpu.memory_space<hbm>> -> memref<64x256xf32, #tpu.memory_space<hbm>>
        %dma_wait3A_222 = arith.constant 0 : i32
        %dma_wait3A_223 = tpu.memref_slice %arg5[%add3A_214, %dma_wait3A_222] : memref<131072x256xf32, #tpu.memory_space<hbm>> -> memref<64x256xf32, #tpu.memory_space<hbm>>
        %dma_wait3A_224 = arith.constant 0 : i32
        %dma_wait3A_225 = arith.constant 0 : i32
        %dma_wait3A_226 = tpu.memref_slice %arg8[%dma_wait3A_215, %dma_wait3A_224, %dma_wait3A_225] : memref<2x64x256xf32, #tpu.memory_space<vmem>> -> memref<1x64x256xf32, #tpu.memory_space<vmem>>
        %dma_wait3A_227 = tpu.memref_squeeze %dma_wait3A_226 : memref<1x64x256xf32, #tpu.memory_space<vmem>> -> memref<64x256xf32, #tpu.memory_space<vmem>>
        tpu.wait_dma2 semaphore(%arg13 : memref<!tpu.dma_semaphore, #tpu.memory_space<semaphore_mem>>) src(%dma_wait3A_227 : memref<64x256xf32, #tpu.memory_space<vmem>>) dst(%dma_wait3A_223 : memref<64x256xf32, #tpu.memory_space<hbm>>)
        %dma_wait3A_228 = arith.constant 0 : i32
        %dma_wait3A_229 = arith.constant 0 : i32
        %dma_wait3A_230 = arith.constant 0 : i32
        %dma_wait3A_231 = tpu.memref_slice %arg10[%dma_wait3A_228, %dma_wait3A_229, %dma_wait3A_230] : memref<2x64x16xf32, #tpu.memory_space<vmem>> -> memref<1x64x16xf32, #tpu.memory_space<vmem>>
        %dma_wait3A_232 = tpu.memref_squeeze %dma_wait3A_231 : memref<1x64x16xf32, #tpu.memory_space<vmem>> -> memref<64x16xf32, #tpu.memory_space<vmem>>
        %dma_wait3A_233 = arith.constant 0 : i32
        %dma_wait3A_234 = tpu.memref_slice %arg6[%add3A_214, %dma_wait3A_233] : memref<131072x16xf32, #tpu.memory_space<hbm>> -> memref<64x16xf32, #tpu.memory_space<hbm>>
        %dma_wait3A_235 = arith.constant 0 : i32
        %dma_wait3A_236 = tpu.memref_slice %arg6[%add3A_214, %dma_wait3A_235] : memref<131072x16xf32, #tpu.memory_space<hbm>> -> memref<64x16xf32, #tpu.memory_space<hbm>>
        %dma_wait3A_237 = arith.constant 0 : i32
        %dma_wait3A_238 = arith.constant 0 : i32
        %dma_wait3A_239 = tpu.memref_slice %arg10[%dma_wait3A_228, %dma_wait3A_237, %dma_wait3A_238] : memref<2x64x16xf32, #tpu.memory_space<vmem>> -> memref<1x64x16xf32, #tpu.memory_space<vmem>>
        %dma_wait3A_240 = tpu.memref_squeeze %dma_wait3A_239 : memref<1x64x16xf32, #tpu.memory_space<vmem>> -> memref<64x16xf32, #tpu.memory_space<vmem>>
        tpu.wait_dma2 semaphore(%arg13 : memref<!tpu.dma_semaphore, #tpu.memory_space<semaphore_mem>>) src(%dma_wait3A_240 : memref<64x16xf32, #tpu.memory_space<vmem>>) dst(%dma_wait3A_236 : memref<64x16xf32, #tpu.memory_space<hbm>>)
      } else {
      }
      %mul3A_131 = arith.constant 4096 : i32
      %mul3A_132 = arith.muli %add3A, %mul3A_131 : i32
      %mul3A_133 = arith.constant 64 : i32
      %mul3A_134 = arith.muli %add3A_128, %mul3A_133 : i32
      %add3A_135 = arith.addi %mul3A_132, %mul3A_134 : i32
      %run_scoped3A = arith.constant 0 : i32
      "tpu.region"() ({
        %run_scoped3A_209 = tpu.sem_alloc : memref<!tpu.dma_semaphore, #tpu.memory_space<semaphore_mem>>
        %dma_start3A_210 = arith.constant 0 : i32
        %dma_start3A_211 = tpu.memref_slice %arg7[%run_scoped3A, %dma_start3A_210] : memref<2x64xi32, #tpu.memory_space<vmem>> -> memref<1x64xi32, #tpu.memory_space<vmem>>
        %dma_start3A_212 = tpu.memref_squeeze %dma_start3A_211 : memref<1x64xi32, #tpu.memory_space<vmem>> -> memref<64xi32, #tpu.memory_space<vmem>>
        %dma_start3A_213 = tpu.memref_slice %arg4[%add3A_135] : memref<131072xi32, #tpu.memory_space<hbm>> -> memref<64xi32, #tpu.memory_space<hbm>>
        %dma_start3A_214 = arith.constant 0 : i32
        %dma_start3A_215 = tpu.memref_slice %arg7[%run_scoped3A, %dma_start3A_214] : memref<2x64xi32, #tpu.memory_space<vmem>> -> memref<1x64xi32, #tpu.memory_space<vmem>>
        %dma_start3A_216 = tpu.memref_squeeze %dma_start3A_215 : memref<1x64xi32, #tpu.memory_space<vmem>> -> memref<64xi32, #tpu.memory_space<vmem>>
        %dma_start3A_217 = tpu.memref_slice %arg4[%add3A_135] : memref<131072xi32, #tpu.memory_space<hbm>> -> memref<64xi32, #tpu.memory_space<hbm>>
        tpu.enqueue_dma source(%dma_start3A_217 : memref<64xi32, #tpu.memory_space<hbm>>) target(%dma_start3A_216 : memref<64xi32, #tpu.memory_space<vmem>>) target_semaphore(%run_scoped3A_209 : memref<!tpu.dma_semaphore, #tpu.memory_space<semaphore_mem>>)
        %dma_wait3A_218 = arith.constant 0 : i32
        %dma_wait3A_219 = tpu.memref_slice %arg7[%run_scoped3A, %dma_wait3A_218] : memref<2x64xi32, #tpu.memory_space<vmem>> -> memref<1x64xi32, #tpu.memory_space<vmem>>
        %dma_wait3A_220 = tpu.memref_squeeze %dma_wait3A_219 : memref<1x64xi32, #tpu.memory_space<vmem>> -> memref<64xi32, #tpu.memory_space<vmem>>
        %dma_wait3A_221 = tpu.memref_slice %arg4[%add3A_135] : memref<131072xi32, #tpu.memory_space<hbm>> -> memref<64xi32, #tpu.memory_space<hbm>>
        %dma_wait3A_222 = arith.constant 0 : i32
        %dma_wait3A_223 = tpu.memref_slice %arg7[%run_scoped3A, %dma_wait3A_222] : memref<2x64xi32, #tpu.memory_space<vmem>> -> memref<1x64xi32, #tpu.memory_space<vmem>>
        %dma_wait3A_224 = tpu.memref_squeeze %dma_wait3A_223 : memref<1x64xi32, #tpu.memory_space<vmem>> -> memref<64xi32, #tpu.memory_space<vmem>>
        %dma_wait3A_225 = tpu.memref_slice %arg4[%add3A_135] : memref<131072xi32, #tpu.memory_space<hbm>> -> memref<64xi32, #tpu.memory_space<hbm>>
        tpu.wait_dma2 semaphore(%run_scoped3A_209 : memref<!tpu.dma_semaphore, #tpu.memory_space<semaphore_mem>>) src(%dma_wait3A_225 : memref<64xi32, #tpu.memory_space<hbm>>) dst(%dma_wait3A_224 : memref<64xi32, #tpu.memory_space<vmem>>)
        tpu.yield
      }) : () -> ()
      %dma_start3A_136 = arith.constant 0 : i32
      %dma_start3A_137 = arith.constant 0 : i32
      %dma_start3A_138 = arith.constant 0 : i32
      %dma_start3A_139 = arith.constant 0 : i32
      %dma_start3A_140 = tpu.memref_slice %arg8[%dma_start3A_137, %dma_start3A_138, %dma_start3A_139] : memref<2x64x256xf32, #tpu.memory_space<vmem>> -> memref<1x64x256xf32, #tpu.memory_space<vmem>>
      %dma_start3A_141 = tpu.memref_squeeze %dma_start3A_140 : memref<1x64x256xf32, #tpu.memory_space<vmem>> -> memref<64x256xf32, #tpu.memory_space<vmem>>
      %dma_start3A_142 = arith.constant 0 : i32
      %dma_start3A_143 = tpu.memref_slice %arg7[%dma_start3A_136, %dma_start3A_142] : memref<2x64xi32, #tpu.memory_space<vmem>> -> memref<1x64xi32, #tpu.memory_space<vmem>>
      %dma_start3A_144 = tpu.memref_squeeze %dma_start3A_143 : memref<1x64xi32, #tpu.memory_space<vmem>> -> memref<64xi32, #tpu.memory_space<vmem>>
      %dma_start3A_145 = arith.constant 0 : i32
      %dma_start3A_146 = arith.constant 0 : i32
      %dma_start3A_147 = tpu.memref_slice %arg2[%dma_start3A_145, %dma_start3A_146] : memref<8192x256xf32, #tpu.memory_space<hbm>> -> memref<8192x256xf32, #tpu.memory_space<hbm>>
      tpu.enqueue_indirect_dma source(%dma_start3A_147 : memref<8192x256xf32, #tpu.memory_space<hbm>>) target(%dma_start3A_141 : memref<64x256xf32, #tpu.memory_space<vmem>>) offsets(%dma_start3A_144 : memref<64xi32, #tpu.memory_space<vmem>>) semaphore(%arg11 : memref<!tpu.dma_semaphore, #tpu.memory_space<semaphore_mem>>)
      %dma_start3A_148 = arith.constant 0 : i32
      %dma_start3A_149 = arith.constant 0 : i32
      %dma_start3A_150 = arith.constant 0 : i32
      %dma_start3A_151 = arith.constant 0 : i32
      %dma_start3A_152 = tpu.memref_slice %arg9[%dma_start3A_149, %dma_start3A_150, %dma_start3A_151] : memref<2x64x128xf32, #tpu.memory_space<vmem>> -> memref<1x64x128xf32, #tpu.memory_space<vmem>>
      %dma_start3A_153 = tpu.memref_squeeze %dma_start3A_152 : memref<1x64x128xf32, #tpu.memory_space<vmem>> -> memref<64x128xf32, #tpu.memory_space<vmem>>
      %dma_start3A_154 = arith.constant 0 : i32
      %dma_start3A_155 = tpu.memref_slice %arg7[%dma_start3A_148, %dma_start3A_154] : memref<2x64xi32, #tpu.memory_space<vmem>> -> memref<1x64xi32, #tpu.memory_space<vmem>>
      %dma_start3A_156 = tpu.memref_squeeze %dma_start3A_155 : memref<1x64xi32, #tpu.memory_space<vmem>> -> memref<64xi32, #tpu.memory_space<vmem>>
      %dma_start3A_157 = arith.constant 0 : i32
      %dma_start3A_158 = arith.constant 0 : i32
      %dma_start3A_159 = tpu.memref_slice %arg3[%dma_start3A_157, %dma_start3A_158] : memref<8192x128xf32, #tpu.memory_space<hbm>> -> memref<8192x128xf32, #tpu.memory_space<hbm>>
      tpu.enqueue_indirect_dma source(%dma_start3A_159 : memref<8192x128xf32, #tpu.memory_space<hbm>>) target(%dma_start3A_153 : memref<64x128xf32, #tpu.memory_space<vmem>>) offsets(%dma_start3A_156 : memref<64xi32, #tpu.memory_space<vmem>>) semaphore(%arg11 : memref<!tpu.dma_semaphore, #tpu.memory_space<semaphore_mem>>)
      %ge3A_160 = arith.constant 1 : i32
      %ge3A_161 = arith.cmpi sge, %add3A_128, %ge3A_160 : i32
      %convert_element_type3A_162 = arith.extui %ge3A_161 : i1 to i32
      %cond3A_163 = arith.constant 0 : i32
      %cond3A_164 = arith.cmpi ne, %convert_element_type3A_162, %cond3A_163 : i32
      scf.if %cond3A_164 {
        %dma_wait3A_209 = arith.constant 1 : i32
        %dma_wait3A_210 = arith.constant 1 : i32
        %dma_wait3A_211 = arith.constant 0 : i32
        %dma_wait3A_212 = arith.constant 0 : i32
        %dma_wait3A_213 = tpu.memref_slice %arg8[%dma_wait3A_210, %dma_wait3A_211, %dma_wait3A_212] : memref<2x64x256xf32, #tpu.memory_space<vmem>> -> memref<1x64x256xf32, #tpu.memory_space<vmem>>
        %dma_wait3A_214 = tpu.memref_squeeze %dma_wait3A_213 : memref<1x64x256xf32, #tpu.memory_space<vmem>> -> memref<64x256xf32, #tpu.memory_space<vmem>>
        %dma_wait3A_215 = arith.constant 0 : i32
        %dma_wait3A_216 = tpu.memref_slice %arg7[%dma_wait3A_209, %dma_wait3A_215] : memref<2x64xi32, #tpu.memory_space<vmem>> -> memref<1x64xi32, #tpu.memory_space<vmem>>
        %dma_wait3A_217 = tpu.memref_squeeze %dma_wait3A_216 : memref<1x64xi32, #tpu.memory_space<vmem>> -> memref<64xi32, #tpu.memory_space<vmem>>
        %dma_wait3A_218 = arith.constant 0 : i32
        %dma_wait3A_219 = arith.constant 0 : i32
        %dma_wait3A_220 = tpu.memref_slice %arg2[%dma_wait3A_218, %dma_wait3A_219] : memref<8192x256xf32, #tpu.memory_space<hbm>> -> memref<8192x256xf32, #tpu.memory_space<hbm>>
        tpu.wait_indirect_dma semaphore(%arg12 : memref<!tpu.dma_semaphore, #tpu.memory_space<semaphore_mem>>) src(%dma_wait3A_220 : memref<8192x256xf32, #tpu.memory_space<hbm>>) dst(%dma_wait3A_214 : memref<64x256xf32, #tpu.memory_space<vmem>>)
        %dma_wait3A_221 = arith.constant 1 : i32
        %dma_wait3A_222 = arith.constant 1 : i32
        %dma_wait3A_223 = arith.constant 0 : i32
        %dma_wait3A_224 = arith.constant 0 : i32
        %dma_wait3A_225 = tpu.memref_slice %arg9[%dma_wait3A_222, %dma_wait3A_223, %dma_wait3A_224] : memref<2x64x128xf32, #tpu.memory_space<vmem>> -> memref<1x64x128xf32, #tpu.memory_space<vmem>>
        %dma_wait3A_226 = tpu.memref_squeeze %dma_wait3A_225 : memref<1x64x128xf32, #tpu.memory_space<vmem>> -> memref<64x128xf32, #tpu.memory_space<vmem>>
        %dma_wait3A_227 = arith.constant 0 : i32
        %dma_wait3A_228 = tpu.memref_slice %arg7[%dma_wait3A_221, %dma_wait3A_227] : memref<2x64xi32, #tpu.memory_space<vmem>> -> memref<1x64xi32, #tpu.memory_space<vmem>>
        %dma_wait3A_229 = tpu.memref_squeeze %dma_wait3A_228 : memref<1x64xi32, #tpu.memory_space<vmem>> -> memref<64xi32, #tpu.memory_space<vmem>>
        %dma_wait3A_230 = arith.constant 0 : i32
        %dma_wait3A_231 = arith.constant 0 : i32
        %dma_wait3A_232 = tpu.memref_slice %arg3[%dma_wait3A_230, %dma_wait3A_231] : memref<8192x128xf32, #tpu.memory_space<hbm>> -> memref<8192x128xf32, #tpu.memory_space<hbm>>
        tpu.wait_indirect_dma semaphore(%arg12 : memref<!tpu.dma_semaphore, #tpu.memory_space<semaphore_mem>>) src(%dma_wait3A_232 : memref<8192x128xf32, #tpu.memory_space<hbm>>) dst(%dma_wait3A_226 : memref<64x128xf32, #tpu.memory_space<vmem>>)
        %scan3A_233 = arith.constant 0 : i32
        %scan3A_234 = arith.constant 0 : i32
        %scan3A_235 = arith.constant 64 : i32
        %scan3A_236 = arith.addi %scan3A_234, %scan3A_235 : i32
        %scan3A_237 = arith.constant 1 : i32
        scf.for %scan3A_271 = %scan3A_234 to %scan3A_236 step %scan3A_237  : i32 {
          %get3A = arith.constant 1 : i32
          %get3A_272 = arith.index_cast %get3A : i32 to index
          %get3A_273 = arith.index_cast %scan3A_271 : i32 to index
          %get3A_274 = arith.constant 0 : index
          %get3A_275 = tpu.vector_load %arg9[%get3A_272, %get3A_273, %get3A_274] {strides = array<i32>} : memref<2x64x128xf32, #tpu.memory_space<vmem>>, vector<1x1x16xf32>,
          %get3A_276 = vector.shape_cast %get3A_275 : vector<1x1x16xf32> to vector<16xf32>
          %swap3A = arith.constant 1 : i32
          %swap3A_277 = arith.index_cast %swap3A : i32 to index
          %swap3A_278 = arith.index_cast %scan3A_271 : i32 to index
          %swap3A_279 = arith.constant 0 : index
          %swap3A_280 = tpu.vector_load %arg10[%swap3A_277, %swap3A_278, %swap3A_279] {strides = array<i32>} : memref<2x64x16xf32, #tpu.memory_space<vmem>>, vector<1x1x16xf32>,
          %swap3A_281 = vector.shape_cast %swap3A_280 : vector<1x1x16xf32> to vector<16xf32>
          %swap3A_282 = vector.shape_cast %get3A_276 : vector<16xf32> to vector<1x1x16xf32>
          tpu.vector_store %arg10[%swap3A_277, %swap3A_278, %swap3A_279], %swap3A_282 {strides = array<i32>} : memref<2x64x16xf32, #tpu.memory_space<vmem>>, vector<1x1x16xf32>,
        }
        %scan3A_238 = arith.constant 64 : i32
        %sub3A = arith.constant 1 : i32
        %sub3A_239 = arith.subi %add3A_128, %sub3A : i32
        %mul3A_240 = arith.constant 4096 : i32
        %mul3A_241 = arith.muli %add3A, %mul3A_240 : i32
        %mul3A_242 = arith.constant 64 : i32
        %mul3A_243 = arith.muli %sub3A_239, %mul3A_242 : i32
        %add3A_244 = arith.addi %mul3A_241, %mul3A_243 : i32
        %dma_start3A_245 = arith.constant 1 : i32
        %dma_start3A_246 = arith.constant 0 : i32
        %dma_start3A_247 = arith.constant 0 : i32
        %dma_start3A_248 = tpu.memref_slice %arg8[%dma_start3A_245, %dma_start3A_246, %dma_start3A_247] : memref<2x64x256xf32, #tpu.memory_space<vmem>> -> memref<1x64x256xf32, #tpu.memory_space<vmem>>
        %dma_start3A_249 = tpu.memref_squeeze %dma_start3A_248 : memref<1x64x256xf32, #tpu.memory_space<vmem>> -> memref<64x256xf32, #tpu.memory_space<vmem>>
        %dma_start3A_250 = arith.constant 0 : i32
        %dma_start3A_251 = tpu.memref_slice %arg5[%add3A_244, %dma_start3A_250] : memref<131072x256xf32, #tpu.memory_space<hbm>> -> memref<64x256xf32, #tpu.memory_space<hbm>>
        %dma_start3A_252 = arith.constant 0 : i32
        %dma_start3A_253 = tpu.memref_slice %arg5[%add3A_244, %dma_start3A_252] : memref<131072x256xf32, #tpu.memory_space<hbm>> -> memref<64x256xf32, #tpu.memory_space<hbm>>
        %dma_start3A_254 = arith.constant 0 : i32
        %dma_start3A_255 = arith.constant 0 : i32
        %dma_start3A_256 = tpu.memref_slice %arg8[%dma_start3A_245, %dma_start3A_254, %dma_start3A_255] : memref<2x64x256xf32, #tpu.memory_space<vmem>> -> memref<1x64x256xf32, #tpu.memory_space<vmem>>
        %dma_start3A_257 = tpu.memref_squeeze %dma_start3A_256 : memref<1x64x256xf32, #tpu.memory_space<vmem>> -> memref<64x256xf32, #tpu.memory_space<vmem>>
        tpu.enqueue_dma source(%dma_start3A_257 : memref<64x256xf32, #tpu.memory_space<vmem>>) target(%dma_start3A_253 : memref<64x256xf32, #tpu.memory_space<hbm>>) target_semaphore(%arg14 : memref<!tpu.dma_semaphore, #tpu.memory_space<semaphore_mem>>)
        %dma_start3A_258 = arith.constant 1 : i32
        %dma_start3A_259 = arith.constant 0 : i32
        %dma_start3A_260 = arith.constant 0 : i32
        %dma_start3A_261 = tpu.memref_slice %arg10[%dma_start3A_258, %dma_start3A_259, %dma_start3A_260] : memref<2x64x16xf32, #tpu.memory_space<vmem>> -> memref<1x64x16xf32, #tpu.memory_space<vmem>>
        %dma_start3A_262 = tpu.memref_squeeze %dma_start3A_261 : memref<1x64x16xf32, #tpu.memory_space<vmem>> -> memref<64x16xf32, #tpu.memory_space<vmem>>
        %dma_start3A_263 = arith.constant 0 : i32
        %dma_start3A_264 = tpu.memref_slice %arg6[%add3A_244, %dma_start3A_263] : memref<131072x16xf32, #tpu.memory_space<hbm>> -> memref<64x16xf32, #tpu.memory_space<hbm>>
        %dma_start3A_265 = arith.constant 0 : i32
        %dma_start3A_266 = tpu.memref_slice %arg6[%add3A_244, %dma_start3A_265] : memref<131072x16xf32, #tpu.memory_space<hbm>> -> memref<64x16xf32, #tpu.memory_space<hbm>>
        %dma_start3A_267 = arith.constant 0 : i32
        %dma_start3A_268 = arith.constant 0 : i32
        %dma_start3A_269 = tpu.memref_slice %arg10[%dma_start3A_258, %dma_start3A_267, %dma_start3A_268] : memref<2x64x16xf32, #tpu.memory_space<vmem>> -> memref<1x64x16xf32, #tpu.memory_space<vmem>>
        %dma_start3A_270 = tpu.memref_squeeze %dma_start3A_269 : memref<1x64x16xf32, #tpu.memory_space<vmem>> -> memref<64x16xf32, #tpu.memory_space<vmem>>
        tpu.enqueue_dma source(%dma_start3A_270 : memref<64x16xf32, #tpu.memory_space<vmem>>) target(%dma_start3A_266 : memref<64x16xf32, #tpu.memory_space<hbm>>) target_semaphore(%arg14 : memref<!tpu.dma_semaphore, #tpu.memory_space<semaphore_mem>>)
      } else {
      }
      %mul3A_165 = arith.constant 2 : i32
      %mul3A_166 = arith.muli %mul3A_165, %scan3A_124 : i32
      %add3A_167 = arith.constant 1 : i32
      %add3A_168 = arith.addi %mul3A_166, %add3A_167 : i32
      %ge3A_169 = arith.constant 2 : i32
      %ge3A_170 = arith.cmpi sge, %add3A_168, %ge3A_169 : i32
      %convert_element_type3A_171 = arith.extui %ge3A_170 : i1 to i32
      %cond3A_172 = arith.constant 0 : i32
      %cond3A_173 = arith.cmpi ne, %convert_element_type3A_171, %cond3A_172 : i32
      scf.if %cond3A_173 {
        %sub3A = arith.constant 2 : i32
        %sub3A_209 = arith.subi %add3A_168, %sub3A : i32
        %mul3A_210 = arith.constant 4096 : i32
        %mul3A_211 = arith.muli %add3A, %mul3A_210 : i32
        %mul3A_212 = arith.constant 64 : i32
        %mul3A_213 = arith.muli %sub3A_209, %mul3A_212 : i32
        %add3A_214 = arith.addi %mul3A_211, %mul3A_213 : i32
        %dma_wait3A_215 = arith.constant 1 : i32
        %dma_wait3A_216 = arith.constant 0 : i32
        %dma_wait3A_217 = arith.constant 0 : i32
        %dma_wait3A_218 = tpu.memref_slice %arg8[%dma_wait3A_215, %dma_wait3A_216, %dma_wait3A_217] : memref<2x64x256xf32, #tpu.memory_space<vmem>> -> memref<1x64x256xf32, #tpu.memory_space<vmem>>
        %dma_wait3A_219 = tpu.memref_squeeze %dma_wait3A_218 : memref<1x64x256xf32, #tpu.memory_space<vmem>> -> memref<64x256xf32, #tpu.memory_space<vmem>>
        %dma_wait3A_220 = arith.constant 0 : i32
        %dma_wait3A_221 = tpu.memref_slice %arg5[%add3A_214, %dma_wait3A_220] : memref<131072x256xf32, #tpu.memory_space<hbm>> -> memref<64x256xf32, #tpu.memory_space<hbm>>
        %dma_wait3A_222 = arith.constant 0 : i32
        %dma_wait3A_223 = tpu.memref_slice %arg5[%add3A_214, %dma_wait3A_222] : memref<131072x256xf32, #tpu.memory_space<hbm>> -> memref<64x256xf32, #tpu.memory_space<hbm>>
        %dma_wait3A_224 = arith.constant 0 : i32
        %dma_wait3A_225 = arith.constant 0 : i32
        %dma_wait3A_226 = tpu.memref_slice %arg8[%dma_wait3A_215, %dma_wait3A_224, %dma_wait3A_225] : memref<2x64x256xf32, #tpu.memory_space<vmem>> -> memref<1x64x256xf32, #tpu.memory_space<vmem>>
        %dma_wait3A_227 = tpu.memref_squeeze %dma_wait3A_226 : memref<1x64x256xf32, #tpu.memory_space<vmem>> -> memref<64x256xf32, #tpu.memory_space<vmem>>
        tpu.wait_dma2 semaphore(%arg14 : memref<!tpu.dma_semaphore, #tpu.memory_space<semaphore_mem>>) src(%dma_wait3A_227 : memref<64x256xf32, #tpu.memory_space<vmem>>) dst(%dma_wait3A_223 : memref<64x256xf32, #tpu.memory_space<hbm>>)
        %dma_wait3A_228 = arith.constant 1 : i32
        %dma_wait3A_229 = arith.constant 0 : i32
        %dma_wait3A_230 = arith.constant 0 : i32
        %dma_wait3A_231 = tpu.memref_slice %arg10[%dma_wait3A_228, %dma_wait3A_229, %dma_wait3A_230] : memref<2x64x16xf32, #tpu.memory_space<vmem>> -> memref<1x64x16xf32, #tpu.memory_space<vmem>>
        %dma_wait3A_232 = tpu.memref_squeeze %dma_wait3A_231 : memref<1x64x16xf32, #tpu.memory_space<vmem>> -> memref<64x16xf32, #tpu.memory_space<vmem>>
        %dma_wait3A_233 = arith.constant 0 : i32
        %dma_wait3A_234 = tpu.memref_slice %arg6[%add3A_214, %dma_wait3A_233] : memref<131072x16xf32, #tpu.memory_space<hbm>> -> memref<64x16xf32, #tpu.memory_space<hbm>>
        %dma_wait3A_235 = arith.constant 0 : i32
        %dma_wait3A_236 = tpu.memref_slice %arg6[%add3A_214, %dma_wait3A_235] : memref<131072x16xf32, #tpu.memory_space<hbm>> -> memref<64x16xf32, #tpu.memory_space<hbm>>
        %dma_wait3A_237 = arith.constant 0 : i32
        %dma_wait3A_238 = arith.constant 0 : i32
        %dma_wait3A_239 = tpu.memref_slice %arg10[%dma_wait3A_228, %dma_wait3A_237, %dma_wait3A_238] : memref<2x64x16xf32, #tpu.memory_space<vmem>> -> memref<1x64x16xf32, #tpu.memory_space<vmem>>
        %dma_wait3A_240 = tpu.memref_squeeze %dma_wait3A_239 : memref<1x64x16xf32, #tpu.memory_space<vmem>> -> memref<64x16xf32, #tpu.memory_space<vmem>>
        tpu.wait_dma2 semaphore(%arg14 : memref<!tpu.dma_semaphore, #tpu.memory_space<semaphore_mem>>) src(%dma_wait3A_240 : memref<64x16xf32, #tpu.memory_space<vmem>>) dst(%dma_wait3A_236 : memref<64x16xf32, #tpu.memory_space<hbm>>)
      } else {
      }
      %mul3A_174 = arith.constant 4096 : i32
      %mul3A_175 = arith.muli %add3A, %mul3A_174 : i32
      %mul3A_176 = arith.constant 64 : i32
      %mul3A_177 = arith.muli %add3A_168, %mul3A_176 : i32
      %add3A_178 = arith.addi %mul3A_175, %mul3A_177 : i32
      %run_scoped3A_179 = arith.constant 1 : i32
      "tpu.region"() ({
        %run_scoped3A_209 = tpu.sem_alloc : memref<!tpu.dma_semaphore, #tpu.memory_space<semaphore_mem>>
        %dma_start3A_210 = arith.constant 0 : i32
        %dma_start3A_211 = tpu.memref_slice %arg7[%run_scoped3A_179, %dma_start3A_210] : memref<2x64xi32, #tpu.memory_space<vmem>> -> memref<1x64xi32, #tpu.memory_space<vmem>>
        %dma_start3A_212 = tpu.memref_squeeze %dma_start3A_211 : memref<1x64xi32, #tpu.memory_space<vmem>> -> memref<64xi32, #tpu.memory_space<vmem>>
        %dma_start3A_213 = tpu.memref_slice %arg4[%add3A_178] : memref<131072xi32, #tpu.memory_space<hbm>> -> memref<64xi32, #tpu.memory_space<hbm>>
        %dma_start3A_214 = arith.constant 0 : i32
        %dma_start3A_215 = tpu.memref_slice %arg7[%run_scoped3A_179, %dma_start3A_214] : memref<2x64xi32, #tpu.memory_space<vmem>> -> memref<1x64xi32, #tpu.memory_space<vmem>>
        %dma_start3A_216 = tpu.memref_squeeze %dma_start3A_215 : memref<1x64xi32, #tpu.memory_space<vmem>> -> memref<64xi32, #tpu.memory_space<vmem>>
        %dma_start3A_217 = tpu.memref_slice %arg4[%add3A_178] : memref<131072xi32, #tpu.memory_space<hbm>> -> memref<64xi32, #tpu.memory_space<hbm>>
        tpu.enqueue_dma source(%dma_start3A_217 : memref<64xi32, #tpu.memory_space<hbm>>) target(%dma_start3A_216 : memref<64xi32, #tpu.memory_space<vmem>>) target_semaphore(%run_scoped3A_209 : memref<!tpu.dma_semaphore, #tpu.memory_space<semaphore_mem>>)
        %dma_wait3A_218 = arith.constant 0 : i32
        %dma_wait3A_219 = tpu.memref_slice %arg7[%run_scoped3A_179, %dma_wait3A_218] : memref<2x64xi32, #tpu.memory_space<vmem>> -> memref<1x64xi32, #tpu.memory_space<vmem>>
        %dma_wait3A_220 = tpu.memref_squeeze %dma_wait3A_219 : memref<1x64xi32, #tpu.memory_space<vmem>> -> memref<64xi32, #tpu.memory_space<vmem>>
        %dma_wait3A_221 = tpu.memref_slice %arg4[%add3A_178] : memref<131072xi32, #tpu.memory_space<hbm>> -> memref<64xi32, #tpu.memory_space<hbm>>
        %dma_wait3A_222 = arith.constant 0 : i32
        %dma_wait3A_223 = tpu.memref_slice %arg7[%run_scoped3A_179, %dma_wait3A_222] : memref<2x64xi32, #tpu.memory_space<vmem>> -> memref<1x64xi32, #tpu.memory_space<vmem>>
        %dma_wait3A_224 = tpu.memref_squeeze %dma_wait3A_223 : memref<1x64xi32, #tpu.memory_space<vmem>> -> memref<64xi32, #tpu.memory_space<vmem>>
        %dma_wait3A_225 = tpu.memref_slice %arg4[%add3A_178] : memref<131072xi32, #tpu.memory_space<hbm>> -> memref<64xi32, #tpu.memory_space<hbm>>
        tpu.wait_dma2 semaphore(%run_scoped3A_209 : memref<!tpu.dma_semaphore, #tpu.memory_space<semaphore_mem>>) src(%dma_wait3A_225 : memref<64xi32, #tpu.memory_space<hbm>>) dst(%dma_wait3A_224 : memref<64xi32, #tpu.memory_space<vmem>>)
        tpu.yield
      }) : () -> ()
      %dma_start3A_180 = arith.constant 1 : i32
      %dma_start3A_181 = arith.constant 1 : i32
      %dma_start3A_182 = arith.constant 0 : i32
      %dma_start3A_183 = arith.constant 0 : i32
      %dma_start3A_184 = tpu.memref_slice %arg8[%dma_start3A_181, %dma_start3A_182, %dma_start3A_183] : memref<2x64x256xf32, #tpu.memory_space<vmem>> -> memref<1x64x256xf32, #tpu.memory_space<vmem>>
      %dma_start3A_185 = tpu.memref_squeeze %dma_start3A_184 : memref<1x64x256xf32, #tpu.memory_space<vmem>> -> memref<64x256xf32, #tpu.memory_space<vmem>>
      %dma_start3A_186 = arith.constant 0 : i32
      %dma_start3A_187 = tpu.memref_slice %arg7[%dma_start3A_180, %dma_start3A_186] : memref<2x64xi32, #tpu.memory_space<vmem>> -> memref<1x64xi32, #tpu.memory_space<vmem>>
      %dma_start3A_188 = tpu.memref_squeeze %dma_start3A_187 : memref<1x64xi32, #tpu.memory_space<vmem>> -> memref<64xi32, #tpu.memory_space<vmem>>
      %dma_start3A_189 = arith.constant 0 : i32
      %dma_start3A_190 = arith.constant 0 : i32
      %dma_start3A_191 = tpu.memref_slice %arg2[%dma_start3A_189, %dma_start3A_190] : memref<8192x256xf32, #tpu.memory_space<hbm>> -> memref<8192x256xf32, #tpu.memory_space<hbm>>
      tpu.enqueue_indirect_dma source(%dma_start3A_191 : memref<8192x256xf32, #tpu.memory_space<hbm>>) target(%dma_start3A_185 : memref<64x256xf32, #tpu.memory_space<vmem>>) offsets(%dma_start3A_188 : memref<64xi32, #tpu.memory_space<vmem>>) semaphore(%arg12 : memref<!tpu.dma_semaphore, #tpu.memory_space<semaphore_mem>>)
      %dma_start3A_192 = arith.constant 1 : i32
      %dma_start3A_193 = arith.constant 1 : i32
      %dma_start3A_194 = arith.constant 0 : i32
      %dma_start3A_195 = arith.constant 0 : i32
      %dma_start3A_196 = tpu.memref_slice %arg9[%dma_start3A_193, %dma_start3A_194, %dma_start3A_195] : memref<2x64x128xf32, #tpu.memory_space<vmem>> -> memref<1x64x128xf32, #tpu.memory_space<vmem>>
      %dma_start3A_197 = tpu.memref_squeeze %dma_start3A_196 : memref<1x64x128xf32, #tpu.memory_space<vmem>> -> memref<64x128xf32, #tpu.memory_space<vmem>>
      %dma_start3A_198 = arith.constant 0 : i32
      %dma_start3A_199 = tpu.memref_slice %arg7[%dma_start3A_192, %dma_start3A_198] : memref<2x64xi32, #tpu.memory_space<vmem>> -> memref<1x64xi32, #tpu.memory_space<vmem>>
      %dma_start3A_200 = tpu.memref_squeeze %dma_start3A_199 : memref<1x64xi32, #tpu.memory_space<vmem>> -> memref<64xi32, #tpu.memory_space<vmem>>
      %dma_start3A_201 = arith.constant 0 : i32
      %dma_start3A_202 = arith.constant 0 : i32
      %dma_start3A_203 = tpu.memref_slice %arg3[%dma_start3A_201, %dma_start3A_202] : memref<8192x128xf32, #tpu.memory_space<hbm>> -> memref<8192x128xf32, #tpu.memory_space<hbm>>
      tpu.enqueue_indirect_dma source(%dma_start3A_203 : memref<8192x128xf32, #tpu.memory_space<hbm>>) target(%dma_start3A_197 : memref<64x128xf32, #tpu.memory_space<vmem>>) offsets(%dma_start3A_200 : memref<64xi32, #tpu.memory_space<vmem>>) semaphore(%arg12 : memref<!tpu.dma_semaphore, #tpu.memory_space<semaphore_mem>>)
      %ge3A_204 = arith.constant 1 : i32
      %ge3A_205 = arith.cmpi sge, %add3A_168, %ge3A_204 : i32
      %convert_element_type3A_206 = arith.extui %ge3A_205 : i1 to i32
      %cond3A_207 = arith.constant 0 : i32
      %cond3A_208 = arith.cmpi ne, %convert_element_type3A_206, %cond3A_207 : i32
      scf.if %cond3A_208 {
        %dma_wait3A_209 = arith.constant 0 : i32
        %dma_wait3A_210 = arith.constant 0 : i32
        %dma_wait3A_211 = arith.constant 0 : i32
        %dma_wait3A_212 = arith.constant 0 : i32
        %dma_wait3A_213 = tpu.memref_slice %arg8[%dma_wait3A_210, %dma_wait3A_211, %dma_wait3A_212] : memref<2x64x256xf32, #tpu.memory_space<vmem>> -> memref<1x64x256xf32, #tpu.memory_space<vmem>>
        %dma_wait3A_214 = tpu.memref_squeeze %dma_wait3A_213 : memref<1x64x256xf32, #tpu.memory_space<vmem>> -> memref<64x256xf32, #tpu.memory_space<vmem>>
        %dma_wait3A_215 = arith.constant 0 : i32
        %dma_wait3A_216 = tpu.memref_slice %arg7[%dma_wait3A_209, %dma_wait3A_215] : memref<2x64xi32, #tpu.memory_space<vmem>> -> memref<1x64xi32, #tpu.memory_space<vmem>>
        %dma_wait3A_217 = tpu.memref_squeeze %dma_wait3A_216 : memref<1x64xi32, #tpu.memory_space<vmem>> -> memref<64xi32, #tpu.memory_space<vmem>>
        %dma_wait3A_218 = arith.constant 0 : i32
        %dma_wait3A_219 = arith.constant 0 : i32
        %dma_wait3A_220 = tpu.memref_slice %arg2[%dma_wait3A_218, %dma_wait3A_219] : memref<8192x256xf32, #tpu.memory_space<hbm>> -> memref<8192x256xf32, #tpu.memory_space<hbm>>
        tpu.wait_indirect_dma semaphore(%arg11 : memref<!tpu.dma_semaphore, #tpu.memory_space<semaphore_mem>>) src(%dma_wait3A_220 : memref<8192x256xf32, #tpu.memory_space<hbm>>) dst(%dma_wait3A_214 : memref<64x256xf32, #tpu.memory_space<vmem>>)
        %dma_wait3A_221 = arith.constant 0 : i32
        %dma_wait3A_222 = arith.constant 0 : i32
        %dma_wait3A_223 = arith.constant 0 : i32
        %dma_wait3A_224 = arith.constant 0 : i32
        %dma_wait3A_225 = tpu.memref_slice %arg9[%dma_wait3A_222, %dma_wait3A_223, %dma_wait3A_224] : memref<2x64x128xf32, #tpu.memory_space<vmem>> -> memref<1x64x128xf32, #tpu.memory_space<vmem>>
        %dma_wait3A_226 = tpu.memref_squeeze %dma_wait3A_225 : memref<1x64x128xf32, #tpu.memory_space<vmem>> -> memref<64x128xf32, #tpu.memory_space<vmem>>
        %dma_wait3A_227 = arith.constant 0 : i32
        %dma_wait3A_228 = tpu.memref_slice %arg7[%dma_wait3A_221, %dma_wait3A_227] : memref<2x64xi32, #tpu.memory_space<vmem>> -> memref<1x64xi32, #tpu.memory_space<vmem>>
        %dma_wait3A_229 = tpu.memref_squeeze %dma_wait3A_228 : memref<1x64xi32, #tpu.memory_space<vmem>> -> memref<64xi32, #tpu.memory_space<vmem>>
        %dma_wait3A_230 = arith.constant 0 : i32
        %dma_wait3A_231 = arith.constant 0 : i32
        %dma_wait3A_232 = tpu.memref_slice %arg3[%dma_wait3A_230, %dma_wait3A_231] : memref<8192x128xf32, #tpu.memory_space<hbm>> -> memref<8192x128xf32, #tpu.memory_space<hbm>>
        tpu.wait_indirect_dma semaphore(%arg11 : memref<!tpu.dma_semaphore, #tpu.memory_space<semaphore_mem>>) src(%dma_wait3A_232 : memref<8192x128xf32, #tpu.memory_space<hbm>>) dst(%dma_wait3A_226 : memref<64x128xf32, #tpu.memory_space<vmem>>)
        %scan3A_233 = arith.constant 0 : i32
        %scan3A_234 = arith.constant 0 : i32
        %scan3A_235 = arith.constant 64 : i32
        %scan3A_236 = arith.addi %scan3A_234, %scan3A_235 : i32
        %scan3A_237 = arith.constant 1 : i32
        scf.for %scan3A_271 = %scan3A_234 to %scan3A_236 step %scan3A_237  : i32 {
          %get3A = arith.constant 0 : i32
          %get3A_272 = arith.index_cast %get3A : i32 to index
          %get3A_273 = arith.index_cast %scan3A_271 : i32 to index
          %get3A_274 = arith.constant 0 : index
          %get3A_275 = tpu.vector_load %arg9[%get3A_272, %get3A_273, %get3A_274] {strides = array<i32>} : memref<2x64x128xf32, #tpu.memory_space<vmem>>, vector<1x1x16xf32>,
          %get3A_276 = vector.shape_cast %get3A_275 : vector<1x1x16xf32> to vector<16xf32>
          %swap3A = arith.constant 0 : i32
          %swap3A_277 = arith.index_cast %swap3A : i32 to index
          %swap3A_278 = arith.index_cast %scan3A_271 : i32 to index
          %swap3A_279 = arith.constant 0 : index
          %swap3A_280 = tpu.vector_load %arg10[%swap3A_277, %swap3A_278, %swap3A_279] {strides = array<i32>} : memref<2x64x16xf32, #tpu.memory_space<vmem>>, vector<1x1x16xf32>,
          %swap3A_281 = vector.shape_cast %swap3A_280 : vector<1x1x16xf32> to vector<16xf32>
          %swap3A_282 = vector.shape_cast %get3A_276 : vector<16xf32> to vector<1x1x16xf32>
          tpu.vector_store %arg10[%swap3A_277, %swap3A_278, %swap3A_279], %swap3A_282 {strides = array<i32>} : memref<2x64x16xf32, #tpu.memory_space<vmem>>, vector<1x1x16xf32>,
        }
        %scan3A_238 = arith.constant 64 : i32
        %sub3A = arith.constant 1 : i32
        %sub3A_239 = arith.subi %add3A_168, %sub3A : i32
        %mul3A_240 = arith.constant 4096 : i32
        %mul3A_241 = arith.muli %add3A, %mul3A_240 : i32
        %mul3A_242 = arith.constant 64 : i32
        %mul3A_243 = arith.muli %sub3A_239, %mul3A_242 : i32
        %add3A_244 = arith.addi %mul3A_241, %mul3A_243 : i32
        %dma_start3A_245 = arith.constant 0 : i32
        %dma_start3A_246 = arith.constant 0 : i32
        %dma_start3A_247 = arith.constant 0 : i32
        %dma_start3A_248 = tpu.memref_slice %arg8[%dma_start3A_245, %dma_start3A_246, %dma_start3A_247] : memref<2x64x256xf32, #tpu.memory_space<vmem>> -> memref<1x64x256xf32, #tpu.memory_space<vmem>>
        %dma_start3A_249 = tpu.memref_squeeze %dma_start3A_248 : memref<1x64x256xf32, #tpu.memory_space<vmem>> -> memref<64x256xf32, #tpu.memory_space<vmem>>
        %dma_start3A_250 = arith.constant 0 : i32
        %dma_start3A_251 = tpu.memref_slice %arg5[%add3A_244, %dma_start3A_250] : memref<131072x256xf32, #tpu.memory_space<hbm>> -> memref<64x256xf32, #tpu.memory_space<hbm>>
        %dma_start3A_252 = arith.constant 0 : i32
        %dma_start3A_253 = tpu.memref_slice %arg5[%add3A_244, %dma_start3A_252] : memref<131072x256xf32, #tpu.memory_space<hbm>> -> memref<64x256xf32, #tpu.memory_space<hbm>>
        %dma_start3A_254 = arith.constant 0 : i32
        %dma_start3A_255 = arith.constant 0 : i32
        %dma_start3A_256 = tpu.memref_slice %arg8[%dma_start3A_245, %dma_start3A_254, %dma_start3A_255] : memref<2x64x256xf32, #tpu.memory_space<vmem>> -> memref<1x64x256xf32, #tpu.memory_space<vmem>>
        %dma_start3A_257 = tpu.memref_squeeze %dma_start3A_256 : memref<1x64x256xf32, #tpu.memory_space<vmem>> -> memref<64x256xf32, #tpu.memory_space<vmem>>
        tpu.enqueue_dma source(%dma_start3A_257 : memref<64x256xf32, #tpu.memory_space<vmem>>) target(%dma_start3A_253 : memref<64x256xf32, #tpu.memory_space<hbm>>) target_semaphore(%arg13 : memref<!tpu.dma_semaphore, #tpu.memory_space<semaphore_mem>>)
        %dma_start3A_258 = arith.constant 0 : i32
        %dma_start3A_259 = arith.constant 0 : i32
        %dma_start3A_260 = arith.constant 0 : i32
        %dma_start3A_261 = tpu.memref_slice %arg10[%dma_start3A_258, %dma_start3A_259, %dma_start3A_260] : memref<2x64x16xf32, #tpu.memory_space<vmem>> -> memref<1x64x16xf32, #tpu.memory_space<vmem>>
        %dma_start3A_262 = tpu.memref_squeeze %dma_start3A_261 : memref<1x64x16xf32, #tpu.memory_space<vmem>> -> memref<64x16xf32, #tpu.memory_space<vmem>>
        %dma_start3A_263 = arith.constant 0 : i32
        %dma_start3A_264 = tpu.memref_slice %arg6[%add3A_244, %dma_start3A_263] : memref<131072x16xf32, #tpu.memory_space<hbm>> -> memref<64x16xf32, #tpu.memory_space<hbm>>
        %dma_start3A_265 = arith.constant 0 : i32
        %dma_start3A_266 = tpu.memref_slice %arg6[%add3A_244, %dma_start3A_265] : memref<131072x16xf32, #tpu.memory_space<hbm>> -> memref<64x16xf32, #tpu.memory_space<hbm>>
        %dma_start3A_267 = arith.constant 0 : i32
        %dma_start3A_268 = arith.constant 0 : i32
        %dma_start3A_269 = tpu.memref_slice %arg10[%dma_start3A_258, %dma_start3A_267, %dma_start3A_268] : memref<2x64x16xf32, #tpu.memory_space<vmem>> -> memref<1x64x16xf32, #tpu.memory_space<vmem>>
        %dma_start3A_270 = tpu.memref_squeeze %dma_start3A_269 : memref<1x64x16xf32, #tpu.memory_space<vmem>> -> memref<64x16xf32, #tpu.memory_space<vmem>>
        tpu.enqueue_dma source(%dma_start3A_270 : memref<64x16xf32, #tpu.memory_space<vmem>>) target(%dma_start3A_266 : memref<64x16xf32, #tpu.memory_space<hbm>>) target_semaphore(%arg13 : memref<!tpu.dma_semaphore, #tpu.memory_space<semaphore_mem>>)
      } else {
      }
    }
    %scan3A_5 = arith.constant 32 : i32
    %dma_wait3A = arith.constant 1 : i32
    %dma_wait3A_6 = arith.constant 1 : i32
    %dma_wait3A_7 = arith.constant 0 : i32
    %dma_wait3A_8 = arith.constant 0 : i32
    %dma_wait3A_9 = tpu.memref_slice %arg8[%dma_wait3A_6, %dma_wait3A_7, %dma_wait3A_8] : memref<2x64x256xf32, #tpu.memory_space<vmem>> -> memref<1x64x256xf32, #tpu.memory_space<vmem>>
    %dma_wait3A_10 = tpu.memref_squeeze %dma_wait3A_9 : memref<1x64x256xf32, #tpu.memory_space<vmem>> -> memref<64x256xf32, #tpu.memory_space<vmem>>
    %dma_wait3A_11 = arith.constant 0 : i32
    %dma_wait3A_12 = tpu.memref_slice %arg7[%dma_wait3A, %dma_wait3A_11] : memref<2x64xi32, #tpu.memory_space<vmem>> -> memref<1x64xi32, #tpu.memory_space<vmem>>
    %dma_wait3A_13 = tpu.memref_squeeze %dma_wait3A_12 : memref<1x64xi32, #tpu.memory_space<vmem>> -> memref<64xi32, #tpu.memory_space<vmem>>
    %dma_wait3A_14 = arith.constant 0 : i32
    %dma_wait3A_15 = arith.constant 0 : i32
    %dma_wait3A_16 = tpu.memref_slice %arg2[%dma_wait3A_14, %dma_wait3A_15] : memref<8192x256xf32, #tpu.memory_space<hbm>> -> memref<8192x256xf32, #tpu.memory_space<hbm>>
    tpu.wait_indirect_dma semaphore(%arg12 : memref<!tpu.dma_semaphore, #tpu.memory_space<semaphore_mem>>) src(%dma_wait3A_16 : memref<8192x256xf32, #tpu.memory_space<hbm>>) dst(%dma_wait3A_10 : memref<64x256xf32, #tpu.memory_space<vmem>>)
    %dma_wait3A_17 = arith.constant 1 : i32
    %dma_wait3A_18 = arith.constant 1 : i32
    %dma_wait3A_19 = arith.constant 0 : i32
    %dma_wait3A_20 = arith.constant 0 : i32
    %dma_wait3A_21 = tpu.memref_slice %arg9[%dma_wait3A_18, %dma_wait3A_19, %dma_wait3A_20] : memref<2x64x128xf32, #tpu.memory_space<vmem>> -> memref<1x64x128xf32, #tpu.memory_space<vmem>>
    %dma_wait3A_22 = tpu.memref_squeeze %dma_wait3A_21 : memref<1x64x128xf32, #tpu.memory_space<vmem>> -> memref<64x128xf32, #tpu.memory_space<vmem>>
    %dma_wait3A_23 = arith.constant 0 : i32
    %dma_wait3A_24 = tpu.memref_slice %arg7[%dma_wait3A_17, %dma_wait3A_23] : memref<2x64xi32, #tpu.memory_space<vmem>> -> memref<1x64xi32, #tpu.memory_space<vmem>>
    %dma_wait3A_25 = tpu.memref_squeeze %dma_wait3A_24 : memref<1x64xi32, #tpu.memory_space<vmem>> -> memref<64xi32, #tpu.memory_space<vmem>>
    %dma_wait3A_26 = arith.constant 0 : i32
    %dma_wait3A_27 = arith.constant 0 : i32
    %dma_wait3A_28 = tpu.memref_slice %arg3[%dma_wait3A_26, %dma_wait3A_27] : memref<8192x128xf32, #tpu.memory_space<hbm>> -> memref<8192x128xf32, #tpu.memory_space<hbm>>
    tpu.wait_indirect_dma semaphore(%arg12 : memref<!tpu.dma_semaphore, #tpu.memory_space<semaphore_mem>>) src(%dma_wait3A_28 : memref<8192x128xf32, #tpu.memory_space<hbm>>) dst(%dma_wait3A_22 : memref<64x128xf32, #tpu.memory_space<vmem>>)
    %scan3A_29 = arith.constant 0 : i32
    %scan3A_30 = arith.constant 0 : i32
    %scan3A_31 = arith.constant 64 : i32
    %scan3A_32 = arith.addi %scan3A_30, %scan3A_31 : i32
    %scan3A_33 = arith.constant 1 : i32
    scf.for %scan3A_124 = %scan3A_30 to %scan3A_32 step %scan3A_33  : i32 {
      %get3A = arith.constant 1 : i32
      %get3A_125 = arith.index_cast %get3A : i32 to index
      %get3A_126 = arith.index_cast %scan3A_124 : i32 to index
      %get3A_127 = arith.constant 0 : index
      %get3A_128 = tpu.vector_load %arg9[%get3A_125, %get3A_126, %get3A_127] {strides = array<i32>} : memref<2x64x128xf32, #tpu.memory_space<vmem>>, vector<1x1x16xf32>,
      %get3A_129 = vector.shape_cast %get3A_128 : vector<1x1x16xf32> to vector<16xf32>
      %swap3A = arith.constant 1 : i32
      %swap3A_130 = arith.index_cast %swap3A : i32 to index
      %swap3A_131 = arith.index_cast %scan3A_124 : i32 to index
      %swap3A_132 = arith.constant 0 : index
      %swap3A_133 = tpu.vector_load %arg10[%swap3A_130, %swap3A_131, %swap3A_132] {strides = array<i32>} : memref<2x64x16xf32, #tpu.memory_space<vmem>>, vector<1x1x16xf32>,
      %swap3A_134 = vector.shape_cast %swap3A_133 : vector<1x1x16xf32> to vector<16xf32>
      %swap3A_135 = vector.shape_cast %get3A_129 : vector<16xf32> to vector<1x1x16xf32>
      tpu.vector_store %arg10[%swap3A_130, %swap3A_131, %swap3A_132], %swap3A_135 {strides = array<i32>} : memref<2x64x16xf32, #tpu.memory_space<vmem>>, vector<1x1x16xf32>,
    }
    %scan3A_34 = arith.constant 64 : i32
    %mul3A_35 = arith.constant 4096 : i32
    %mul3A_36 = arith.muli %add3A, %mul3A_35 : i32
    %add3A_37 = arith.constant 4032 : i32
    %add3A_38 = arith.addi %mul3A_36, %add3A_37 : i32
    %dma_start3A = arith.constant 1 : i32
    %dma_start3A_39 = arith.constant 0 : i32
    %dma_start3A_40 = arith.constant 0 : i32
    %dma_start3A_41 = tpu.memref_slice %arg8[%dma_start3A, %dma_start3A_39, %dma_start3A_40] : memref<2x64x256xf32, #tpu.memory_space<vmem>> -> memref<1x64x256xf32, #tpu.memory_space<vmem>>
    %dma_start3A_42 = tpu.memref_squeeze %dma_start3A_41 : memref<1x64x256xf32, #tpu.memory_space<vmem>> -> memref<64x256xf32, #tpu.memory_space<vmem>>
    %dma_start3A_43 = arith.constant 0 : i32
    %dma_start3A_44 = tpu.memref_slice %arg5[%add3A_38, %dma_start3A_43] : memref<131072x256xf32, #tpu.memory_space<hbm>> -> memref<64x256xf32, #tpu.memory_space<hbm>>
    %dma_start3A_45 = arith.constant 0 : i32
    %dma_start3A_46 = tpu.memref_slice %arg5[%add3A_38, %dma_start3A_45] : memref<131072x256xf32, #tpu.memory_space<hbm>> -> memref<64x256xf32, #tpu.memory_space<hbm>>
    %dma_start3A_47 = arith.constant 0 : i32
    %dma_start3A_48 = arith.constant 0 : i32
    %dma_start3A_49 = tpu.memref_slice %arg8[%dma_start3A, %dma_start3A_47, %dma_start3A_48] : memref<2x64x256xf32, #tpu.memory_space<vmem>> -> memref<1x64x256xf32, #tpu.memory_space<vmem>>
    %dma_start3A_50 = tpu.memref_squeeze %dma_start3A_49 : memref<1x64x256xf32, #tpu.memory_space<vmem>> -> memref<64x256xf32, #tpu.memory_space<vmem>>
    tpu.enqueue_dma source(%dma_start3A_50 : memref<64x256xf32, #tpu.memory_space<vmem>>) target(%dma_start3A_46 : memref<64x256xf32, #tpu.memory_space<hbm>>) target_semaphore(%arg14 : memref<!tpu.dma_semaphore, #tpu.memory_space<semaphore_mem>>)
    %dma_start3A_51 = arith.constant 1 : i32
    %dma_start3A_52 = arith.constant 0 : i32
    %dma_start3A_53 = arith.constant 0 : i32
    %dma_start3A_54 = tpu.memref_slice %arg10[%dma_start3A_51, %dma_start3A_52, %dma_start3A_53] : memref<2x64x16xf32, #tpu.memory_space<vmem>> -> memref<1x64x16xf32, #tpu.memory_space<vmem>>
    %dma_start3A_55 = tpu.memref_squeeze %dma_start3A_54 : memref<1x64x16xf32, #tpu.memory_space<vmem>> -> memref<64x16xf32, #tpu.memory_space<vmem>>
    %dma_start3A_56 = arith.constant 0 : i32
    %dma_start3A_57 = tpu.memref_slice %arg6[%add3A_38, %dma_start3A_56] : memref<131072x16xf32, #tpu.memory_space<hbm>> -> memref<64x16xf32, #tpu.memory_space<hbm>>
    %dma_start3A_58 = arith.constant 0 : i32
    %dma_start3A_59 = tpu.memref_slice %arg6[%add3A_38, %dma_start3A_58] : memref<131072x16xf32, #tpu.memory_space<hbm>> -> memref<64x16xf32, #tpu.memory_space<hbm>>
    %dma_start3A_60 = arith.constant 0 : i32
    %dma_start3A_61 = arith.constant 0 : i32
    %dma_start3A_62 = tpu.memref_slice %arg10[%dma_start3A_51, %dma_start3A_60, %dma_start3A_61] : memref<2x64x16xf32, #tpu.memory_space<vmem>> -> memref<1x64x16xf32, #tpu.memory_space<vmem>>
    %dma_start3A_63 = tpu.memref_squeeze %dma_start3A_62 : memref<1x64x16xf32, #tpu.memory_space<vmem>> -> memref<64x16xf32, #tpu.memory_space<vmem>>
    tpu.enqueue_dma source(%dma_start3A_63 : memref<64x16xf32, #tpu.memory_space<vmem>>) target(%dma_start3A_59 : memref<64x16xf32, #tpu.memory_space<hbm>>) target_semaphore(%arg14 : memref<!tpu.dma_semaphore, #tpu.memory_space<semaphore_mem>>)
    %mul3A_64 = arith.constant 4096 : i32
    %mul3A_65 = arith.muli %add3A, %mul3A_64 : i32
    %add3A_66 = arith.constant 3968 : i32
    %add3A_67 = arith.addi %mul3A_65, %add3A_66 : i32
    %dma_wait3A_68 = arith.constant 0 : i32
    %dma_wait3A_69 = arith.constant 0 : i32
    %dma_wait3A_70 = arith.constant 0 : i32
    %dma_wait3A_71 = tpu.memref_slice %arg8[%dma_wait3A_68, %dma_wait3A_69, %dma_wait3A_70] : memref<2x64x256xf32, #tpu.memory_space<vmem>> -> memref<1x64x256xf32, #tpu.memory_space<vmem>>
    %dma_wait3A_72 = tpu.memref_squeeze %dma_wait3A_71 : memref<1x64x256xf32, #tpu.memory_space<vmem>> -> memref<64x256xf32, #tpu.memory_space<vmem>>
    %dma_wait3A_73 = arith.constant 0 : i32
    %dma_wait3A_74 = tpu.memref_slice %arg5[%add3A_67, %dma_wait3A_73] : memref<131072x256xf32, #tpu.memory_space<hbm>> -> memref<64x256xf32, #tpu.memory_space<hbm>>
    %dma_wait3A_75 = arith.constant 0 : i32
    %dma_wait3A_76 = tpu.memref_slice %arg5[%add3A_67, %dma_wait3A_75] : memref<131072x256xf32, #tpu.memory_space<hbm>> -> memref<64x256xf32, #tpu.memory_space<hbm>>
    %dma_wait3A_77 = arith.constant 0 : i32
    %dma_wait3A_78 = arith.constant 0 : i32
    %dma_wait3A_79 = tpu.memref_slice %arg8[%dma_wait3A_68, %dma_wait3A_77, %dma_wait3A_78] : memref<2x64x256xf32, #tpu.memory_space<vmem>> -> memref<1x64x256xf32, #tpu.memory_space<vmem>>
    %dma_wait3A_80 = tpu.memref_squeeze %dma_wait3A_79 : memref<1x64x256xf32, #tpu.memory_space<vmem>> -> memref<64x256xf32, #tpu.memory_space<vmem>>
    tpu.wait_dma2 semaphore(%arg13 : memref<!tpu.dma_semaphore, #tpu.memory_space<semaphore_mem>>) src(%dma_wait3A_80 : memref<64x256xf32, #tpu.memory_space<vmem>>) dst(%dma_wait3A_76 : memref<64x256xf32, #tpu.memory_space<hbm>>)
    %dma_wait3A_81 = arith.constant 0 : i32
    %dma_wait3A_82 = arith.constant 0 : i32
    %dma_wait3A_83 = arith.constant 0 : i32
    %dma_wait3A_84 = tpu.memref_slice %arg10[%dma_wait3A_81, %dma_wait3A_82, %dma_wait3A_83] : memref<2x64x16xf32, #tpu.memory_space<vmem>> -> memref<1x64x16xf32, #tpu.memory_space<vmem>>
    %dma_wait3A_85 = tpu.memref_squeeze %dma_wait3A_84 : memref<1x64x16xf32, #tpu.memory_space<vmem>> -> memref<64x16xf32, #tpu.memory_space<vmem>>
    %dma_wait3A_86 = arith.constant 0 : i32
    %dma_wait3A_87 = tpu.memref_slice %arg6[%add3A_67, %dma_wait3A_86] : memref<131072x16xf32, #tpu.memory_space<hbm>> -> memref<64x16xf32, #tpu.memory_space<hbm>>
    %dma_wait3A_88 = arith.constant 0 : i32
    %dma_wait3A_89 = tpu.memref_slice %arg6[%add3A_67, %dma_wait3A_88] : memref<131072x16xf32, #tpu.memory_space<hbm>> -> memref<64x16xf32, #tpu.memory_space<hbm>>
    %dma_wait3A_90 = arith.constant 0 : i32
    %dma_wait3A_91 = arith.constant 0 : i32
    %dma_wait3A_92 = tpu.memref_slice %arg10[%dma_wait3A_81, %dma_wait3A_90, %dma_wait3A_91] : memref<2x64x16xf32, #tpu.memory_space<vmem>> -> memref<1x64x16xf32, #tpu.memory_space<vmem>>
    %dma_wait3A_93 = tpu.memref_squeeze %dma_wait3A_92 : memref<1x64x16xf32, #tpu.memory_space<vmem>> -> memref<64x16xf32, #tpu.memory_space<vmem>>
    tpu.wait_dma2 semaphore(%arg13 : memref<!tpu.dma_semaphore, #tpu.memory_space<semaphore_mem>>) src(%dma_wait3A_93 : memref<64x16xf32, #tpu.memory_space<vmem>>) dst(%dma_wait3A_89 : memref<64x16xf32, #tpu.memory_space<hbm>>)
    %mul3A_94 = arith.constant 4096 : i32
    %mul3A_95 = arith.muli %add3A, %mul3A_94 : i32
    %add3A_96 = arith.constant 4032 : i32
    %add3A_97 = arith.addi %mul3A_95, %add3A_96 : i32
    %dma_wait3A_98 = arith.constant 1 : i32
    %dma_wait3A_99 = arith.constant 0 : i32
    %dma_wait3A_100 = arith.constant 0 : i32
    %dma_wait3A_101 = tpu.memref_slice %arg8[%dma_wait3A_98, %dma_wait3A_99, %dma_wait3A_100] : memref<2x64x256xf32, #tpu.memory_space<vmem>> -> memref<1x64x256xf32, #tpu.memory_space<vmem>>
    %dma_wait3A_102 = tpu.memref_squeeze %dma_wait3A_101 : memref<1x64x256xf32, #tpu.memory_space<vmem>> -> memref<64x256xf32, #tpu.memory_space<vmem>>
    %dma_wait3A_103 = arith.constant 0 : i32
    %dma_wait3A_104 = tpu.memref_slice %arg5[%add3A_97, %dma_wait3A_103] : memref<131072x256xf32, #tpu.memory_space<hbm>> -> memref<64x256xf32, #tpu.memory_space<hbm>>
    %dma_wait3A_105 = arith.constant 0 : i32
    %dma_wait3A_106 = tpu.memref_slice %arg5[%add3A_97, %dma_wait3A_105] : memref<131072x256xf32, #tpu.memory_space<hbm>> -> memref<64x256xf32, #tpu.memory_space<hbm>>
    %dma_wait3A_107 = arith.constant 0 : i32
    %dma_wait3A_108 = arith.constant 0 : i32
    %dma_wait3A_109 = tpu.memref_slice %arg8[%dma_wait3A_98, %dma_wait3A_107, %dma_wait3A_108] : memref<2x64x256xf32, #tpu.memory_space<vmem>> -> memref<1x64x256xf32, #tpu.memory_space<vmem>>
    %dma_wait3A_110 = tpu.memref_squeeze %dma_wait3A_109 : memref<1x64x256xf32, #tpu.memory_space<vmem>> -> memref<64x256xf32, #tpu.memory_space<vmem>>
    tpu.wait_dma2 semaphore(%arg14 : memref<!tpu.dma_semaphore, #tpu.memory_space<semaphore_mem>>) src(%dma_wait3A_110 : memref<64x256xf32, #tpu.memory_space<vmem>>) dst(%dma_wait3A_106 : memref<64x256xf32, #tpu.memory_space<hbm>>)
    %dma_wait3A_111 = arith.constant 1 : i32
    %dma_wait3A_112 = arith.constant 0 : i32
    %dma_wait3A_113 = arith.constant 0 : i32
    %dma_wait3A_114 = tpu.memref_slice %arg10[%dma_wait3A_111, %dma_wait3A_112, %dma_wait3A_113] : memref<2x64x16xf32, #tpu.memory_space<vmem>> -> memref<1x64x16xf32, #tpu.memory_space<vmem>>
    %dma_wait3A_115 = tpu.memref_squeeze %dma_wait3A_114 : memref<1x64x16xf32, #tpu.memory_space<vmem>> -> memref<64x16xf32, #tpu.memory_space<vmem>>
    %dma_wait3A_116 = arith.constant 0 : i32
    %dma_wait3A_117 = tpu.memref_slice %arg6[%add3A_97, %dma_wait3A_116] : memref<131072x16xf32, #tpu.memory_space<hbm>> -> memref<64x16xf32, #tpu.memory_space<hbm>>
    %dma_wait3A_118 = arith.constant 0 : i32
    %dma_wait3A_119 = tpu.memref_slice %arg6[%add3A_97, %dma_wait3A_118] : memref<131072x16xf32, #tpu.memory_space<hbm>> -> memref<64x16xf32, #tpu.memory_space<hbm>>
    %dma_wait3A_120 = arith.constant 0 : i32
    %dma_wait3A_121 = arith.constant 0 : i32
    %dma_wait3A_122 = tpu.memref_slice %arg10[%dma_wait3A_111, %dma_wait3A_120, %dma_wait3A_121] : memref<2x64x16xf32, #tpu.memory_space<vmem>> -> memref<1x64x16xf32, #tpu.memory_space<vmem>>
    %dma_wait3A_123 = tpu.memref_squeeze %dma_wait3A_122 : memref<1x64x16xf32, #tpu.memory_space<vmem>> -> memref<64x16xf32, #tpu.memory_space<vmem>>
    tpu.wait_dma2 semaphore(%arg14 : memref<!tpu.dma_semaphore, #tpu.memory_space<semaphore_mem>>) src(%dma_wait3A_123 : memref<64x16xf32, #tpu.memory_space<vmem>>) dst(%dma_wait3A_119 : memref<64x16xf32, #tpu.memory_space<hbm>>)
    return
  }
}

#map = affine_map<(d0, d1) -> (0, 0)>
#map1 = affine_map<(d0, d1) -> (0)>
module attributes {stable_mosaic.version = 14 : i64} {
  func.func @gk(%arg0: i32, %arg1: i32, %arg2: memref<8192x256xf32, #tpu.memory_space<hbm>>, %arg3: memref<131072xi32, #tpu.memory_space<hbm>>, %arg4: memref<131072x256xf32, #tpu.memory_space<hbm>>, %arg5: memref<2x128xi32, #tpu.memory_space<vmem>>, %arg6: memref<2x128x256xf32, #tpu.memory_space<vmem>>, %arg7: memref<!tpu.dma_semaphore, #tpu.memory_space<semaphore_mem>>, %arg8: memref<!tpu.dma_semaphore, #tpu.memory_space<semaphore_mem>>, %arg9: memref<!tpu.dma_semaphore, #tpu.memory_space<semaphore_mem>>, %arg10: memref<!tpu.dma_semaphore, #tpu.memory_space<semaphore_mem>>) attributes {dimension_semantics = [#tpu.dimension_semantics<core_parallel>, #tpu.dimension_semantics<subcore_parallel>], iteration_bounds = array<i64: 2, 16>, scalar_prefetch = 0 : i64, scratch_operands = 6 : i64, tpu.core_type = #tpu.core_type<sc_vector_subcore>, window_params = [{transform_indices = #map}, {transform_indices = #map1}, {transform_indices = #map}]} {
    %mul3A = arith.constant 2 : i32
    %mul3A_0 = arith.muli %arg1, %mul3A : i32
    %add3A = arith.addi %mul3A_0, %arg0 : i32
    %scan3A = arith.constant 0 : i32
    %scan3A_1 = arith.constant 0 : i32
    %scan3A_2 = arith.constant 16 : i32
    %scan3A_3 = arith.addi %scan3A_1, %scan3A_2 : i32
    %scan3A_4 = arith.constant 1 : i32
    scf.for %scan3A_67 = %scan3A_1 to %scan3A_3 step %scan3A_4  : i32 {
      %mul3A_68 = arith.constant 2 : i32
      %mul3A_69 = arith.muli %mul3A_68, %scan3A_67 : i32
      %add3A_70 = arith.constant 0 : i32
      %add3A_71 = arith.addi %mul3A_69, %add3A_70 : i32
      %ge3A = arith.constant 2 : i32
      %ge3A_72 = arith.cmpi sge, %add3A_71, %ge3A : i32
      %convert_element_type3A = arith.extui %ge3A_72 : i1 to i32
      %cond3A = arith.constant 0 : i32
      %cond3A_73 = arith.cmpi ne, %convert_element_type3A, %cond3A : i32
      scf.if %cond3A_73 {
        %sub3A = arith.constant 2 : i32
        %sub3A_128 = arith.subi %add3A_71, %sub3A : i32
        %mul3A_129 = arith.constant 4096 : i32
        %mul3A_130 = arith.muli %add3A, %mul3A_129 : i32
        %mul3A_131 = arith.constant 128 : i32
        %mul3A_132 = arith.muli %sub3A_128, %mul3A_131 : i32
        %add3A_133 = arith.addi %mul3A_130, %mul3A_132 : i32
        %dma_wait3A_134 = arith.constant 0 : i32
        %dma_wait3A_135 = arith.constant 0 : i32
        %dma_wait3A_136 = arith.constant 0 : i32
        %dma_wait3A_137 = tpu.memref_slice %arg6[%dma_wait3A_134, %dma_wait3A_135, %dma_wait3A_136] : memref<2x128x256xf32, #tpu.memory_space<vmem>> -> memref<1x128x256xf32, #tpu.memory_space<vmem>>
        %dma_wait3A_138 = tpu.memref_squeeze %dma_wait3A_137 : memref<1x128x256xf32, #tpu.memory_space<vmem>> -> memref<128x256xf32, #tpu.memory_space<vmem>>
        %dma_wait3A_139 = arith.constant 0 : i32
        %dma_wait3A_140 = tpu.memref_slice %arg4[%add3A_133, %dma_wait3A_139] : memref<131072x256xf32, #tpu.memory_space<hbm>> -> memref<128x256xf32, #tpu.memory_space<hbm>>
        %dma_wait3A_141 = arith.constant 0 : i32
        %dma_wait3A_142 = tpu.memref_slice %arg4[%add3A_133, %dma_wait3A_141] : memref<131072x256xf32, #tpu.memory_space<hbm>> -> memref<128x256xf32, #tpu.memory_space<hbm>>
        %dma_wait3A_143 = arith.constant 0 : i32
        %dma_wait3A_144 = arith.constant 0 : i32
        %dma_wait3A_145 = tpu.memref_slice %arg6[%dma_wait3A_134, %dma_wait3A_143, %dma_wait3A_144] : memref<2x128x256xf32, #tpu.memory_space<vmem>> -> memref<1x128x256xf32, #tpu.memory_space<vmem>>
        %dma_wait3A_146 = tpu.memref_squeeze %dma_wait3A_145 : memref<1x128x256xf32, #tpu.memory_space<vmem>> -> memref<128x256xf32, #tpu.memory_space<vmem>>
        tpu.wait_dma2 semaphore(%arg9 : memref<!tpu.dma_semaphore, #tpu.memory_space<semaphore_mem>>) src(%dma_wait3A_146 : memref<128x256xf32, #tpu.memory_space<vmem>>) dst(%dma_wait3A_142 : memref<128x256xf32, #tpu.memory_space<hbm>>)
      } else {
      }
      %mul3A_74 = arith.constant 4096 : i32
      %mul3A_75 = arith.muli %add3A, %mul3A_74 : i32
      %mul3A_76 = arith.constant 128 : i32
      %mul3A_77 = arith.muli %add3A_71, %mul3A_76 : i32
      %add3A_78 = arith.addi %mul3A_75, %mul3A_77 : i32
      %run_scoped3A = arith.constant 0 : i32
      "tpu.region"() ({
        %run_scoped3A_128 = tpu.sem_alloc : memref<!tpu.dma_semaphore, #tpu.memory_space<semaphore_mem>>
        %dma_start3A_129 = arith.constant 0 : i32
        %dma_start3A_130 = tpu.memref_slice %arg5[%run_scoped3A, %dma_start3A_129] : memref<2x128xi32, #tpu.memory_space<vmem>> -> memref<1x128xi32, #tpu.memory_space<vmem>>
        %dma_start3A_131 = tpu.memref_squeeze %dma_start3A_130 : memref<1x128xi32, #tpu.memory_space<vmem>> -> memref<128xi32, #tpu.memory_space<vmem>>
        %dma_start3A_132 = tpu.memref_slice %arg3[%add3A_78] : memref<131072xi32, #tpu.memory_space<hbm>> -> memref<128xi32, #tpu.memory_space<hbm>>
        %dma_start3A_133 = arith.constant 0 : i32
        %dma_start3A_134 = tpu.memref_slice %arg5[%run_scoped3A, %dma_start3A_133] : memref<2x128xi32, #tpu.memory_space<vmem>> -> memref<1x128xi32, #tpu.memory_space<vmem>>
        %dma_start3A_135 = tpu.memref_squeeze %dma_start3A_134 : memref<1x128xi32, #tpu.memory_space<vmem>> -> memref<128xi32, #tpu.memory_space<vmem>>
        %dma_start3A_136 = tpu.memref_slice %arg3[%add3A_78] : memref<131072xi32, #tpu.memory_space<hbm>> -> memref<128xi32, #tpu.memory_space<hbm>>
        tpu.enqueue_dma source(%dma_start3A_136 : memref<128xi32, #tpu.memory_space<hbm>>) target(%dma_start3A_135 : memref<128xi32, #tpu.memory_space<vmem>>) target_semaphore(%run_scoped3A_128 : memref<!tpu.dma_semaphore, #tpu.memory_space<semaphore_mem>>)
        %dma_wait3A_137 = arith.constant 0 : i32
        %dma_wait3A_138 = tpu.memref_slice %arg5[%run_scoped3A, %dma_wait3A_137] : memref<2x128xi32, #tpu.memory_space<vmem>> -> memref<1x128xi32, #tpu.memory_space<vmem>>
        %dma_wait3A_139 = tpu.memref_squeeze %dma_wait3A_138 : memref<1x128xi32, #tpu.memory_space<vmem>> -> memref<128xi32, #tpu.memory_space<vmem>>
        %dma_wait3A_140 = tpu.memref_slice %arg3[%add3A_78] : memref<131072xi32, #tpu.memory_space<hbm>> -> memref<128xi32, #tpu.memory_space<hbm>>
        %dma_wait3A_141 = arith.constant 0 : i32
        %dma_wait3A_142 = tpu.memref_slice %arg5[%run_scoped3A, %dma_wait3A_141] : memref<2x128xi32, #tpu.memory_space<vmem>> -> memref<1x128xi32, #tpu.memory_space<vmem>>
        %dma_wait3A_143 = tpu.memref_squeeze %dma_wait3A_142 : memref<1x128xi32, #tpu.memory_space<vmem>> -> memref<128xi32, #tpu.memory_space<vmem>>
        %dma_wait3A_144 = tpu.memref_slice %arg3[%add3A_78] : memref<131072xi32, #tpu.memory_space<hbm>> -> memref<128xi32, #tpu.memory_space<hbm>>
        tpu.wait_dma2 semaphore(%run_scoped3A_128 : memref<!tpu.dma_semaphore, #tpu.memory_space<semaphore_mem>>) src(%dma_wait3A_144 : memref<128xi32, #tpu.memory_space<hbm>>) dst(%dma_wait3A_143 : memref<128xi32, #tpu.memory_space<vmem>>)
        tpu.yield
      }) : () -> ()
      %dma_start3A_79 = arith.constant 0 : i32
      %dma_start3A_80 = arith.constant 0 : i32
      %dma_start3A_81 = arith.constant 0 : i32
      %dma_start3A_82 = arith.constant 0 : i32
      %dma_start3A_83 = tpu.memref_slice %arg6[%dma_start3A_80, %dma_start3A_81, %dma_start3A_82] : memref<2x128x256xf32, #tpu.memory_space<vmem>> -> memref<1x128x256xf32, #tpu.memory_space<vmem>>
      %dma_start3A_84 = tpu.memref_squeeze %dma_start3A_83 : memref<1x128x256xf32, #tpu.memory_space<vmem>> -> memref<128x256xf32, #tpu.memory_space<vmem>>
      %dma_start3A_85 = arith.constant 0 : i32
      %dma_start3A_86 = tpu.memref_slice %arg5[%dma_start3A_79, %dma_start3A_85] : memref<2x128xi32, #tpu.memory_space<vmem>> -> memref<1x128xi32, #tpu.memory_space<vmem>>
      %dma_start3A_87 = tpu.memref_squeeze %dma_start3A_86 : memref<1x128xi32, #tpu.memory_space<vmem>> -> memref<128xi32, #tpu.memory_space<vmem>>
      %dma_start3A_88 = arith.constant 0 : i32
      %dma_start3A_89 = arith.constant 0 : i32
      %dma_start3A_90 = tpu.memref_slice %arg2[%dma_start3A_88, %dma_start3A_89] : memref<8192x256xf32, #tpu.memory_space<hbm>> -> memref<8192x256xf32, #tpu.memory_space<hbm>>
      tpu.enqueue_indirect_dma source(%dma_start3A_90 : memref<8192x256xf32, #tpu.memory_space<hbm>>) target(%dma_start3A_84 : memref<128x256xf32, #tpu.memory_space<vmem>>) offsets(%dma_start3A_87 : memref<128xi32, #tpu.memory_space<vmem>>) semaphore(%arg7 : memref<!tpu.dma_semaphore, #tpu.memory_space<semaphore_mem>>)
      %ge3A_91 = arith.constant 1 : i32
      %ge3A_92 = arith.cmpi sge, %add3A_71, %ge3A_91 : i32
      %convert_element_type3A_93 = arith.extui %ge3A_92 : i1 to i32
      %cond3A_94 = arith.constant 0 : i32
      %cond3A_95 = arith.cmpi ne, %convert_element_type3A_93, %cond3A_94 : i32
      scf.if %cond3A_95 {
        %dma_wait3A_128 = arith.constant 1 : i32
        %dma_wait3A_129 = arith.constant 1 : i32
        %dma_wait3A_130 = arith.constant 0 : i32
        %dma_wait3A_131 = arith.constant 0 : i32
        %dma_wait3A_132 = tpu.memref_slice %arg6[%dma_wait3A_129, %dma_wait3A_130, %dma_wait3A_131] : memref<2x128x256xf32, #tpu.memory_space<vmem>> -> memref<1x128x256xf32, #tpu.memory_space<vmem>>
        %dma_wait3A_133 = tpu.memref_squeeze %dma_wait3A_132 : memref<1x128x256xf32, #tpu.memory_space<vmem>> -> memref<128x256xf32, #tpu.memory_space<vmem>>
        %dma_wait3A_134 = arith.constant 0 : i32
        %dma_wait3A_135 = tpu.memref_slice %arg5[%dma_wait3A_128, %dma_wait3A_134] : memref<2x128xi32, #tpu.memory_space<vmem>> -> memref<1x128xi32, #tpu.memory_space<vmem>>
        %dma_wait3A_136 = tpu.memref_squeeze %dma_wait3A_135 : memref<1x128xi32, #tpu.memory_space<vmem>> -> memref<128xi32, #tpu.memory_space<vmem>>
        %dma_wait3A_137 = arith.constant 0 : i32
        %dma_wait3A_138 = arith.constant 0 : i32
        %dma_wait3A_139 = tpu.memref_slice %arg2[%dma_wait3A_137, %dma_wait3A_138] : memref<8192x256xf32, #tpu.memory_space<hbm>> -> memref<8192x256xf32, #tpu.memory_space<hbm>>
        tpu.wait_indirect_dma semaphore(%arg8 : memref<!tpu.dma_semaphore, #tpu.memory_space<semaphore_mem>>) src(%dma_wait3A_139 : memref<8192x256xf32, #tpu.memory_space<hbm>>) dst(%dma_wait3A_133 : memref<128x256xf32, #tpu.memory_space<vmem>>)
        %sub3A = arith.constant 1 : i32
        %sub3A_140 = arith.subi %add3A_71, %sub3A : i32
        %mul3A_141 = arith.constant 4096 : i32
        %mul3A_142 = arith.muli %add3A, %mul3A_141 : i32
        %mul3A_143 = arith.constant 128 : i32
        %mul3A_144 = arith.muli %sub3A_140, %mul3A_143 : i32
        %add3A_145 = arith.addi %mul3A_142, %mul3A_144 : i32
        %dma_start3A_146 = arith.constant 1 : i32
        %dma_start3A_147 = arith.constant 0 : i32
        %dma_start3A_148 = arith.constant 0 : i32
        %dma_start3A_149 = tpu.memref_slice %arg6[%dma_start3A_146, %dma_start3A_147, %dma_start3A_148] : memref<2x128x256xf32, #tpu.memory_space<vmem>> -> memref<1x128x256xf32, #tpu.memory_space<vmem>>
        %dma_start3A_150 = tpu.memref_squeeze %dma_start3A_149 : memref<1x128x256xf32, #tpu.memory_space<vmem>> -> memref<128x256xf32, #tpu.memory_space<vmem>>
        %dma_start3A_151 = arith.constant 0 : i32
        %dma_start3A_152 = tpu.memref_slice %arg4[%add3A_145, %dma_start3A_151] : memref<131072x256xf32, #tpu.memory_space<hbm>> -> memref<128x256xf32, #tpu.memory_space<hbm>>
        %dma_start3A_153 = arith.constant 0 : i32
        %dma_start3A_154 = tpu.memref_slice %arg4[%add3A_145, %dma_start3A_153] : memref<131072x256xf32, #tpu.memory_space<hbm>> -> memref<128x256xf32, #tpu.memory_space<hbm>>
        %dma_start3A_155 = arith.constant 0 : i32
        %dma_start3A_156 = arith.constant 0 : i32
        %dma_start3A_157 = tpu.memref_slice %arg6[%dma_start3A_146, %dma_start3A_155, %dma_start3A_156] : memref<2x128x256xf32, #tpu.memory_space<vmem>> -> memref<1x128x256xf32, #tpu.memory_space<vmem>>
        %dma_start3A_158 = tpu.memref_squeeze %dma_start3A_157 : memref<1x128x256xf32, #tpu.memory_space<vmem>> -> memref<128x256xf32, #tpu.memory_space<vmem>>
        tpu.enqueue_dma source(%dma_start3A_158 : memref<128x256xf32, #tpu.memory_space<vmem>>) target(%dma_start3A_154 : memref<128x256xf32, #tpu.memory_space<hbm>>) target_semaphore(%arg10 : memref<!tpu.dma_semaphore, #tpu.memory_space<semaphore_mem>>)
      } else {
      }
      %mul3A_96 = arith.constant 2 : i32
      %mul3A_97 = arith.muli %mul3A_96, %scan3A_67 : i32
      %add3A_98 = arith.constant 1 : i32
      %add3A_99 = arith.addi %mul3A_97, %add3A_98 : i32
      %ge3A_100 = arith.constant 2 : i32
      %ge3A_101 = arith.cmpi sge, %add3A_99, %ge3A_100 : i32
      %convert_element_type3A_102 = arith.extui %ge3A_101 : i1 to i32
      %cond3A_103 = arith.constant 0 : i32
      %cond3A_104 = arith.cmpi ne, %convert_element_type3A_102, %cond3A_103 : i32
      scf.if %cond3A_104 {
        %sub3A = arith.constant 2 : i32
        %sub3A_128 = arith.subi %add3A_99, %sub3A : i32
        %mul3A_129 = arith.constant 4096 : i32
        %mul3A_130 = arith.muli %add3A, %mul3A_129 : i32
        %mul3A_131 = arith.constant 128 : i32
        %mul3A_132 = arith.muli %sub3A_128, %mul3A_131 : i32
        %add3A_133 = arith.addi %mul3A_130, %mul3A_132 : i32
        %dma_wait3A_134 = arith.constant 1 : i32
        %dma_wait3A_135 = arith.constant 0 : i32
        %dma_wait3A_136 = arith.constant 0 : i32
        %dma_wait3A_137 = tpu.memref_slice %arg6[%dma_wait3A_134, %dma_wait3A_135, %dma_wait3A_136] : memref<2x128x256xf32, #tpu.memory_space<vmem>> -> memref<1x128x256xf32, #tpu.memory_space<vmem>>
        %dma_wait3A_138 = tpu.memref_squeeze %dma_wait3A_137 : memref<1x128x256xf32, #tpu.memory_space<vmem>> -> memref<128x256xf32, #tpu.memory_space<vmem>>
        %dma_wait3A_139 = arith.constant 0 : i32
        %dma_wait3A_140 = tpu.memref_slice %arg4[%add3A_133, %dma_wait3A_139] : memref<131072x256xf32, #tpu.memory_space<hbm>> -> memref<128x256xf32, #tpu.memory_space<hbm>>
        %dma_wait3A_141 = arith.constant 0 : i32
        %dma_wait3A_142 = tpu.memref_slice %arg4[%add3A_133, %dma_wait3A_141] : memref<131072x256xf32, #tpu.memory_space<hbm>> -> memref<128x256xf32, #tpu.memory_space<hbm>>
        %dma_wait3A_143 = arith.constant 0 : i32
        %dma_wait3A_144 = arith.constant 0 : i32
        %dma_wait3A_145 = tpu.memref_slice %arg6[%dma_wait3A_134, %dma_wait3A_143, %dma_wait3A_144] : memref<2x128x256xf32, #tpu.memory_space<vmem>> -> memref<1x128x256xf32, #tpu.memory_space<vmem>>
        %dma_wait3A_146 = tpu.memref_squeeze %dma_wait3A_145 : memref<1x128x256xf32, #tpu.memory_space<vmem>> -> memref<128x256xf32, #tpu.memory_space<vmem>>
        tpu.wait_dma2 semaphore(%arg10 : memref<!tpu.dma_semaphore, #tpu.memory_space<semaphore_mem>>) src(%dma_wait3A_146 : memref<128x256xf32, #tpu.memory_space<vmem>>) dst(%dma_wait3A_142 : memref<128x256xf32, #tpu.memory_space<hbm>>)
      } else {
      }
      %mul3A_105 = arith.constant 4096 : i32
      %mul3A_106 = arith.muli %add3A, %mul3A_105 : i32
      %mul3A_107 = arith.constant 128 : i32
      %mul3A_108 = arith.muli %add3A_99, %mul3A_107 : i32
      %add3A_109 = arith.addi %mul3A_106, %mul3A_108 : i32
      %run_scoped3A_110 = arith.constant 1 : i32
      "tpu.region"() ({
        %run_scoped3A_128 = tpu.sem_alloc : memref<!tpu.dma_semaphore, #tpu.memory_space<semaphore_mem>>
        %dma_start3A_129 = arith.constant 0 : i32
        %dma_start3A_130 = tpu.memref_slice %arg5[%run_scoped3A_110, %dma_start3A_129] : memref<2x128xi32, #tpu.memory_space<vmem>> -> memref<1x128xi32, #tpu.memory_space<vmem>>
        %dma_start3A_131 = tpu.memref_squeeze %dma_start3A_130 : memref<1x128xi32, #tpu.memory_space<vmem>> -> memref<128xi32, #tpu.memory_space<vmem>>
        %dma_start3A_132 = tpu.memref_slice %arg3[%add3A_109] : memref<131072xi32, #tpu.memory_space<hbm>> -> memref<128xi32, #tpu.memory_space<hbm>>
        %dma_start3A_133 = arith.constant 0 : i32
        %dma_start3A_134 = tpu.memref_slice %arg5[%run_scoped3A_110, %dma_start3A_133] : memref<2x128xi32, #tpu.memory_space<vmem>> -> memref<1x128xi32, #tpu.memory_space<vmem>>
        %dma_start3A_135 = tpu.memref_squeeze %dma_start3A_134 : memref<1x128xi32, #tpu.memory_space<vmem>> -> memref<128xi32, #tpu.memory_space<vmem>>
        %dma_start3A_136 = tpu.memref_slice %arg3[%add3A_109] : memref<131072xi32, #tpu.memory_space<hbm>> -> memref<128xi32, #tpu.memory_space<hbm>>
        tpu.enqueue_dma source(%dma_start3A_136 : memref<128xi32, #tpu.memory_space<hbm>>) target(%dma_start3A_135 : memref<128xi32, #tpu.memory_space<vmem>>) target_semaphore(%run_scoped3A_128 : memref<!tpu.dma_semaphore, #tpu.memory_space<semaphore_mem>>)
        %dma_wait3A_137 = arith.constant 0 : i32
        %dma_wait3A_138 = tpu.memref_slice %arg5[%run_scoped3A_110, %dma_wait3A_137] : memref<2x128xi32, #tpu.memory_space<vmem>> -> memref<1x128xi32, #tpu.memory_space<vmem>>
        %dma_wait3A_139 = tpu.memref_squeeze %dma_wait3A_138 : memref<1x128xi32, #tpu.memory_space<vmem>> -> memref<128xi32, #tpu.memory_space<vmem>>
        %dma_wait3A_140 = tpu.memref_slice %arg3[%add3A_109] : memref<131072xi32, #tpu.memory_space<hbm>> -> memref<128xi32, #tpu.memory_space<hbm>>
        %dma_wait3A_141 = arith.constant 0 : i32
        %dma_wait3A_142 = tpu.memref_slice %arg5[%run_scoped3A_110, %dma_wait3A_141] : memref<2x128xi32, #tpu.memory_space<vmem>> -> memref<1x128xi32, #tpu.memory_space<vmem>>
        %dma_wait3A_143 = tpu.memref_squeeze %dma_wait3A_142 : memref<1x128xi32, #tpu.memory_space<vmem>> -> memref<128xi32, #tpu.memory_space<vmem>>
        %dma_wait3A_144 = tpu.memref_slice %arg3[%add3A_109] : memref<131072xi32, #tpu.memory_space<hbm>> -> memref<128xi32, #tpu.memory_space<hbm>>
        tpu.wait_dma2 semaphore(%run_scoped3A_128 : memref<!tpu.dma_semaphore, #tpu.memory_space<semaphore_mem>>) src(%dma_wait3A_144 : memref<128xi32, #tpu.memory_space<hbm>>) dst(%dma_wait3A_143 : memref<128xi32, #tpu.memory_space<vmem>>)
        tpu.yield
      }) : () -> ()
      %dma_start3A_111 = arith.constant 1 : i32
      %dma_start3A_112 = arith.constant 1 : i32
      %dma_start3A_113 = arith.constant 0 : i32
      %dma_start3A_114 = arith.constant 0 : i32
      %dma_start3A_115 = tpu.memref_slice %arg6[%dma_start3A_112, %dma_start3A_113, %dma_start3A_114] : memref<2x128x256xf32, #tpu.memory_space<vmem>> -> memref<1x128x256xf32, #tpu.memory_space<vmem>>
      %dma_start3A_116 = tpu.memref_squeeze %dma_start3A_115 : memref<1x128x256xf32, #tpu.memory_space<vmem>> -> memref<128x256xf32, #tpu.memory_space<vmem>>
      %dma_start3A_117 = arith.constant 0 : i32
      %dma_start3A_118 = tpu.memref_slice %arg5[%dma_start3A_111, %dma_start3A_117] : memref<2x128xi32, #tpu.memory_space<vmem>> -> memref<1x128xi32, #tpu.memory_space<vmem>>
      %dma_start3A_119 = tpu.memref_squeeze %dma_start3A_118 : memref<1x128xi32, #tpu.memory_space<vmem>> -> memref<128xi32, #tpu.memory_space<vmem>>
      %dma_start3A_120 = arith.constant 0 : i32
      %dma_start3A_121 = arith.constant 0 : i32
      %dma_start3A_122 = tpu.memref_slice %arg2[%dma_start3A_120, %dma_start3A_121] : memref<8192x256xf32, #tpu.memory_space<hbm>> -> memref<8192x256xf32, #tpu.memory_space<hbm>>
      tpu.enqueue_indirect_dma source(%dma_start3A_122 : memref<8192x256xf32, #tpu.memory_space<hbm>>) target(%dma_start3A_116 : memref<128x256xf32, #tpu.memory_space<vmem>>) offsets(%dma_start3A_119 : memref<128xi32, #tpu.memory_space<vmem>>) semaphore(%arg8 : memref<!tpu.dma_semaphore, #tpu.memory_space<semaphore_mem>>)
      %ge3A_123 = arith.constant 1 : i32
      %ge3A_124 = arith.cmpi sge, %add3A_99, %ge3A_123 : i32
      %convert_element_type3A_125 = arith.extui %ge3A_124 : i1 to i32
      %cond3A_126 = arith.constant 0 : i32
      %cond3A_127 = arith.cmpi ne, %convert_element_type3A_125, %cond3A_126 : i32
      scf.if %cond3A_127 {
        %dma_wait3A_128 = arith.constant 0 : i32
        %dma_wait3A_129 = arith.constant 0 : i32
        %dma_wait3A_130 = arith.constant 0 : i32
        %dma_wait3A_131 = arith.constant 0 : i32
        %dma_wait3A_132 = tpu.memref_slice %arg6[%dma_wait3A_129, %dma_wait3A_130, %dma_wait3A_131] : memref<2x128x256xf32, #tpu.memory_space<vmem>> -> memref<1x128x256xf32, #tpu.memory_space<vmem>>
        %dma_wait3A_133 = tpu.memref_squeeze %dma_wait3A_132 : memref<1x128x256xf32, #tpu.memory_space<vmem>> -> memref<128x256xf32, #tpu.memory_space<vmem>>
        %dma_wait3A_134 = arith.constant 0 : i32
        %dma_wait3A_135 = tpu.memref_slice %arg5[%dma_wait3A_128, %dma_wait3A_134] : memref<2x128xi32, #tpu.memory_space<vmem>> -> memref<1x128xi32, #tpu.memory_space<vmem>>
        %dma_wait3A_136 = tpu.memref_squeeze %dma_wait3A_135 : memref<1x128xi32, #tpu.memory_space<vmem>> -> memref<128xi32, #tpu.memory_space<vmem>>
        %dma_wait3A_137 = arith.constant 0 : i32
        %dma_wait3A_138 = arith.constant 0 : i32
        %dma_wait3A_139 = tpu.memref_slice %arg2[%dma_wait3A_137, %dma_wait3A_138] : memref<8192x256xf32, #tpu.memory_space<hbm>> -> memref<8192x256xf32, #tpu.memory_space<hbm>>
        tpu.wait_indirect_dma semaphore(%arg7 : memref<!tpu.dma_semaphore, #tpu.memory_space<semaphore_mem>>) src(%dma_wait3A_139 : memref<8192x256xf32, #tpu.memory_space<hbm>>) dst(%dma_wait3A_133 : memref<128x256xf32, #tpu.memory_space<vmem>>)
        %sub3A = arith.constant 1 : i32
        %sub3A_140 = arith.subi %add3A_99, %sub3A : i32
        %mul3A_141 = arith.constant 4096 : i32
        %mul3A_142 = arith.muli %add3A, %mul3A_141 : i32
        %mul3A_143 = arith.constant 128 : i32
        %mul3A_144 = arith.muli %sub3A_140, %mul3A_143 : i32
        %add3A_145 = arith.addi %mul3A_142, %mul3A_144 : i32
        %dma_start3A_146 = arith.constant 0 : i32
        %dma_start3A_147 = arith.constant 0 : i32
        %dma_start3A_148 = arith.constant 0 : i32
        %dma_start3A_149 = tpu.memref_slice %arg6[%dma_start3A_146, %dma_start3A_147, %dma_start3A_148] : memref<2x128x256xf32, #tpu.memory_space<vmem>> -> memref<1x128x256xf32, #tpu.memory_space<vmem>>
        %dma_start3A_150 = tpu.memref_squeeze %dma_start3A_149 : memref<1x128x256xf32, #tpu.memory_space<vmem>> -> memref<128x256xf32, #tpu.memory_space<vmem>>
        %dma_start3A_151 = arith.constant 0 : i32
        %dma_start3A_152 = tpu.memref_slice %arg4[%add3A_145, %dma_start3A_151] : memref<131072x256xf32, #tpu.memory_space<hbm>> -> memref<128x256xf32, #tpu.memory_space<hbm>>
        %dma_start3A_153 = arith.constant 0 : i32
        %dma_start3A_154 = tpu.memref_slice %arg4[%add3A_145, %dma_start3A_153] : memref<131072x256xf32, #tpu.memory_space<hbm>> -> memref<128x256xf32, #tpu.memory_space<hbm>>
        %dma_start3A_155 = arith.constant 0 : i32
        %dma_start3A_156 = arith.constant 0 : i32
        %dma_start3A_157 = tpu.memref_slice %arg6[%dma_start3A_146, %dma_start3A_155, %dma_start3A_156] : memref<2x128x256xf32, #tpu.memory_space<vmem>> -> memref<1x128x256xf32, #tpu.memory_space<vmem>>
        %dma_start3A_158 = tpu.memref_squeeze %dma_start3A_157 : memref<1x128x256xf32, #tpu.memory_space<vmem>> -> memref<128x256xf32, #tpu.memory_space<vmem>>
        tpu.enqueue_dma source(%dma_start3A_158 : memref<128x256xf32, #tpu.memory_space<vmem>>) target(%dma_start3A_154 : memref<128x256xf32, #tpu.memory_space<hbm>>) target_semaphore(%arg9 : memref<!tpu.dma_semaphore, #tpu.memory_space<semaphore_mem>>)
      } else {
      }
    }
    %scan3A_5 = arith.constant 16 : i32
    %dma_wait3A = arith.constant 1 : i32
    %dma_wait3A_6 = arith.constant 1 : i32
    %dma_wait3A_7 = arith.constant 0 : i32
    %dma_wait3A_8 = arith.constant 0 : i32
    %dma_wait3A_9 = tpu.memref_slice %arg6[%dma_wait3A_6, %dma_wait3A_7, %dma_wait3A_8] : memref<2x128x256xf32, #tpu.memory_space<vmem>> -> memref<1x128x256xf32, #tpu.memory_space<vmem>>
    %dma_wait3A_10 = tpu.memref_squeeze %dma_wait3A_9 : memref<1x128x256xf32, #tpu.memory_space<vmem>> -> memref<128x256xf32, #tpu.memory_space<vmem>>
    %dma_wait3A_11 = arith.constant 0 : i32
    %dma_wait3A_12 = tpu.memref_slice %arg5[%dma_wait3A, %dma_wait3A_11] : memref<2x128xi32, #tpu.memory_space<vmem>> -> memref<1x128xi32, #tpu.memory_space<vmem>>
    %dma_wait3A_13 = tpu.memref_squeeze %dma_wait3A_12 : memref<1x128xi32, #tpu.memory_space<vmem>> -> memref<128xi32, #tpu.memory_space<vmem>>
    %dma_wait3A_14 = arith.constant 0 : i32
    %dma_wait3A_15 = arith.constant 0 : i32
    %dma_wait3A_16 = tpu.memref_slice %arg2[%dma_wait3A_14, %dma_wait3A_15] : memref<8192x256xf32, #tpu.memory_space<hbm>> -> memref<8192x256xf32, #tpu.memory_space<hbm>>
    tpu.wait_indirect_dma semaphore(%arg8 : memref<!tpu.dma_semaphore, #tpu.memory_space<semaphore_mem>>) src(%dma_wait3A_16 : memref<8192x256xf32, #tpu.memory_space<hbm>>) dst(%dma_wait3A_10 : memref<128x256xf32, #tpu.memory_space<vmem>>)
    %mul3A_17 = arith.constant 4096 : i32
    %mul3A_18 = arith.muli %add3A, %mul3A_17 : i32
    %add3A_19 = arith.constant 3968 : i32
    %add3A_20 = arith.addi %mul3A_18, %add3A_19 : i32
    %dma_start3A = arith.constant 1 : i32
    %dma_start3A_21 = arith.constant 0 : i32
    %dma_start3A_22 = arith.constant 0 : i32
    %dma_start3A_23 = tpu.memref_slice %arg6[%dma_start3A, %dma_start3A_21, %dma_start3A_22] : memref<2x128x256xf32, #tpu.memory_space<vmem>> -> memref<1x128x256xf32, #tpu.memory_space<vmem>>
    %dma_start3A_24 = tpu.memref_squeeze %dma_start3A_23 : memref<1x128x256xf32, #tpu.memory_space<vmem>> -> memref<128x256xf32, #tpu.memory_space<vmem>>
    %dma_start3A_25 = arith.constant 0 : i32
    %dma_start3A_26 = tpu.memref_slice %arg4[%add3A_20, %dma_start3A_25] : memref<131072x256xf32, #tpu.memory_space<hbm>> -> memref<128x256xf32, #tpu.memory_space<hbm>>
    %dma_start3A_27 = arith.constant 0 : i32
    %dma_start3A_28 = tpu.memref_slice %arg4[%add3A_20, %dma_start3A_27] : memref<131072x256xf32, #tpu.memory_space<hbm>> -> memref<128x256xf32, #tpu.memory_space<hbm>>
    %dma_start3A_29 = arith.constant 0 : i32
    %dma_start3A_30 = arith.constant 0 : i32
    %dma_start3A_31 = tpu.memref_slice %arg6[%dma_start3A, %dma_start3A_29, %dma_start3A_30] : memref<2x128x256xf32, #tpu.memory_space<vmem>> -> memref<1x128x256xf32, #tpu.memory_space<vmem>>
    %dma_start3A_32 = tpu.memref_squeeze %dma_start3A_31 : memref<1x128x256xf32, #tpu.memory_space<vmem>> -> memref<128x256xf32, #tpu.memory_space<vmem>>
    tpu.enqueue_dma source(%dma_start3A_32 : memref<128x256xf32, #tpu.memory_space<vmem>>) target(%dma_start3A_28 : memref<128x256xf32, #tpu.memory_space<hbm>>) target_semaphore(%arg10 : memref<!tpu.dma_semaphore, #tpu.memory_space<semaphore_mem>>)
    %mul3A_33 = arith.constant 4096 : i32
    %mul3A_34 = arith.muli %add3A, %mul3A_33 : i32
    %add3A_35 = arith.constant 3840 : i32
    %add3A_36 = arith.addi %mul3A_34, %add3A_35 : i32
    %dma_wait3A_37 = arith.constant 0 : i32
    %dma_wait3A_38 = arith.constant 0 : i32
    %dma_wait3A_39 = arith.constant 0 : i32
    %dma_wait3A_40 = tpu.memref_slice %arg6[%dma_wait3A_37, %dma_wait3A_38, %dma_wait3A_39] : memref<2x128x256xf32, #tpu.memory_space<vmem>> -> memref<1x128x256xf32, #tpu.memory_space<vmem>>
    %dma_wait3A_41 = tpu.memref_squeeze %dma_wait3A_40 : memref<1x128x256xf32, #tpu.memory_space<vmem>> -> memref<128x256xf32, #tpu.memory_space<vmem>>
    %dma_wait3A_42 = arith.constant 0 : i32
    %dma_wait3A_43 = tpu.memref_slice %arg4[%add3A_36, %dma_wait3A_42] : memref<131072x256xf32, #tpu.memory_space<hbm>> -> memref<128x256xf32, #tpu.memory_space<hbm>>
    %dma_wait3A_44 = arith.constant 0 : i32
    %dma_wait3A_45 = tpu.memref_slice %arg4[%add3A_36, %dma_wait3A_44] : memref<131072x256xf32, #tpu.memory_space<hbm>> -> memref<128x256xf32, #tpu.memory_space<hbm>>
    %dma_wait3A_46 = arith.constant 0 : i32
    %dma_wait3A_47 = arith.constant 0 : i32
    %dma_wait3A_48 = tpu.memref_slice %arg6[%dma_wait3A_37, %dma_wait3A_46, %dma_wait3A_47] : memref<2x128x256xf32, #tpu.memory_space<vmem>> -> memref<1x128x256xf32, #tpu.memory_space<vmem>>
    %dma_wait3A_49 = tpu.memref_squeeze %dma_wait3A_48 : memref<1x128x256xf32, #tpu.memory_space<vmem>> -> memref<128x256xf32, #tpu.memory_space<vmem>>
    tpu.wait_dma2 semaphore(%arg9 : memref<!tpu.dma_semaphore, #tpu.memory_space<semaphore_mem>>) src(%dma_wait3A_49 : memref<128x256xf32, #tpu.memory_space<vmem>>) dst(%dma_wait3A_45 : memref<128x256xf32, #tpu.memory_space<hbm>>)
    %mul3A_50 = arith.constant 4096 : i32
    %mul3A_51 = arith.muli %add3A, %mul3A_50 : i32
    %add3A_52 = arith.constant 3968 : i32
    %add3A_53 = arith.addi %mul3A_51, %add3A_52 : i32
    %dma_wait3A_54 = arith.constant 1 : i32
    %dma_wait3A_55 = arith.constant 0 : i32
    %dma_wait3A_56 = arith.constant 0 : i32
    %dma_wait3A_57 = tpu.memref_slice %arg6[%dma_wait3A_54, %dma_wait3A_55, %dma_wait3A_56] : memref<2x128x256xf32, #tpu.memory_space<vmem>> -> memref<1x128x256xf32, #tpu.memory_space<vmem>>
    %dma_wait3A_58 = tpu.memref_squeeze %dma_wait3A_57 : memref<1x128x256xf32, #tpu.memory_space<vmem>> -> memref<128x256xf32, #tpu.memory_space<vmem>>
    %dma_wait3A_59 = arith.constant 0 : i32
    %dma_wait3A_60 = tpu.memref_slice %arg4[%add3A_53, %dma_wait3A_59] : memref<131072x256xf32, #tpu.memory_space<hbm>> -> memref<128x256xf32, #tpu.memory_space<hbm>>
    %dma_wait3A_61 = arith.constant 0 : i32
    %dma_wait3A_62 = tpu.memref_slice %arg4[%add3A_53, %dma_wait3A_61] : memref<131072x256xf32, #tpu.memory_space<hbm>> -> memref<128x256xf32, #tpu.memory_space<hbm>>
    %dma_wait3A_63 = arith.constant 0 : i32
    %dma_wait3A_64 = arith.constant 0 : i32
    %dma_wait3A_65 = tpu.memref_slice %arg6[%dma_wait3A_54, %dma_wait3A_63, %dma_wait3A_64] : memref<2x128x256xf32, #tpu.memory_space<vmem>> -> memref<1x128x256xf32, #tpu.memory_space<vmem>>
    %dma_wait3A_66 = tpu.memref_squeeze %dma_wait3A_65 : memref<1x128x256xf32, #tpu.memory_space<vmem>> -> memref<128x256xf32, #tpu.memory_space<vmem>>
    tpu.wait_dma2 semaphore(%arg10 : memref<!tpu.dma_semaphore, #tpu.memory_space<semaphore_mem>>) src(%dma_wait3A_66 : memref<128x256xf32, #tpu.memory_space<vmem>>) dst(%dma_wait3A_62 : memref<128x256xf32, #tpu.memory_space<hbm>>)
    return
  }
}

module attributes {stable_mosaic.version = 14 : i64} {
  func.func @_knn_body(%arg0: i32, %arg1: i32, %arg2: memref<256x3xf32, #tpu.memory_space<vmem>>, %arg3: memref<3x2048xf32, #tpu.memory_space<vmem>>, %arg4: memref<256x16xi32, #tpu.memory_space<vmem>>) attributes {dimension_semantics = [#tpu.dimension_semantics<arbitrary>, #tpu.dimension_semantics<arbitrary>], iteration_bounds = array<i64: 4, 8>, scalar_prefetch = 0 : i64, scratch_operands = 0 : i64, tpu.core_type = #tpu.core_type<tc>, window_params = [{transform_indices = @transform_0, window_bounds = array<i64: 256, 3>}, {transform_indices = @transform_1, window_bounds = array<i64: 3, 2048>}, {transform_indices = @transform_2, window_bounds = array<i64: 256, 16>}]} {
    %get3A = arith.constant 0 : index
    %get3A_0 = arith.constant 0 : index
    %get3A_1 = vector.load %arg2[%get3A, %get3A_0] : memref<256x3xf32, #tpu.memory_space<vmem>>, vector<256x3xf32>
    %get3A_2 = arith.constant 0 : index
    %get3A_3 = arith.constant 0 : index
    %get3A_4 = vector.load %arg3[%get3A_2, %get3A_3] : memref<3x2048xf32, #tpu.memory_space<vmem>>, vector<3x2048xf32>
    %slice3A = vector.extract_strided_slice %get3A_1 {offsets = [0, 0], sizes = [256, 1], strides = [1, 1]} : vector<256x3xf32> to vector<256x1xf32>
    %slice3A_5 = vector.extract_strided_slice %get3A_1 {offsets = [0, 0], sizes = [256, 1], strides = [1, 1]} : vector<256x3xf32> to vector<256x1xf32>
    %mul3A = arith.mulf %slice3A, %slice3A_5 : vector<256x1xf32>
    %slice3A_6 = vector.extract_strided_slice %get3A_1 {offsets = [0, 1], sizes = [256, 1], strides = [1, 1]} : vector<256x3xf32> to vector<256x1xf32>
    %slice3A_7 = vector.extract_strided_slice %get3A_1 {offsets = [0, 1], sizes = [256, 1], strides = [1, 1]} : vector<256x3xf32> to vector<256x1xf32>
    %mul3A_8 = arith.mulf %slice3A_6, %slice3A_7 : vector<256x1xf32>
    %add3A = arith.addf %mul3A, %mul3A_8 : vector<256x1xf32>
    %slice3A_9 = vector.extract_strided_slice %get3A_1 {offsets = [0, 2], sizes = [256, 1], strides = [1, 1]} : vector<256x3xf32> to vector<256x1xf32>
    %slice3A_10 = vector.extract_strided_slice %get3A_1 {offsets = [0, 2], sizes = [256, 1], strides = [1, 1]} : vector<256x3xf32> to vector<256x1xf32>
    %mul3A_11 = arith.mulf %slice3A_9, %slice3A_10 : vector<256x1xf32>
    %add3A_12 = arith.addf %add3A, %mul3A_11 : vector<256x1xf32>
    %slice3A_13 = vector.extract_strided_slice %get3A_4 {offsets = [0, 0], sizes = [1, 2048], strides = [1, 1]} : vector<3x2048xf32> to vector<1x2048xf32>
    %slice3A_14 = vector.extract_strided_slice %get3A_4 {offsets = [0, 0], sizes = [1, 2048], strides = [1, 1]} : vector<3x2048xf32> to vector<1x2048xf32>
    %mul3A_15 = arith.mulf %slice3A_13, %slice3A_14 : vector<1x2048xf32>
    %slice3A_16 = vector.extract_strided_slice %get3A_4 {offsets = [1, 0], sizes = [1, 2048], strides = [1, 1]} : vector<3x2048xf32> to vector<1x2048xf32>
    %slice3A_17 = vector.extract_strided_slice %get3A_4 {offsets = [1, 0], sizes = [1, 2048], strides = [1, 1]} : vector<3x2048xf32> to vector<1x2048xf32>
    %mul3A_18 = arith.mulf %slice3A_16, %slice3A_17 : vector<1x2048xf32>
    %add3A_19 = arith.addf %mul3A_15, %mul3A_18 : vector<1x2048xf32>
    %slice3A_20 = vector.extract_strided_slice %get3A_4 {offsets = [2, 0], sizes = [1, 2048], strides = [1, 1]} : vector<3x2048xf32> to vector<1x2048xf32>
    %slice3A_21 = vector.extract_strided_slice %get3A_4 {offsets = [2, 0], sizes = [1, 2048], strides = [1, 1]} : vector<3x2048xf32> to vector<1x2048xf32>
    %mul3A_22 = arith.mulf %slice3A_20, %slice3A_21 : vector<1x2048xf32>
    %add3A_23 = arith.addf %add3A_19, %mul3A_22 : vector<1x2048xf32>
    %convert_element_type3A = arith.truncf %get3A_1 : vector<256x3xf32> to vector<256x3xbf16>
    %convert_element_type3A_24 = arith.truncf %get3A_4 : vector<3x2048xf32> to vector<3x2048xbf16>
    %dot_general3A = arith.constant dense<0.000000e+00> : vector<256x2048xf32>
    %dot_general3A_25 = tpu.matmul %convert_element_type3A, %convert_element_type3A_24, %dot_general3A {dimension_numbers = #tpu.dot_dimension_numbers<[1], [0], [0], [1], [0, 0, 1, 1], [], []>, transpose_lhs_hint = false} : vector<256x3xbf16>, vector<3x2048xbf16>, vector<256x2048xf32> -> vector<256x2048xf32>
    %add3A_26 = vector.broadcast %add3A_12 : vector<256x1xf32> to vector<256x2048xf32>
    %add3A_27 = vector.broadcast %add3A_23 : vector<1x2048xf32> to vector<256x2048xf32>
    %add3A_28 = arith.addf %add3A_26, %add3A_27 : vector<256x2048xf32>
    %mul3A_29 = arith.constant 2.000000e+00 : f32
    %mul3A_30 = vector.broadcast %mul3A_29 : f32 to vector<256x2048xf32>
    %mul3A_31 = arith.mulf %mul3A_30, %dot_general3A_25 : vector<256x2048xf32>
    %sub3A = arith.subf %add3A_28, %mul3A_31 : vector<256x2048xf32>
    %iota3A = tpu.iota {dimensions = array<i32: 1>} : vector<256x2048xi32>
    %reduce_min3A = arith.constant dense<0x7F800000> : vector<256xf32>
    %reduce_min3A_32 = vector.multi_reduction <minimumf>, %sub3A, %reduce_min3A [1] : vector<256x2048xf32> to vector<256xf32>
    %broadcast_in_dim3A = vector.shape_cast %reduce_min3A_32 : vector<256xf32> to vector<256x1xf32>
    %eq3A = vector.broadcast %broadcast_in_dim3A : vector<256x1xf32> to vector<256x2048xf32>
    %eq3A_33 = arith.cmpf oeq, %sub3A, %eq3A : vector<256x2048xf32>
    %jit3A = arith.constant 1073741824 : i32
    %broadcast_in_dim3A_34 = vector.broadcast %jit3A : i32 to vector<256x2048xi32>
    %select_n3A = arith.select %eq3A_33, %iota3A, %broadcast_in_dim3A_34 : vector<256x2048xi1>, vector<256x2048xi32>
    %reduce_min3A_35 = arith.constant dense<2147483647> : vector<256xi32>
    %reduce_min3A_36 = vector.multi_reduction <minsi>, %select_n3A, %reduce_min3A_35 [1] : vector<256x2048xi32> to vector<256xi32>
    %broadcast_in_dim3A_37 = vector.shape_cast %reduce_min3A_36 : vector<256xi32> to vector<256x1xi32>
    %mul3A_38 = arith.constant 2048 : i32
    %mul3A_39 = arith.muli %arg0, %mul3A_38 : i32
    %add3A_40 = vector.broadcast %mul3A_39 : i32 to vector<256x1xi32>
    %add3A_41 = arith.addi %broadcast_in_dim3A_37, %add3A_40 : vector<256x1xi32>
    %eq3A_42 = vector.broadcast %broadcast_in_dim3A_37 : vector<256x1xi32> to vector<256x2048xi32>
    %eq3A_43 = arith.cmpi eq, %iota3A, %eq3A_42 : vector<256x2048xi32>
    %jit3A_44 = arith.constant 0x7F800000 : f32
    %broadcast_in_dim3A_45 = vector.broadcast %jit3A_44 : f32 to vector<256x2048xf32>
    %select_n3A_46 = arith.select %eq3A_43, %broadcast_in_dim3A_45, %sub3A : vector<256x2048xi1>, vector<256x2048xf32>
    %reduce_min3A_47 = arith.constant dense<0x7F800000> : vector<256xf32>
    %reduce_min3A_48 = vector.multi_reduction <minimumf>, %select_n3A_46, %reduce_min3A_47 [1] : vector<256x2048xf32> to vector<256xf32>
    %broadcast_in_dim3A_49 = vector.shape_cast %reduce_min3A_48 : vector<256xf32> to vector<256x1xf32>
    %eq3A_50 = vector.broadcast %broadcast_in_dim3A_49 : vector<256x1xf32> to vector<256x2048xf32>
    %eq3A_51 = arith.cmpf oeq, %select_n3A_46, %eq3A_50 : vector<256x2048xf32>
    %jit3A_52 = arith.constant 1073741824 : i32
    %broadcast_in_dim3A_53 = vector.broadcast %jit3A_52 : i32 to vector<256x2048xi32>
    %select_n3A_54 = arith.select %eq3A_51, %iota3A, %broadcast_in_dim3A_53 : vector<256x2048xi1>, vector<256x2048xi32>
    %reduce_min3A_55 = arith.constant dense<2147483647> : vector<256xi32>
    %reduce_min3A_56 = vector.multi_reduction <minsi>, %select_n3A_54, %reduce_min3A_55 [1] : vector<256x2048xi32> to vector<256xi32>
    %broadcast_in_dim3A_57 = vector.shape_cast %reduce_min3A_56 : vector<256xi32> to vector<256x1xi32>
    %mul3A_58 = arith.constant 2048 : i32
    %mul3A_59 = arith.muli %arg0, %mul3A_58 : i32
    %add3A_60 = vector.broadcast %mul3A_59 : i32 to vector<256x1xi32>
    %add3A_61 = arith.addi %broadcast_in_dim3A_57, %add3A_60 : vector<256x1xi32>
    %eq3A_62 = vector.broadcast %broadcast_in_dim3A_57 : vector<256x1xi32> to vector<256x2048xi32>
    %eq3A_63 = arith.cmpi eq, %iota3A, %eq3A_62 : vector<256x2048xi32>
    %jit3A_64 = arith.constant 0x7F800000 : f32
    %broadcast_in_dim3A_65 = vector.broadcast %jit3A_64 : f32 to vector<256x2048xf32>
    %select_n3A_66 = arith.select %eq3A_63, %broadcast_in_dim3A_65, %select_n3A_46 : vector<256x2048xi1>, vector<256x2048xf32>
    %reduce_min3A_67 = arith.constant dense<0x7F800000> : vector<256xf32>
    %reduce_min3A_68 = vector.multi_reduction <minimumf>, %select_n3A_66, %reduce_min3A_67 [1] : vector<256x2048xf32> to vector<256xf32>
    %broadcast_in_dim3A_69 = vector.shape_cast %reduce_min3A_68 : vector<256xf32> to vector<256x1xf32>
    %eq3A_70 = vector.broadcast %broadcast_in_dim3A_69 : vector<256x1xf32> to vector<256x2048xf32>
    %eq3A_71 = arith.cmpf oeq, %select_n3A_66, %eq3A_70 : vector<256x2048xf32>
    %jit3A_72 = arith.constant 1073741824 : i32
    %broadcast_in_dim3A_73 = vector.broadcast %jit3A_72 : i32 to vector<256x2048xi32>
    %select_n3A_74 = arith.select %eq3A_71, %iota3A, %broadcast_in_dim3A_73 : vector<256x2048xi1>, vector<256x2048xi32>
    %reduce_min3A_75 = arith.constant dense<2147483647> : vector<256xi32>
    %reduce_min3A_76 = vector.multi_reduction <minsi>, %select_n3A_74, %reduce_min3A_75 [1] : vector<256x2048xi32> to vector<256xi32>
    %broadcast_in_dim3A_77 = vector.shape_cast %reduce_min3A_76 : vector<256xi32> to vector<256x1xi32>
    %mul3A_78 = arith.constant 2048 : i32
    %mul3A_79 = arith.muli %arg0, %mul3A_78 : i32
    %add3A_80 = vector.broadcast %mul3A_79 : i32 to vector<256x1xi32>
    %add3A_81 = arith.addi %broadcast_in_dim3A_77, %add3A_80 : vector<256x1xi32>
    %eq3A_82 = vector.broadcast %broadcast_in_dim3A_77 : vector<256x1xi32> to vector<256x2048xi32>
    %eq3A_83 = arith.cmpi eq, %iota3A, %eq3A_82 : vector<256x2048xi32>
    %jit3A_84 = arith.constant 0x7F800000 : f32
    %broadcast_in_dim3A_85 = vector.broadcast %jit3A_84 : f32 to vector<256x2048xf32>
    %select_n3A_86 = arith.select %eq3A_83, %broadcast_in_dim3A_85, %select_n3A_66 : vector<256x2048xi1>, vector<256x2048xf32>
    %reduce_min3A_87 = arith.constant dense<0x7F800000> : vector<256xf32>
    %reduce_min3A_88 = vector.multi_reduction <minimumf>, %select_n3A_86, %reduce_min3A_87 [1] : vector<256x2048xf32> to vector<256xf32>
    %broadcast_in_dim3A_89 = vector.shape_cast %reduce_min3A_88 : vector<256xf32> to vector<256x1xf32>
    %eq3A_90 = vector.broadcast %broadcast_in_dim3A_89 : vector<256x1xf32> to vector<256x2048xf32>
    %eq3A_91 = arith.cmpf oeq, %select_n3A_86, %eq3A_90 : vector<256x2048xf32>
    %jit3A_92 = arith.constant 1073741824 : i32
    %broadcast_in_dim3A_93 = vector.broadcast %jit3A_92 : i32 to vector<256x2048xi32>
    %select_n3A_94 = arith.select %eq3A_91, %iota3A, %broadcast_in_dim3A_93 : vector<256x2048xi1>, vector<256x2048xi32>
    %reduce_min3A_95 = arith.constant dense<2147483647> : vector<256xi32>
    %reduce_min3A_96 = vector.multi_reduction <minsi>, %select_n3A_94, %reduce_min3A_95 [1] : vector<256x2048xi32> to vector<256xi32>
    %broadcast_in_dim3A_97 = vector.shape_cast %reduce_min3A_96 : vector<256xi32> to vector<256x1xi32>
    %mul3A_98 = arith.constant 2048 : i32
    %mul3A_99 = arith.muli %arg0, %mul3A_98 : i32
    %add3A_100 = vector.broadcast %mul3A_99 : i32 to vector<256x1xi32>
    %add3A_101 = arith.addi %broadcast_in_dim3A_97, %add3A_100 : vector<256x1xi32>
    %eq3A_102 = vector.broadcast %broadcast_in_dim3A_97 : vector<256x1xi32> to vector<256x2048xi32>
    %eq3A_103 = arith.cmpi eq, %iota3A, %eq3A_102 : vector<256x2048xi32>
    %jit3A_104 = arith.constant 0x7F800000 : f32
    %broadcast_in_dim3A_105 = vector.broadcast %jit3A_104 : f32 to vector<256x2048xf32>
    %select_n3A_106 = arith.select %eq3A_103, %broadcast_in_dim3A_105, %select_n3A_86 : vector<256x2048xi1>, vector<256x2048xf32>
    %reduce_min3A_107 = arith.constant dense<0x7F800000> : vector<256xf32>
    %reduce_min3A_108 = vector.multi_reduction <minimumf>, %select_n3A_106, %reduce_min3A_107 [1] : vector<256x2048xf32> to vector<256xf32>
    %broadcast_in_dim3A_109 = vector.shape_cast %reduce_min3A_108 : vector<256xf32> to vector<256x1xf32>
    %eq3A_110 = vector.broadcast %broadcast_in_dim3A_109 : vector<256x1xf32> to vector<256x2048xf32>
    %eq3A_111 = arith.cmpf oeq, %select_n3A_106, %eq3A_110 : vector<256x2048xf32>
    %jit3A_112 = arith.constant 1073741824 : i32
    %broadcast_in_dim3A_113 = vector.broadcast %jit3A_112 : i32 to vector<256x2048xi32>
    %select_n3A_114 = arith.select %eq3A_111, %iota3A, %broadcast_in_dim3A_113 : vector<256x2048xi1>, vector<256x2048xi32>
    %reduce_min3A_115 = arith.constant dense<2147483647> : vector<256xi32>
    %reduce_min3A_116 = vector.multi_reduction <minsi>, %select_n3A_114, %reduce_min3A_115 [1] : vector<256x2048xi32> to vector<256xi32>
    %broadcast_in_dim3A_117 = vector.shape_cast %reduce_min3A_116 : vector<256xi32> to vector<256x1xi32>
    %mul3A_118 = arith.constant 2048 : i32
    %mul3A_119 = arith.muli %arg0, %mul3A_118 : i32
    %add3A_120 = vector.broadcast %mul3A_119 : i32 to vector<256x1xi32>
    %add3A_121 = arith.addi %broadcast_in_dim3A_117, %add3A_120 : vector<256x1xi32>
    %eq3A_122 = vector.broadcast %broadcast_in_dim3A_117 : vector<256x1xi32> to vector<256x2048xi32>
    %eq3A_123 = arith.cmpi eq, %iota3A, %eq3A_122 : vector<256x2048xi32>
    %jit3A_124 = arith.constant 0x7F800000 : f32
    %broadcast_in_dim3A_125 = vector.broadcast %jit3A_124 : f32 to vector<256x2048xf32>
    %select_n3A_126 = arith.select %eq3A_123, %broadcast_in_dim3A_125, %select_n3A_106 : vector<256x2048xi1>, vector<256x2048xf32>
    %reduce_min3A_127 = arith.constant dense<0x7F800000> : vector<256xf32>
    %reduce_min3A_128 = vector.multi_reduction <minimumf>, %select_n3A_126, %reduce_min3A_127 [1] : vector<256x2048xf32> to vector<256xf32>
    %broadcast_in_dim3A_129 = vector.shape_cast %reduce_min3A_128 : vector<256xf32> to vector<256x1xf32>
    %eq3A_130 = vector.broadcast %broadcast_in_dim3A_129 : vector<256x1xf32> to vector<256x2048xf32>
    %eq3A_131 = arith.cmpf oeq, %select_n3A_126, %eq3A_130 : vector<256x2048xf32>
    %jit3A_132 = arith.constant 1073741824 : i32
    %broadcast_in_dim3A_133 = vector.broadcast %jit3A_132 : i32 to vector<256x2048xi32>
    %select_n3A_134 = arith.select %eq3A_131, %iota3A, %broadcast_in_dim3A_133 : vector<256x2048xi1>, vector<256x2048xi32>
    %reduce_min3A_135 = arith.constant dense<2147483647> : vector<256xi32>
    %reduce_min3A_136 = vector.multi_reduction <minsi>, %select_n3A_134, %reduce_min3A_135 [1] : vector<256x2048xi32> to vector<256xi32>
    %broadcast_in_dim3A_137 = vector.shape_cast %reduce_min3A_136 : vector<256xi32> to vector<256x1xi32>
    %mul3A_138 = arith.constant 2048 : i32
    %mul3A_139 = arith.muli %arg0, %mul3A_138 : i32
    %add3A_140 = vector.broadcast %mul3A_139 : i32 to vector<256x1xi32>
    %add3A_141 = arith.addi %broadcast_in_dim3A_137, %add3A_140 : vector<256x1xi32>
    %eq3A_142 = vector.broadcast %broadcast_in_dim3A_137 : vector<256x1xi32> to vector<256x2048xi32>
    %eq3A_143 = arith.cmpi eq, %iota3A, %eq3A_142 : vector<256x2048xi32>
    %jit3A_144 = arith.constant 0x7F800000 : f32
    %broadcast_in_dim3A_145 = vector.broadcast %jit3A_144 : f32 to vector<256x2048xf32>
    %select_n3A_146 = arith.select %eq3A_143, %broadcast_in_dim3A_145, %select_n3A_126 : vector<256x2048xi1>, vector<256x2048xf32>
    %reduce_min3A_147 = arith.constant dense<0x7F800000> : vector<256xf32>
    %reduce_min3A_148 = vector.multi_reduction <minimumf>, %select_n3A_146, %reduce_min3A_147 [1] : vector<256x2048xf32> to vector<256xf32>
    %broadcast_in_dim3A_149 = vector.shape_cast %reduce_min3A_148 : vector<256xf32> to vector<256x1xf32>
    %eq3A_150 = vector.broadcast %broadcast_in_dim3A_149 : vector<256x1xf32> to vector<256x2048xf32>
    %eq3A_151 = arith.cmpf oeq, %select_n3A_146, %eq3A_150 : vector<256x2048xf32>
    %jit3A_152 = arith.constant 1073741824 : i32
    %broadcast_in_dim3A_153 = vector.broadcast %jit3A_152 : i32 to vector<256x2048xi32>
    %select_n3A_154 = arith.select %eq3A_151, %iota3A, %broadcast_in_dim3A_153 : vector<256x2048xi1>, vector<256x2048xi32>
    %reduce_min3A_155 = arith.constant dense<2147483647> : vector<256xi32>
    %reduce_min3A_156 = vector.multi_reduction <minsi>, %select_n3A_154, %reduce_min3A_155 [1] : vector<256x2048xi32> to vector<256xi32>
    %broadcast_in_dim3A_157 = vector.shape_cast %reduce_min3A_156 : vector<256xi32> to vector<256x1xi32>
    %mul3A_158 = arith.constant 2048 : i32
    %mul3A_159 = arith.muli %arg0, %mul3A_158 : i32
    %add3A_160 = vector.broadcast %mul3A_159 : i32 to vector<256x1xi32>
    %add3A_161 = arith.addi %broadcast_in_dim3A_157, %add3A_160 : vector<256x1xi32>
    %eq3A_162 = vector.broadcast %broadcast_in_dim3A_157 : vector<256x1xi32> to vector<256x2048xi32>
    %eq3A_163 = arith.cmpi eq, %iota3A, %eq3A_162 : vector<256x2048xi32>
    %jit3A_164 = arith.constant 0x7F800000 : f32
    %broadcast_in_dim3A_165 = vector.broadcast %jit3A_164 : f32 to vector<256x2048xf32>
    %select_n3A_166 = arith.select %eq3A_163, %broadcast_in_dim3A_165, %select_n3A_146 : vector<256x2048xi1>, vector<256x2048xf32>
    %reduce_min3A_167 = arith.constant dense<0x7F800000> : vector<256xf32>
    %reduce_min3A_168 = vector.multi_reduction <minimumf>, %select_n3A_166, %reduce_min3A_167 [1] : vector<256x2048xf32> to vector<256xf32>
    %broadcast_in_dim3A_169 = vector.shape_cast %reduce_min3A_168 : vector<256xf32> to vector<256x1xf32>
    %eq3A_170 = vector.broadcast %broadcast_in_dim3A_169 : vector<256x1xf32> to vector<256x2048xf32>
    %eq3A_171 = arith.cmpf oeq, %select_n3A_166, %eq3A_170 : vector<256x2048xf32>
    %jit3A_172 = arith.constant 1073741824 : i32
    %broadcast_in_dim3A_173 = vector.broadcast %jit3A_172 : i32 to vector<256x2048xi32>
    %select_n3A_174 = arith.select %eq3A_171, %iota3A, %broadcast_in_dim3A_173 : vector<256x2048xi1>, vector<256x2048xi32>
    %reduce_min3A_175 = arith.constant dense<2147483647> : vector<256xi32>
    %reduce_min3A_176 = vector.multi_reduction <minsi>, %select_n3A_174, %reduce_min3A_175 [1] : vector<256x2048xi32> to vector<256xi32>
    %broadcast_in_dim3A_177 = vector.shape_cast %reduce_min3A_176 : vector<256xi32> to vector<256x1xi32>
    %mul3A_178 = arith.constant 2048 : i32
    %mul3A_179 = arith.muli %arg0, %mul3A_178 : i32
    %add3A_180 = vector.broadcast %mul3A_179 : i32 to vector<256x1xi32>
    %add3A_181 = arith.addi %broadcast_in_dim3A_177, %add3A_180 : vector<256x1xi32>
    %eq3A_182 = vector.broadcast %broadcast_in_dim3A_177 : vector<256x1xi32> to vector<256x2048xi32>
    %eq3A_183 = arith.cmpi eq, %iota3A, %eq3A_182 : vector<256x2048xi32>
    %jit3A_184 = arith.constant 0x7F800000 : f32
    %broadcast_in_dim3A_185 = vector.broadcast %jit3A_184 : f32 to vector<256x2048xf32>
    %select_n3A_186 = arith.select %eq3A_183, %broadcast_in_dim3A_185, %select_n3A_166 : vector<256x2048xi1>, vector<256x2048xf32>
    %reduce_min3A_187 = arith.constant dense<0x7F800000> : vector<256xf32>
    %reduce_min3A_188 = vector.multi_reduction <minimumf>, %select_n3A_186, %reduce_min3A_187 [1] : vector<256x2048xf32> to vector<256xf32>
    %broadcast_in_dim3A_189 = vector.shape_cast %reduce_min3A_188 : vector<256xf32> to vector<256x1xf32>
    %eq3A_190 = vector.broadcast %broadcast_in_dim3A_189 : vector<256x1xf32> to vector<256x2048xf32>
    %eq3A_191 = arith.cmpf oeq, %select_n3A_186, %eq3A_190 : vector<256x2048xf32>
    %jit3A_192 = arith.constant 1073741824 : i32
    %broadcast_in_dim3A_193 = vector.broadcast %jit3A_192 : i32 to vector<256x2048xi32>
    %select_n3A_194 = arith.select %eq3A_191, %iota3A, %broadcast_in_dim3A_193 : vector<256x2048xi1>, vector<256x2048xi32>
    %reduce_min3A_195 = arith.constant dense<2147483647> : vector<256xi32>
    %reduce_min3A_196 = vector.multi_reduction <minsi>, %select_n3A_194, %reduce_min3A_195 [1] : vector<256x2048xi32> to vector<256xi32>
    %broadcast_in_dim3A_197 = vector.shape_cast %reduce_min3A_196 : vector<256xi32> to vector<256x1xi32>
    %mul3A_198 = arith.constant 2048 : i32
    %mul3A_199 = arith.muli %arg0, %mul3A_198 : i32
    %add3A_200 = vector.broadcast %mul3A_199 : i32 to vector<256x1xi32>
    %add3A_201 = arith.addi %broadcast_in_dim3A_197, %add3A_200 : vector<256x1xi32>
    %eq3A_202 = vector.broadcast %broadcast_in_dim3A_197 : vector<256x1xi32> to vector<256x2048xi32>
    %eq3A_203 = arith.cmpi eq, %iota3A, %eq3A_202 : vector<256x2048xi32>
    %jit3A_204 = arith.constant 0x7F800000 : f32
    %broadcast_in_dim3A_205 = vector.broadcast %jit3A_204 : f32 to vector<256x2048xf32>
    %select_n3A_206 = arith.select %eq3A_203, %broadcast_in_dim3A_205, %select_n3A_186 : vector<256x2048xi1>, vector<256x2048xf32>
    %reduce_min3A_207 = arith.constant dense<0x7F800000> : vector<256xf32>
    %reduce_min3A_208 = vector.multi_reduction <minimumf>, %select_n3A_206, %reduce_min3A_207 [1] : vector<256x2048xf32> to vector<256xf32>
    %broadcast_in_dim3A_209 = vector.shape_cast %reduce_min3A_208 : vector<256xf32> to vector<256x1xf32>
    %eq3A_210 = vector.broadcast %broadcast_in_dim3A_209 : vector<256x1xf32> to vector<256x2048xf32>
    %eq3A_211 = arith.cmpf oeq, %select_n3A_206, %eq3A_210 : vector<256x2048xf32>
    %jit3A_212 = arith.constant 1073741824 : i32
    %broadcast_in_dim3A_213 = vector.broadcast %jit3A_212 : i32 to vector<256x2048xi32>
    %select_n3A_214 = arith.select %eq3A_211, %iota3A, %broadcast_in_dim3A_213 : vector<256x2048xi1>, vector<256x2048xi32>
    %reduce_min3A_215 = arith.constant dense<2147483647> : vector<256xi32>
    %reduce_min3A_216 = vector.multi_reduction <minsi>, %select_n3A_214, %reduce_min3A_215 [1] : vector<256x2048xi32> to vector<256xi32>
    %broadcast_in_dim3A_217 = vector.shape_cast %reduce_min3A_216 : vector<256xi32> to vector<256x1xi32>
    %mul3A_218 = arith.constant 2048 : i32
    %mul3A_219 = arith.muli %arg0, %mul3A_218 : i32
    %add3A_220 = vector.broadcast %mul3A_219 : i32 to vector<256x1xi32>
    %add3A_221 = arith.addi %broadcast_in_dim3A_217, %add3A_220 : vector<256x1xi32>
    %eq3A_222 = vector.broadcast %broadcast_in_dim3A_217 : vector<256x1xi32> to vector<256x2048xi32>
    %eq3A_223 = arith.cmpi eq, %iota3A, %eq3A_222 : vector<256x2048xi32>
    %jit3A_224 = arith.constant 0x7F800000 : f32
    %broadcast_in_dim3A_225 = vector.broadcast %jit3A_224 : f32 to vector<256x2048xf32>
    %select_n3A_226 = arith.select %eq3A_223, %broadcast_in_dim3A_225, %select_n3A_206 : vector<256x2048xi1>, vector<256x2048xf32>
    %reduce_min3A_227 = arith.constant dense<0x7F800000> : vector<256xf32>
    %reduce_min3A_228 = vector.multi_reduction <minimumf>, %select_n3A_226, %reduce_min3A_227 [1] : vector<256x2048xf32> to vector<256xf32>
    %broadcast_in_dim3A_229 = vector.shape_cast %reduce_min3A_228 : vector<256xf32> to vector<256x1xf32>
    %eq3A_230 = vector.broadcast %broadcast_in_dim3A_229 : vector<256x1xf32> to vector<256x2048xf32>
    %eq3A_231 = arith.cmpf oeq, %select_n3A_226, %eq3A_230 : vector<256x2048xf32>
    %jit3A_232 = arith.constant 1073741824 : i32
    %broadcast_in_dim3A_233 = vector.broadcast %jit3A_232 : i32 to vector<256x2048xi32>
    %select_n3A_234 = arith.select %eq3A_231, %iota3A, %broadcast_in_dim3A_233 : vector<256x2048xi1>, vector<256x2048xi32>
    %reduce_min3A_235 = arith.constant dense<2147483647> : vector<256xi32>
    %reduce_min3A_236 = vector.multi_reduction <minsi>, %select_n3A_234, %reduce_min3A_235 [1] : vector<256x2048xi32> to vector<256xi32>
    %broadcast_in_dim3A_237 = vector.shape_cast %reduce_min3A_236 : vector<256xi32> to vector<256x1xi32>
    %mul3A_238 = arith.constant 2048 : i32
    %mul3A_239 = arith.muli %arg0, %mul3A_238 : i32
    %add3A_240 = vector.broadcast %mul3A_239 : i32 to vector<256x1xi32>
    %add3A_241 = arith.addi %broadcast_in_dim3A_237, %add3A_240 : vector<256x1xi32>
    %eq3A_242 = vector.broadcast %broadcast_in_dim3A_237 : vector<256x1xi32> to vector<256x2048xi32>
    %eq3A_243 = arith.cmpi eq, %iota3A, %eq3A_242 : vector<256x2048xi32>
    %jit3A_244 = arith.constant 0x7F800000 : f32
    %broadcast_in_dim3A_245 = vector.broadcast %jit3A_244 : f32 to vector<256x2048xf32>
    %select_n3A_246 = arith.select %eq3A_243, %broadcast_in_dim3A_245, %select_n3A_226 : vector<256x2048xi1>, vector<256x2048xf32>
    %reduce_min3A_247 = arith.constant dense<0x7F800000> : vector<256xf32>
    %reduce_min3A_248 = vector.multi_reduction <minimumf>, %select_n3A_246, %reduce_min3A_247 [1] : vector<256x2048xf32> to vector<256xf32>
    %broadcast_in_dim3A_249 = vector.shape_cast %reduce_min3A_248 : vector<256xf32> to vector<256x1xf32>
    %eq3A_250 = vector.broadcast %broadcast_in_dim3A_249 : vector<256x1xf32> to vector<256x2048xf32>
    %eq3A_251 = arith.cmpf oeq, %select_n3A_246, %eq3A_250 : vector<256x2048xf32>
    %jit3A_252 = arith.constant 1073741824 : i32
    %broadcast_in_dim3A_253 = vector.broadcast %jit3A_252 : i32 to vector<256x2048xi32>
    %select_n3A_254 = arith.select %eq3A_251, %iota3A, %broadcast_in_dim3A_253 : vector<256x2048xi1>, vector<256x2048xi32>
    %reduce_min3A_255 = arith.constant dense<2147483647> : vector<256xi32>
    %reduce_min3A_256 = vector.multi_reduction <minsi>, %select_n3A_254, %reduce_min3A_255 [1] : vector<256x2048xi32> to vector<256xi32>
    %broadcast_in_dim3A_257 = vector.shape_cast %reduce_min3A_256 : vector<256xi32> to vector<256x1xi32>
    %mul3A_258 = arith.constant 2048 : i32
    %mul3A_259 = arith.muli %arg0, %mul3A_258 : i32
    %add3A_260 = vector.broadcast %mul3A_259 : i32 to vector<256x1xi32>
    %add3A_261 = arith.addi %broadcast_in_dim3A_257, %add3A_260 : vector<256x1xi32>
    %eq3A_262 = vector.broadcast %broadcast_in_dim3A_257 : vector<256x1xi32> to vector<256x2048xi32>
    %eq3A_263 = arith.cmpi eq, %iota3A, %eq3A_262 : vector<256x2048xi32>
    %jit3A_264 = arith.constant 0x7F800000 : f32
    %broadcast_in_dim3A_265 = vector.broadcast %jit3A_264 : f32 to vector<256x2048xf32>
    %select_n3A_266 = arith.select %eq3A_263, %broadcast_in_dim3A_265, %select_n3A_246 : vector<256x2048xi1>, vector<256x2048xf32>
    %reduce_min3A_267 = arith.constant dense<0x7F800000> : vector<256xf32>
    %reduce_min3A_268 = vector.multi_reduction <minimumf>, %select_n3A_266, %reduce_min3A_267 [1] : vector<256x2048xf32> to vector<256xf32>
    %broadcast_in_dim3A_269 = vector.shape_cast %reduce_min3A_268 : vector<256xf32> to vector<256x1xf32>
    %eq3A_270 = vector.broadcast %broadcast_in_dim3A_269 : vector<256x1xf32> to vector<256x2048xf32>
    %eq3A_271 = arith.cmpf oeq, %select_n3A_266, %eq3A_270 : vector<256x2048xf32>
    %jit3A_272 = arith.constant 1073741824 : i32
    %broadcast_in_dim3A_273 = vector.broadcast %jit3A_272 : i32 to vector<256x2048xi32>
    %select_n3A_274 = arith.select %eq3A_271, %iota3A, %broadcast_in_dim3A_273 : vector<256x2048xi1>, vector<256x2048xi32>
    %reduce_min3A_275 = arith.constant dense<2147483647> : vector<256xi32>
    %reduce_min3A_276 = vector.multi_reduction <minsi>, %select_n3A_274, %reduce_min3A_275 [1] : vector<256x2048xi32> to vector<256xi32>
    %broadcast_in_dim3A_277 = vector.shape_cast %reduce_min3A_276 : vector<256xi32> to vector<256x1xi32>
    %mul3A_278 = arith.constant 2048 : i32
    %mul3A_279 = arith.muli %arg0, %mul3A_278 : i32
    %add3A_280 = vector.broadcast %mul3A_279 : i32 to vector<256x1xi32>
    %add3A_281 = arith.addi %broadcast_in_dim3A_277, %add3A_280 : vector<256x1xi32>
    %eq3A_282 = vector.broadcast %broadcast_in_dim3A_277 : vector<256x1xi32> to vector<256x2048xi32>
    %eq3A_283 = arith.cmpi eq, %iota3A, %eq3A_282 : vector<256x2048xi32>
    %jit3A_284 = arith.constant 0x7F800000 : f32
    %broadcast_in_dim3A_285 = vector.broadcast %jit3A_284 : f32 to vector<256x2048xf32>
    %select_n3A_286 = arith.select %eq3A_283, %broadcast_in_dim3A_285, %select_n3A_266 : vector<256x2048xi1>, vector<256x2048xf32>
    %reduce_min3A_287 = arith.constant dense<0x7F800000> : vector<256xf32>
    %reduce_min3A_288 = vector.multi_reduction <minimumf>, %select_n3A_286, %reduce_min3A_287 [1] : vector<256x2048xf32> to vector<256xf32>
    %broadcast_in_dim3A_289 = vector.shape_cast %reduce_min3A_288 : vector<256xf32> to vector<256x1xf32>
    %eq3A_290 = vector.broadcast %broadcast_in_dim3A_289 : vector<256x1xf32> to vector<256x2048xf32>
    %eq3A_291 = arith.cmpf oeq, %select_n3A_286, %eq3A_290 : vector<256x2048xf32>
    %jit3A_292 = arith.constant 1073741824 : i32
    %broadcast_in_dim3A_293 = vector.broadcast %jit3A_292 : i32 to vector<256x2048xi32>
    %select_n3A_294 = arith.select %eq3A_291, %iota3A, %broadcast_in_dim3A_293 : vector<256x2048xi1>, vector<256x2048xi32>
    %reduce_min3A_295 = arith.constant dense<2147483647> : vector<256xi32>
    %reduce_min3A_296 = vector.multi_reduction <minsi>, %select_n3A_294, %reduce_min3A_295 [1] : vector<256x2048xi32> to vector<256xi32>
    %broadcast_in_dim3A_297 = vector.shape_cast %reduce_min3A_296 : vector<256xi32> to vector<256x1xi32>
    %mul3A_298 = arith.constant 2048 : i32
    %mul3A_299 = arith.muli %arg0, %mul3A_298 : i32
    %add3A_300 = vector.broadcast %mul3A_299 : i32 to vector<256x1xi32>
    %add3A_301 = arith.addi %broadcast_in_dim3A_297, %add3A_300 : vector<256x1xi32>
    %eq3A_302 = vector.broadcast %broadcast_in_dim3A_297 : vector<256x1xi32> to vector<256x2048xi32>
    %eq3A_303 = arith.cmpi eq, %iota3A, %eq3A_302 : vector<256x2048xi32>
    %jit3A_304 = arith.constant 0x7F800000 : f32
    %broadcast_in_dim3A_305 = vector.broadcast %jit3A_304 : f32 to vector<256x2048xf32>
    %select_n3A_306 = arith.select %eq3A_303, %broadcast_in_dim3A_305, %select_n3A_286 : vector<256x2048xi1>, vector<256x2048xf32>
    %reduce_min3A_307 = arith.constant dense<0x7F800000> : vector<256xf32>
    %reduce_min3A_308 = vector.multi_reduction <minimumf>, %select_n3A_306, %reduce_min3A_307 [1] : vector<256x2048xf32> to vector<256xf32>
    %broadcast_in_dim3A_309 = vector.shape_cast %reduce_min3A_308 : vector<256xf32> to vector<256x1xf32>
    %eq3A_310 = vector.broadcast %broadcast_in_dim3A_309 : vector<256x1xf32> to vector<256x2048xf32>
    %eq3A_311 = arith.cmpf oeq, %select_n3A_306, %eq3A_310 : vector<256x2048xf32>
    %jit3A_312 = arith.constant 1073741824 : i32
    %broadcast_in_dim3A_313 = vector.broadcast %jit3A_312 : i32 to vector<256x2048xi32>
    %select_n3A_314 = arith.select %eq3A_311, %iota3A, %broadcast_in_dim3A_313 : vector<256x2048xi1>, vector<256x2048xi32>
    %reduce_min3A_315 = arith.constant dense<2147483647> : vector<256xi32>
    %reduce_min3A_316 = vector.multi_reduction <minsi>, %select_n3A_314, %reduce_min3A_315 [1] : vector<256x2048xi32> to vector<256xi32>
    %broadcast_in_dim3A_317 = vector.shape_cast %reduce_min3A_316 : vector<256xi32> to vector<256x1xi32>
    %mul3A_318 = arith.constant 2048 : i32
    %mul3A_319 = arith.muli %arg0, %mul3A_318 : i32
    %add3A_320 = vector.broadcast %mul3A_319 : i32 to vector<256x1xi32>
    %add3A_321 = arith.addi %broadcast_in_dim3A_317, %add3A_320 : vector<256x1xi32>
    %eq3A_322 = vector.broadcast %broadcast_in_dim3A_317 : vector<256x1xi32> to vector<256x2048xi32>
    %eq3A_323 = arith.cmpi eq, %iota3A, %eq3A_322 : vector<256x2048xi32>
    %jit3A_324 = arith.constant 0x7F800000 : f32
    %broadcast_in_dim3A_325 = vector.broadcast %jit3A_324 : f32 to vector<256x2048xf32>
    %select_n3A_326 = arith.select %eq3A_323, %broadcast_in_dim3A_325, %select_n3A_306 : vector<256x2048xi1>, vector<256x2048xf32>
    %reduce_min3A_327 = arith.constant dense<0x7F800000> : vector<256xf32>
    %reduce_min3A_328 = vector.multi_reduction <minimumf>, %select_n3A_326, %reduce_min3A_327 [1] : vector<256x2048xf32> to vector<256xf32>
    %broadcast_in_dim3A_329 = vector.shape_cast %reduce_min3A_328 : vector<256xf32> to vector<256x1xf32>
    %eq3A_330 = vector.broadcast %broadcast_in_dim3A_329 : vector<256x1xf32> to vector<256x2048xf32>
    %eq3A_331 = arith.cmpf oeq, %select_n3A_326, %eq3A_330 : vector<256x2048xf32>
    %jit3A_332 = arith.constant 1073741824 : i32
    %broadcast_in_dim3A_333 = vector.broadcast %jit3A_332 : i32 to vector<256x2048xi32>
    %select_n3A_334 = arith.select %eq3A_331, %iota3A, %broadcast_in_dim3A_333 : vector<256x2048xi1>, vector<256x2048xi32>
    %reduce_min3A_335 = arith.constant dense<2147483647> : vector<256xi32>
    %reduce_min3A_336 = vector.multi_reduction <minsi>, %select_n3A_334, %reduce_min3A_335 [1] : vector<256x2048xi32> to vector<256xi32>
    %broadcast_in_dim3A_337 = vector.shape_cast %reduce_min3A_336 : vector<256xi32> to vector<256x1xi32>
    %mul3A_338 = arith.constant 2048 : i32
    %mul3A_339 = arith.muli %arg0, %mul3A_338 : i32
    %add3A_340 = vector.broadcast %mul3A_339 : i32 to vector<256x1xi32>
    %add3A_341 = arith.addi %broadcast_in_dim3A_337, %add3A_340 : vector<256x1xi32>
    %concatenate3A = tpu.concatenate %add3A_41, %add3A_61, %add3A_81, %add3A_101, %add3A_121, %add3A_141, %add3A_161, %add3A_181, %add3A_201, %add3A_221, %add3A_241, %add3A_261, %add3A_281, %add3A_301, %add3A_321, %add3A_341 in 1 : vector<256x1xi32>, vector<256x1xi32>, vector<256x1xi32>, vector<256x1xi32>, vector<256x1xi32>, vector<256x1xi32>, vector<256x1xi32>, vector<256x1xi32>, vector<256x1xi32>, vector<256x1xi32>, vector<256x1xi32>, vector<256x1xi32>, vector<256x1xi32>, vector<256x1xi32>, vector<256x1xi32>, vector<256x1xi32> -> vector<256x16xi32>
    %swap3A = arith.constant 0 : index
    %swap3A_342 = arith.constant 0 : index
    %swap3A_343 = vector.load %arg4[%swap3A, %swap3A_342] : memref<256x16xi32, #tpu.memory_space<vmem>>, vector<256x16xi32>
    tpu.vector_store %arg4[%swap3A, %swap3A_342], %concatenate3A {strides = array<i32>} : memref<256x16xi32, #tpu.memory_space<vmem>>, vector<256x16xi32>,
    return
  }
  func.func @transform_0(%arg0: i32, %arg1: i32) -> (i32, i32) {
    %mul3A = arith.constant 8 : i32
    %mul3A_0 = arith.muli %arg0, %mul3A : i32
    %add3A = arith.addi %mul3A_0, %arg1 : i32
    %c0_i32 = arith.constant 0 : i32
    %c0_i32_1 = arith.constant 0 : i32
    return %add3A, %c0_i32 : i32, i32
  }
  func.func @transform_1(%arg0: i32, %arg1: i32) -> (i32, i32) {
    %c0_i32 = arith.constant 0 : i32
    %c0_i32_0 = arith.constant 0 : i32
    return %c0_i32, %arg0 : i32, i32
  }
  func.func @transform_2(%arg0: i32, %arg1: i32) -> (i32, i32) {
    %mul3A = arith.constant 8 : i32
    %mul3A_0 = arith.muli %arg0, %mul3A : i32
    %add3A = arith.addi %mul3A_0, %arg1 : i32
    %c0_i32 = arith.constant 0 : i32
    %c0_i32_1 = arith.constant 0 : i32
    return %add3A, %c0_i32 : i32, i32
  }
}

module attributes {stable_mosaic.version = 14 : i64} {
  func.func @_qkv_body(%arg0: i32, %arg1: memref<256x256xf32, #tpu.memory_space<vmem>>, %arg2: memref<256x256xf32, #tpu.memory_space<vmem>>, %arg3: memref<1x256xf32, #tpu.memory_space<vmem>>, %arg4: memref<256x256xf32, #tpu.memory_space<vmem>>, %arg5: memref<1x256xf32, #tpu.memory_space<vmem>>, %arg6: memref<256x256xf32, #tpu.memory_space<vmem>>, %arg7: memref<1x256xf32, #tpu.memory_space<vmem>>, %arg8: memref<256x256xf32, #tpu.memory_space<vmem>>, %arg9: memref<256x256xf32, #tpu.memory_space<vmem>>, %arg10: memref<256x256xf32, #tpu.memory_space<vmem>>) attributes {dimension_semantics = [#tpu.dimension_semantics<arbitrary>], iteration_bounds = array<i64: 32>, scalar_prefetch = 0 : i64, scratch_operands = 0 : i64, tpu.core_type = #tpu.core_type<tc>, window_params = [{transform_indices = @transform_0, window_bounds = array<i64: 256, 256>}, {pipeline_mode = #tpu.pipeline_mode<synchronous>, transform_indices = @transform_1, window_bounds = array<i64: 256, 256>}, {pipeline_mode = #tpu.pipeline_mode<synchronous>, transform_indices = @transform_2, window_bounds = array<i64: 1, 256>}, {pipeline_mode = #tpu.pipeline_mode<synchronous>, transform_indices = @transform_3, window_bounds = array<i64: 256, 256>}, {pipeline_mode = #tpu.pipeline_mode<synchronous>, transform_indices = @transform_4, window_bounds = array<i64: 1, 256>}, {pipeline_mode = #tpu.pipeline_mode<synchronous>, transform_indices = @transform_5, window_bounds = array<i64: 256, 256>}, {pipeline_mode = #tpu.pipeline_mode<synchronous>, transform_indices = @transform_6, window_bounds = array<i64: 1, 256>}, {transform_indices = @transform_7, window_bounds = array<i64: 256, 256>}, {transform_indices = @transform_8, window_bounds = array<i64: 256, 256>}, {transform_indices = @transform_9, window_bounds = array<i64: 256, 256>}]} {
    %get3A = arith.constant 0 : index
    %get3A_0 = arith.constant 0 : index
    %get3A_1 = vector.load %arg1[%get3A, %get3A_0] : memref<256x256xf32, #tpu.memory_space<vmem>>, vector<256x256xf32>
    %get3A_2 = arith.constant 0 : index
    %get3A_3 = arith.constant 0 : index
    %get3A_4 = vector.load %arg2[%get3A_2, %get3A_3] : memref<256x256xf32, #tpu.memory_space<vmem>>, vector<256x256xf32>
    %dot_general3A = arith.constant dense<0.000000e+00> : vector<256x256xf32>
    %dot_general3A_5 = tpu.matmul %get3A_1, %get3A_4, %dot_general3A {dimension_numbers = #tpu.dot_dimension_numbers<[1], [0], [0], [1], [0, 0, 1, 1], [], []>, transpose_lhs_hint = false} : vector<256x256xf32>, vector<256x256xf32>, vector<256x256xf32> -> vector<256x256xf32>
    %get3A_6 = arith.constant 0 : index
    %get3A_7 = arith.constant 0 : index
    %get3A_8 = vector.load %arg3[%get3A_6, %get3A_7] : memref<1x256xf32, #tpu.memory_space<vmem>>, vector<1x256xf32>
    %add3A = vector.broadcast %get3A_8 : vector<1x256xf32> to vector<256x256xf32>
    %add3A_9 = arith.addf %dot_general3A_5, %add3A : vector<256x256xf32>
    %swap3A = arith.constant 0 : index
    %swap3A_10 = arith.constant 0 : index
    %swap3A_11 = vector.load %arg8[%swap3A, %swap3A_10] : memref<256x256xf32, #tpu.memory_space<vmem>>, vector<256x256xf32>
    tpu.vector_store %arg8[%swap3A, %swap3A_10], %add3A_9 {strides = array<i32>} : memref<256x256xf32, #tpu.memory_space<vmem>>, vector<256x256xf32>,
    %get3A_12 = arith.constant 0 : index
    %get3A_13 = arith.constant 0 : index
    %get3A_14 = vector.load %arg4[%get3A_12, %get3A_13] : memref<256x256xf32, #tpu.memory_space<vmem>>, vector<256x256xf32>
    %dot_general3A_15 = arith.constant dense<0.000000e+00> : vector<256x256xf32>
    %dot_general3A_16 = tpu.matmul %get3A_1, %get3A_14, %dot_general3A_15 {dimension_numbers = #tpu.dot_dimension_numbers<[1], [0], [0], [1], [0, 0, 1, 1], [], []>, transpose_lhs_hint = false} : vector<256x256xf32>, vector<256x256xf32>, vector<256x256xf32> -> vector<256x256xf32>
    %get3A_17 = arith.constant 0 : index
    %get3A_18 = arith.constant 0 : index
    %get3A_19 = vector.load %arg5[%get3A_17, %get3A_18] : memref<1x256xf32, #tpu.memory_space<vmem>>, vector<1x256xf32>
    %add3A_20 = vector.broadcast %get3A_19 : vector<1x256xf32> to vector<256x256xf32>
    %add3A_21 = arith.addf %dot_general3A_16, %add3A_20 : vector<256x256xf32>
    %swap3A_22 = arith.constant 0 : index
    %swap3A_23 = arith.constant 0 : index
    %swap3A_24 = vector.load %arg9[%swap3A_22, %swap3A_23] : memref<256x256xf32, #tpu.memory_space<vmem>>, vector<256x256xf32>
    tpu.vector_store %arg9[%swap3A_22, %swap3A_23], %add3A_21 {strides = array<i32>} : memref<256x256xf32, #tpu.memory_space<vmem>>, vector<256x256xf32>,
    %get3A_25 = arith.constant 0 : index
    %get3A_26 = arith.constant 0 : index
    %get3A_27 = vector.load %arg6[%get3A_25, %get3A_26] : memref<256x256xf32, #tpu.memory_space<vmem>>, vector<256x256xf32>
    %dot_general3A_28 = arith.constant dense<0.000000e+00> : vector<256x256xf32>
    %dot_general3A_29 = tpu.matmul %get3A_1, %get3A_27, %dot_general3A_28 {dimension_numbers = #tpu.dot_dimension_numbers<[1], [0], [0], [1], [0, 0, 1, 1], [], []>, transpose_lhs_hint = false} : vector<256x256xf32>, vector<256x256xf32>, vector<256x256xf32> -> vector<256x256xf32>
    %get3A_30 = arith.constant 0 : index
    %get3A_31 = arith.constant 0 : index
    %get3A_32 = vector.load %arg7[%get3A_30, %get3A_31] : memref<1x256xf32, #tpu.memory_space<vmem>>, vector<1x256xf32>
    %add3A_33 = vector.broadcast %get3A_32 : vector<1x256xf32> to vector<256x256xf32>
    %add3A_34 = arith.addf %dot_general3A_29, %add3A_33 : vector<256x256xf32>
    %swap3A_35 = arith.constant 0 : index
    %swap3A_36 = arith.constant 0 : index
    %swap3A_37 = vector.load %arg10[%swap3A_35, %swap3A_36] : memref<256x256xf32, #tpu.memory_space<vmem>>, vector<256x256xf32>
    tpu.vector_store %arg10[%swap3A_35, %swap3A_36], %add3A_34 {strides = array<i32>} : memref<256x256xf32, #tpu.memory_space<vmem>>, vector<256x256xf32>,
    return
  }
  func.func @transform_0(%arg0: i32) -> (i32, i32) {
    %c0_i32 = arith.constant 0 : i32
    %c0_i32_0 = arith.constant 0 : i32
    return %arg0, %c0_i32 : i32, i32
  }
  func.func @transform_1(%arg0: i32) -> (i32, i32) {
    %c0_i32 = arith.constant 0 : i32
    %c0_i32_0 = arith.constant 0 : i32
    %c0_i32_1 = arith.constant 0 : i32
    return %c0_i32, %c0_i32_0 : i32, i32
  }
  func.func @transform_2(%arg0: i32) -> (i32, i32) {
    %c0_i32 = arith.constant 0 : i32
    %c0_i32_0 = arith.constant 0 : i32
    %c0_i32_1 = arith.constant 0 : i32
    return %c0_i32, %c0_i32_0 : i32, i32
  }
  func.func @transform_3(%arg0: i32) -> (i32, i32) {
    %c0_i32 = arith.constant 0 : i32
    %c0_i32_0 = arith.constant 0 : i32
    %c0_i32_1 = arith.constant 0 : i32
    return %c0_i32, %c0_i32_0 : i32, i32
  }
  func.func @transform_4(%arg0: i32) -> (i32, i32) {
    %c0_i32 = arith.constant 0 : i32
    %c0_i32_0 = arith.constant 0 : i32
    %c0_i32_1 = arith.constant 0 : i32
    return %c0_i32, %c0_i32_0 : i32, i32
  }
  func.func @transform_5(%arg0: i32) -> (i32, i32) {
    %c0_i32 = arith.constant 0 : i32
    %c0_i32_0 = arith.constant 0 : i32
    %c0_i32_1 = arith.constant 0 : i32
    return %c0_i32, %c0_i32_0 : i32, i32
  }
  func.func @transform_6(%arg0: i32) -> (i32, i32) {
    %c0_i32 = arith.constant 0 : i32
    %c0_i32_0 = arith.constant 0 : i32
    %c0_i32_1 = arith.constant 0 : i32
    return %c0_i32, %c0_i32_0 : i32, i32
  }
  func.func @transform_7(%arg0: i32) -> (i32, i32) {
    %c0_i32 = arith.constant 0 : i32
    %c0_i32_0 = arith.constant 0 : i32
    return %arg0, %c0_i32 : i32, i32
  }
  func.func @transform_8(%arg0: i32) -> (i32, i32) {
    %c0_i32 = arith.constant 0 : i32
    %c0_i32_0 = arith.constant 0 : i32
    return %arg0, %c0_i32 : i32, i32
  }
  func.func @transform_9(%arg0: i32) -> (i32, i32) {
    %c0_i32 = arith.constant 0 : i32
    %c0_i32_0 = arith.constant 0 : i32
    return %arg0, %c0_i32 : i32, i32
  }
}

module attributes {stable_mosaic.version = 14 : i64} {
  func.func @_hstats_body(%arg0: i32, %arg1: memref<256x16x16xf32, #tpu.memory_space<vmem>>, %arg2: memref<256x3xf32, #tpu.memory_space<vmem>>, %arg3: memref<3x3xf32, #tpu.memory_space<vmem>>, %arg4: memref<1x3xf32, #tpu.memory_space<vmem>>, %arg5: memref<8x128xf32, #tpu.memory_space<vmem>>) attributes {dimension_semantics = [#tpu.dimension_semantics<arbitrary>], iteration_bounds = array<i64: 32>, scalar_prefetch = 0 : i64, scratch_operands = 0 : i64, tpu.core_type = #tpu.core_type<tc>, window_params = [{transform_indices = @transform_0, window_bounds = array<i64: 256, 16, 16>}, {transform_indices = @transform_1, window_bounds = array<i64: 256, 3>}, {pipeline_mode = #tpu.pipeline_mode<synchronous>, transform_indices = @transform_2, window_bounds = array<i64: 3, 3>}, {pipeline_mode = #tpu.pipeline_mode<synchronous>, transform_indices = @transform_3, window_bounds = array<i64: 1, 3>}, {pipeline_mode = #tpu.pipeline_mode<synchronous>, transform_indices = @transform_4, window_bounds = array<i64: 8, 128>}]} {
    %eq3A = arith.constant 0 : i32
    %eq3A_0 = arith.cmpi eq, %arg0, %eq3A : i32
    %convert_element_type3A = arith.extui %eq3A_0 : i1 to i32
    %cond3A = arith.constant 0 : i32
    %cond3A_1 = arith.cmpi ne, %convert_element_type3A, %cond3A : i32
    scf.if %cond3A_1 {
      %broadcast_in_dim3A_35 = arith.constant 0.000000e+00 : f32
      %broadcast_in_dim3A_36 = vector.broadcast %broadcast_in_dim3A_35 : f32 to vector<8x128xf32>
      %swap3A_37 = arith.constant 0 : index
      %swap3A_38 = arith.constant 0 : index
      %swap3A_39 = vector.load %arg5[%swap3A_37, %swap3A_38] : memref<8x128xf32, #tpu.memory_space<vmem>>, vector<8x128xf32>
      tpu.vector_store %arg5[%swap3A_37, %swap3A_38], %broadcast_in_dim3A_36 {strides = array<i32>} : memref<8x128xf32, #tpu.memory_space<vmem>>, vector<8x128xf32>,
    } else {
    }
    %get3A = arith.constant 0 : index
    %get3A_2 = arith.constant 0 : index
    %get3A_3 = arith.constant 0 : index
    %get3A_4 = vector.load %arg1[%get3A, %get3A_2, %get3A_3] : memref<256x16x16xf32, #tpu.memory_space<vmem>>, vector<256x16x3xf32>
    %get3A_5 = arith.constant 0 : index
    %get3A_6 = arith.constant 0 : index
    %get3A_7 = vector.load %arg2[%get3A_5, %get3A_6] : memref<256x3xf32, #tpu.memory_space<vmem>>, vector<256x3xf32>
    %reshape3A = vector.shape_cast %get3A_7 : vector<256x3xf32> to vector<256x1x3xf32>
    %sub3A = vector.broadcast %reshape3A : vector<256x1x3xf32> to vector<256x16x3xf32>
    %sub3A_8 = arith.subf %get3A_4, %sub3A : vector<256x16x3xf32>
    %reshape3A_9 = vector.shape_cast %sub3A_8 : vector<256x16x3xf32> to vector<4096x3xf32>
    %get3A_10 = arith.constant 0 : index
    %get3A_11 = arith.constant 0 : index
    %get3A_12 = vector.load %arg3[%get3A_10, %get3A_11] : memref<3x3xf32, #tpu.memory_space<vmem>>, vector<3x3xf32>
    %dot_general3A = arith.constant dense<0.000000e+00> : vector<4096x3xf32>
    %dot_general3A_13 = tpu.matmul %reshape3A_9, %get3A_12, %dot_general3A {dimension_numbers = #tpu.dot_dimension_numbers<[1], [0], [0], [1], [0, 0, 1, 1], [], []>, transpose_lhs_hint = false} : vector<4096x3xf32>, vector<3x3xf32>, vector<4096x3xf32> -> vector<4096x3xf32>
    %get3A_14 = arith.constant 0 : index
    %get3A_15 = arith.constant 0 : index
    %get3A_16 = vector.load %arg4[%get3A_14, %get3A_15] : memref<1x3xf32, #tpu.memory_space<vmem>>, vector<1x3xf32>
    %add3A = vector.broadcast %get3A_16 : vector<1x3xf32> to vector<4096x3xf32>
    %add3A_17 = arith.addf %dot_general3A_13, %add3A : vector<4096x3xf32>
    %get3A_18 = arith.constant 0 : index
    %get3A_19 = arith.constant 0 : index
    %get3A_20 = vector.load %arg5[%get3A_18, %get3A_19] : memref<8x128xf32, #tpu.memory_space<vmem>>, vector<1x3xf32>
    %reduce_sum3A = arith.constant dense<0.000000e+00> : vector<3xf32>
    %reduce_sum3A_21 = vector.multi_reduction <add>, %add3A_17, %reduce_sum3A [0] : vector<4096x3xf32> to vector<3xf32>
    %broadcast_in_dim3A = vector.shape_cast %reduce_sum3A_21 : vector<3xf32> to vector<1x3xf32>
    %add3A_22 = arith.addf %get3A_20, %broadcast_in_dim3A : vector<1x3xf32>
    %swap3A = arith.constant 0 : index
    %swap3A_23 = arith.constant 0 : index
    %swap3A_24 = vector.load %arg5[%swap3A, %swap3A_23] : memref<8x128xf32, #tpu.memory_space<vmem>>, vector<1x3xf32>
    tpu.vector_store %arg5[%swap3A, %swap3A_23], %add3A_22 {strides = array<i32>} : memref<8x128xf32, #tpu.memory_space<vmem>>, vector<1x3xf32>,
    %get3A_25 = arith.constant 1 : index
    %get3A_26 = arith.constant 0 : index
    %get3A_27 = vector.load %arg5[%get3A_25, %get3A_26] : memref<8x128xf32, #tpu.memory_space<vmem>>, vector<1x3xf32>
    %mul3A = arith.mulf %add3A_17, %add3A_17 : vector<4096x3xf32>
    %reduce_sum3A_28 = arith.constant dense<0.000000e+00> : vector<3xf32>
    %reduce_sum3A_29 = vector.multi_reduction <add>, %mul3A, %reduce_sum3A_28 [0] : vector<4096x3xf32> to vector<3xf32>
    %broadcast_in_dim3A_30 = vector.shape_cast %reduce_sum3A_29 : vector<3xf32> to vector<1x3xf32>
    %add3A_31 = arith.addf %get3A_27, %broadcast_in_dim3A_30 : vector<1x3xf32>
    %swap3A_32 = arith.constant 1 : index
    %swap3A_33 = arith.constant 0 : index
    %swap3A_34 = vector.load %arg5[%swap3A_32, %swap3A_33] : memref<8x128xf32, #tpu.memory_space<vmem>>, vector<1x3xf32>
    tpu.vector_store %arg5[%swap3A_32, %swap3A_33], %add3A_31 {strides = array<i32>} : memref<8x128xf32, #tpu.memory_space<vmem>>, vector<1x3xf32>,
    return
  }
  func.func @transform_0(%arg0: i32) -> (i32, i32, i32) {
    %c0_i32 = arith.constant 0 : i32
    %c0_i32_0 = arith.constant 0 : i32
    %c0_i32_1 = arith.constant 0 : i32
    return %arg0, %c0_i32, %c0_i32_0 : i32, i32, i32
  }
  func.func @transform_1(%arg0: i32) -> (i32, i32) {
    %c0_i32 = arith.constant 0 : i32
    %c0_i32_0 = arith.constant 0 : i32
    return %arg0, %c0_i32 : i32, i32
  }
  func.func @transform_2(%arg0: i32) -> (i32, i32) {
    %c0_i32 = arith.constant 0 : i32
    %c0_i32_0 = arith.constant 0 : i32
    %c0_i32_1 = arith.constant 0 : i32
    return %c0_i32, %c0_i32_0 : i32, i32
  }
  func.func @transform_3(%arg0: i32) -> (i32, i32) {
    %c0_i32 = arith.constant 0 : i32
    %c0_i32_0 = arith.constant 0 : i32
    %c0_i32_1 = arith.constant 0 : i32
    return %c0_i32, %c0_i32_0 : i32, i32
  }
  func.func @transform_4(%arg0: i32) -> (i32, i32) {
    %c0_i32 = arith.constant 0 : i32
    %c0_i32_0 = arith.constant 0 : i32
    %c0_i32_1 = arith.constant 0 : i32
    return %c0_i32, %c0_i32_0 : i32, i32
  }
}

module attributes {stable_mosaic.version = 14 : i64} {
  func.func @_rstats_body(%arg0: i32, %arg1: memref<128x16x16xf32, #tpu.memory_space<vmem>>, %arg2: memref<128x3xf32, #tpu.memory_space<vmem>>, %arg3: memref<128x256xf32, #tpu.memory_space<vmem>>, %arg4: memref<128x16x256xf32, #tpu.memory_space<vmem>>, %arg5: memref<3x3xf32, #tpu.memory_space<vmem>>, %arg6: memref<1x3xf32, #tpu.memory_space<vmem>>, %arg7: memref<1x3xf32, #tpu.memory_space<vmem>>, %arg8: memref<1x3xf32, #tpu.memory_space<vmem>>, %arg9: memref<3x256xf32, #tpu.memory_space<vmem>>, %arg10: memref<1x256xf32, #tpu.memory_space<vmem>>, %arg11: memref<8x256xf32, #tpu.memory_space<vmem>>) attributes {dimension_semantics = [#tpu.dimension_semantics<arbitrary>], iteration_bounds = array<i64: 64>, scalar_prefetch = 0 : i64, scratch_operands = 0 : i64, tpu.core_type = #tpu.core_type<tc>, window_params = [{transform_indices = @transform_0, window_bounds = array<i64: 128, 16, 16>}, {transform_indices = @transform_1, window_bounds = array<i64: 128, 3>}, {transform_indices = @transform_2, window_bounds = array<i64: 128, 256>}, {transform_indices = @transform_3, window_bounds = array<i64: 128, 16, 256>}, {pipeline_mode = #tpu.pipeline_mode<synchronous>, transform_indices = @transform_4, window_bounds = array<i64: 3, 3>}, {pipeline_mode = #tpu.pipeline_mode<synchronous>, transform_indices = @transform_5, window_bounds = array<i64: 1, 3>}, {pipeline_mode = #tpu.pipeline_mode<synchronous>, transform_indices = @transform_6, window_bounds = array<i64: 1, 3>}, {pipeline_mode = #tpu.pipeline_mode<synchronous>, transform_indices = @transform_7, window_bounds = array<i64: 1, 3>}, {pipeline_mode = #tpu.pipeline_mode<synchronous>, transform_indices = @transform_8, window_bounds = array<i64: 3, 256>}, {pipeline_mode = #tpu.pipeline_mode<synchronous>, transform_indices = @transform_9, window_bounds = array<i64: 1, 256>}, {pipeline_mode = #tpu.pipeline_mode<synchronous>, transform_indices = @transform_10, window_bounds = array<i64: 8, 256>}]} {
    %eq3A = arith.constant 0 : i32
    %eq3A_0 = arith.cmpi eq, %arg0, %eq3A : i32
    %convert_element_type3A = arith.extui %eq3A_0 : i1 to i32
    %cond3A = arith.constant 0 : i32
    %cond3A_1 = arith.cmpi ne, %convert_element_type3A, %cond3A : i32
    scf.if %cond3A_1 {
      %broadcast_in_dim3A_70 = arith.constant 0.000000e+00 : f32
      %broadcast_in_dim3A_71 = vector.broadcast %broadcast_in_dim3A_70 : f32 to vector<8x256xf32>
      %swap3A_72 = arith.constant 0 : index
      %swap3A_73 = arith.constant 0 : index
      %swap3A_74 = vector.load %arg11[%swap3A_72, %swap3A_73] : memref<8x256xf32, #tpu.memory_space<vmem>>, vector<8x256xf32>
      tpu.vector_store %arg11[%swap3A_72, %swap3A_73], %broadcast_in_dim3A_71 {strides = array<i32>} : memref<8x256xf32, #tpu.memory_space<vmem>>, vector<8x256xf32>,
    } else {
    }
    %get3A = arith.constant 0 : index
    %get3A_2 = arith.constant 0 : index
    %get3A_3 = arith.constant 0 : index
    %get3A_4 = vector.load %arg1[%get3A, %get3A_2, %get3A_3] : memref<128x16x16xf32, #tpu.memory_space<vmem>>, vector<128x16x16xf32>
    %get3A_5 = arith.constant 0 : index
    %get3A_6 = arith.constant 0 : index
    %get3A_7 = vector.load %arg2[%get3A_5, %get3A_6] : memref<128x3xf32, #tpu.memory_space<vmem>>, vector<128x3xf32>
    %get3A_8 = arith.constant 0 : index
    %get3A_9 = arith.constant 0 : index
    %get3A_10 = vector.load %arg5[%get3A_8, %get3A_9] : memref<3x3xf32, #tpu.memory_space<vmem>>, vector<3x3xf32>
    %get3A_11 = arith.constant 0 : index
    %get3A_12 = arith.constant 0 : index
    %get3A_13 = vector.load %arg6[%get3A_11, %get3A_12] : memref<1x3xf32, #tpu.memory_space<vmem>>, vector<1x3xf32>
    %get3A_14 = arith.constant 0 : index
    %get3A_15 = arith.constant 0 : index
    %get3A_16 = vector.load %arg7[%get3A_14, %get3A_15] : memref<1x3xf32, #tpu.memory_space<vmem>>, vector<1x3xf32>
    %get3A_17 = arith.constant 0 : index
    %get3A_18 = arith.constant 0 : index
    %get3A_19 = vector.load %arg8[%get3A_17, %get3A_18] : memref<1x3xf32, #tpu.memory_space<vmem>>, vector<1x3xf32>
    %get3A_20 = arith.constant 0 : index
    %get3A_21 = arith.constant 0 : index
    %get3A_22 = vector.load %arg9[%get3A_20, %get3A_21] : memref<3x256xf32, #tpu.memory_space<vmem>>, vector<3x256xf32>
    %get3A_23 = arith.constant 0 : index
    %get3A_24 = arith.constant 0 : index
    %get3A_25 = vector.load %arg10[%get3A_23, %get3A_24] : memref<1x256xf32, #tpu.memory_space<vmem>>, vector<1x256xf32>
    %slice3A = vector.extract_strided_slice %get3A_4 {offsets = [0, 0, 0], sizes = [128, 16, 3], strides = [1, 1, 1]} : vector<128x16x16xf32> to vector<128x16x3xf32>
    %reshape3A = vector.shape_cast %get3A_7 : vector<128x3xf32> to vector<128x1x3xf32>
    %sub3A = vector.broadcast %reshape3A : vector<128x1x3xf32> to vector<128x16x3xf32>
    %sub3A_26 = arith.subf %slice3A, %sub3A : vector<128x16x3xf32>
    %reshape3A_27 = vector.shape_cast %sub3A_26 : vector<128x16x3xf32> to vector<2048x3xf32>
    %dot_general3A = arith.constant dense<0.000000e+00> : vector<2048x3xf32>
    %dot_general3A_28 = tpu.matmul %reshape3A_27, %get3A_10, %dot_general3A {dimension_numbers = #tpu.dot_dimension_numbers<[1], [0], [0], [1], [0, 0, 1, 1], [], []>, transpose_lhs_hint = false} : vector<2048x3xf32>, vector<3x3xf32>, vector<2048x3xf32> -> vector<2048x3xf32>
    %add3A = vector.broadcast %get3A_13 : vector<1x3xf32> to vector<2048x3xf32>
    %add3A_29 = arith.addf %dot_general3A_28, %add3A : vector<2048x3xf32>
    %mul3A = vector.broadcast %get3A_16 : vector<1x3xf32> to vector<2048x3xf32>
    %mul3A_30 = arith.mulf %add3A_29, %mul3A : vector<2048x3xf32>
    %add3A_31 = vector.broadcast %get3A_19 : vector<1x3xf32> to vector<2048x3xf32>
    %add3A_32 = arith.addf %mul3A_30, %add3A_31 : vector<2048x3xf32>
    %max3A = arith.constant 0.000000e+00 : f32
    %max3A_33 = vector.broadcast %max3A : f32 to vector<2048x3xf32>
    %max3A_34 = arith.maximumf %add3A_32, %max3A_33 : vector<2048x3xf32>
    %dot_general3A_35 = arith.constant dense<0.000000e+00> : vector<2048x256xf32>
    %dot_general3A_36 = tpu.matmul %max3A_34, %get3A_22, %dot_general3A_35 {dimension_numbers = #tpu.dot_dimension_numbers<[1], [0], [0], [1], [0, 0, 1, 1], [], []>, transpose_lhs_hint = false} : vector<2048x3xf32>, vector<3x256xf32>, vector<2048x256xf32> -> vector<2048x256xf32>
    %add3A_37 = vector.broadcast %get3A_25 : vector<1x256xf32> to vector<2048x256xf32>
    %add3A_38 = arith.addf %dot_general3A_36, %add3A_37 : vector<2048x256xf32>
    %reshape3A_39 = vector.shape_cast %add3A_38 : vector<2048x256xf32> to vector<128x16x256xf32>
    %get3A_40 = arith.constant 0 : index
    %get3A_41 = arith.constant 0 : index
    %get3A_42 = arith.constant 0 : index
    %get3A_43 = vector.load %arg4[%get3A_40, %get3A_41, %get3A_42] : memref<128x16x256xf32, #tpu.memory_space<vmem>>, vector<128x16x256xf32>
    %get3A_44 = arith.constant 0 : index
    %get3A_45 = arith.constant 0 : index
    %get3A_46 = vector.load %arg3[%get3A_44, %get3A_45] : memref<128x256xf32, #tpu.memory_space<vmem>>, vector<128x256xf32>
    %reshape3A_47 = vector.shape_cast %get3A_46 : vector<128x256xf32> to vector<128x1x256xf32>
    %sub3A_48 = vector.broadcast %reshape3A_47 : vector<128x1x256xf32> to vector<128x16x256xf32>
    %sub3A_49 = arith.subf %get3A_43, %sub3A_48 : vector<128x16x256xf32>
    %add3A_50 = arith.addf %sub3A_49, %reshape3A_39 : vector<128x16x256xf32>
    %reshape3A_51 = vector.shape_cast %add3A_50 : vector<128x16x256xf32> to vector<2048x256xf32>
    %get3A_52 = arith.constant 0 : index
    %get3A_53 = arith.constant 0 : index
    %get3A_54 = vector.load %arg11[%get3A_52, %get3A_53] : memref<8x256xf32, #tpu.memory_space<vmem>>, vector<1x256xf32>
    %reduce_sum3A = arith.constant dense<0.000000e+00> : vector<256xf32>
    %reduce_sum3A_55 = vector.multi_reduction <add>, %reshape3A_51, %reduce_sum3A [0] : vector<2048x256xf32> to vector<256xf32>
    %broadcast_in_dim3A = vector.shape_cast %reduce_sum3A_55 : vector<256xf32> to vector<1x256xf32>
    %add3A_56 = arith.addf %get3A_54, %broadcast_in_dim3A : vector<1x256xf32>
    %swap3A = arith.constant 0 : index
    %swap3A_57 = arith.constant 0 : index
    %swap3A_58 = vector.load %arg11[%swap3A, %swap3A_57] : memref<8x256xf32, #tpu.memory_space<vmem>>, vector<1x256xf32>
    tpu.vector_store %arg11[%swap3A, %swap3A_57], %add3A_56 {strides = array<i32>} : memref<8x256xf32, #tpu.memory_space<vmem>>, vector<1x256xf32>,
    %get3A_59 = arith.constant 1 : index
    %get3A_60 = arith.constant 0 : index
    %get3A_61 = vector.load %arg11[%get3A_59, %get3A_60] : memref<8x256xf32, #tpu.memory_space<vmem>>, vector<1x256xf32>
    %mul3A_62 = arith.mulf %reshape3A_51, %reshape3A_51 : vector<2048x256xf32>
    %reduce_sum3A_63 = arith.constant dense<0.000000e+00> : vector<256xf32>
    %reduce_sum3A_64 = vector.multi_reduction <add>, %mul3A_62, %reduce_sum3A_63 [0] : vector<2048x256xf32> to vector<256xf32>
    %broadcast_in_dim3A_65 = vector.shape_cast %reduce_sum3A_64 : vector<256xf32> to vector<1x256xf32>
    %add3A_66 = arith.addf %get3A_61, %broadcast_in_dim3A_65 : vector<1x256xf32>
    %swap3A_67 = arith.constant 1 : index
    %swap3A_68 = arith.constant 0 : index
    %swap3A_69 = vector.load %arg11[%swap3A_67, %swap3A_68] : memref<8x256xf32, #tpu.memory_space<vmem>>, vector<1x256xf32>
    tpu.vector_store %arg11[%swap3A_67, %swap3A_68], %add3A_66 {strides = array<i32>} : memref<8x256xf32, #tpu.memory_space<vmem>>, vector<1x256xf32>,
    return
  }
  func.func @transform_0(%arg0: i32) -> (i32, i32, i32) {
    %c0_i32 = arith.constant 0 : i32
    %c0_i32_0 = arith.constant 0 : i32
    %c0_i32_1 = arith.constant 0 : i32
    return %arg0, %c0_i32, %c0_i32_0 : i32, i32, i32
  }
  func.func @transform_1(%arg0: i32) -> (i32, i32) {
    %c0_i32 = arith.constant 0 : i32
    %c0_i32_0 = arith.constant 0 : i32
    return %arg0, %c0_i32 : i32, i32
  }
  func.func @transform_2(%arg0: i32) -> (i32, i32) {
    %c0_i32 = arith.constant 0 : i32
    %c0_i32_0 = arith.constant 0 : i32
    return %arg0, %c0_i32 : i32, i32
  }
  func.func @transform_3(%arg0: i32) -> (i32, i32, i32) {
    %c0_i32 = arith.constant 0 : i32
    %c0_i32_0 = arith.constant 0 : i32
    %c0_i32_1 = arith.constant 0 : i32
    return %arg0, %c0_i32, %c0_i32_0 : i32, i32, i32
  }
  func.func @transform_4(%arg0: i32) -> (i32, i32) {
    %c0_i32 = arith.constant 0 : i32
    %c0_i32_0 = arith.constant 0 : i32
    %c0_i32_1 = arith.constant 0 : i32
    return %c0_i32, %c0_i32_0 : i32, i32
  }
  func.func @transform_5(%arg0: i32) -> (i32, i32) {
    %c0_i32 = arith.constant 0 : i32
    %c0_i32_0 = arith.constant 0 : i32
    %c0_i32_1 = arith.constant 0 : i32
    return %c0_i32, %c0_i32_0 : i32, i32
  }
  func.func @transform_6(%arg0: i32) -> (i32, i32) {
    %c0_i32 = arith.constant 0 : i32
    %c0_i32_0 = arith.constant 0 : i32
    %c0_i32_1 = arith.constant 0 : i32
    return %c0_i32, %c0_i32_0 : i32, i32
  }
  func.func @transform_7(%arg0: i32) -> (i32, i32) {
    %c0_i32 = arith.constant 0 : i32
    %c0_i32_0 = arith.constant 0 : i32
    %c0_i32_1 = arith.constant 0 : i32
    return %c0_i32, %c0_i32_0 : i32, i32
  }
  func.func @transform_8(%arg0: i32) -> (i32, i32) {
    %c0_i32 = arith.constant 0 : i32
    %c0_i32_0 = arith.constant 0 : i32
    %c0_i32_1 = arith.constant 0 : i32
    return %c0_i32, %c0_i32_0 : i32, i32
  }
  func.func @transform_9(%arg0: i32) -> (i32, i32) {
    %c0_i32 = arith.constant 0 : i32
    %c0_i32_0 = arith.constant 0 : i32
    %c0_i32_1 = arith.constant 0 : i32
    return %c0_i32, %c0_i32_0 : i32, i32
  }
  func.func @transform_10(%arg0: i32) -> (i32, i32) {
    %c0_i32 = arith.constant 0 : i32
    %c0_i32_0 = arith.constant 0 : i32
    %c0_i32_1 = arith.constant 0 : i32
    return %c0_i32, %c0_i32_0 : i32, i32
  }
}

module attributes {stable_mosaic.version = 14 : i64} {
  func.func @_w1_body(%arg0: i32, %arg1: memref<128x16x16xf32, #tpu.memory_space<vmem>>, %arg2: memref<128x3xf32, #tpu.memory_space<vmem>>, %arg3: memref<128x256xf32, #tpu.memory_space<vmem>>, %arg4: memref<128x16x256xf32, #tpu.memory_space<vmem>>, %arg5: memref<3x3xf32, #tpu.memory_space<vmem>>, %arg6: memref<1x3xf32, #tpu.memory_space<vmem>>, %arg7: memref<1x3xf32, #tpu.memory_space<vmem>>, %arg8: memref<1x3xf32, #tpu.memory_space<vmem>>, %arg9: memref<3x256xf32, #tpu.memory_space<vmem>>, %arg10: memref<1x256xf32, #tpu.memory_space<vmem>>, %arg11: memref<1x256xf32, #tpu.memory_space<vmem>>, %arg12: memref<1x256xf32, #tpu.memory_space<vmem>>, %arg13: memref<256x32xf32, #tpu.memory_space<vmem>>, %arg14: memref<1x32xf32, #tpu.memory_space<vmem>>, %arg15: memref<128x16x32xf32, #tpu.memory_space<vmem>>, %arg16: memref<8x128xf32, #tpu.memory_space<vmem>>) attributes {dimension_semantics = [#tpu.dimension_semantics<arbitrary>], iteration_bounds = array<i64: 64>, scalar_prefetch = 0 : i64, scratch_operands = 0 : i64, tpu.core_type = #tpu.core_type<tc>, window_params = [{transform_indices = @transform_0, window_bounds = array<i64: 128, 16, 16>}, {transform_indices = @transform_1, window_bounds = array<i64: 128, 3>}, {transform_indices = @transform_2, window_bounds = array<i64: 128, 256>}, {transform_indices = @transform_3, window_bounds = array<i64: 128, 16, 256>}, {pipeline_mode = #tpu.pipeline_mode<synchronous>, transform_indices = @transform_4, window_bounds = array<i64: 3, 3>}, {pipeline_mode = #tpu.pipeline_mode<synchronous>, transform_indices = @transform_5, window_bounds = array<i64: 1, 3>}, {pipeline_mode = #tpu.pipeline_mode<synchronous>, transform_indices = @transform_6, window_bounds = array<i64: 1, 3>}, {pipeline_mode = #tpu.pipeline_mode<synchronous>, transform_indices = @transform_7, window_bounds = array<i64: 1, 3>}, {pipeline_mode = #tpu.pipeline_mode<synchronous>, transform_indices = @transform_8, window_bounds = array<i64: 3, 256>}, {pipeline_mode = #tpu.pipeline_mode<synchronous>, transform_indices = @transform_9, window_bounds = array<i64: 1, 256>}, {pipeline_mode = #tpu.pipeline_mode<synchronous>, transform_indices = @transform_10, window_bounds = array<i64: 1, 256>}, {pipeline_mode = #tpu.pipeline_mode<synchronous>, transform_indices = @transform_11, window_bounds = array<i64: 1, 256>}, {pipeline_mode = #tpu.pipeline_mode<synchronous>, transform_indices = @transform_12, window_bounds = array<i64: 256, 32>}, {pipeline_mode = #tpu.pipeline_mode<synchronous>, transform_indices = @transform_13, window_bounds = array<i64: 1, 32>}, {transform_indices = @transform_14, window_bounds = array<i64: 128, 16, 32>}, {pipeline_mode = #tpu.pipeline_mode<synchronous>, transform_indices = @transform_15, window_bounds = array<i64: 8, 128>}]} {
    %eq3A = arith.constant 0 : i32
    %eq3A_0 = arith.cmpi eq, %arg0, %eq3A : i32
    %convert_element_type3A = arith.extui %eq3A_0 : i1 to i32
    %cond3A = arith.constant 0 : i32
    %cond3A_1 = arith.cmpi ne, %convert_element_type3A, %cond3A : i32
    scf.if %cond3A_1 {
      %broadcast_in_dim3A_98 = arith.constant 0.000000e+00 : f32
      %broadcast_in_dim3A_99 = vector.broadcast %broadcast_in_dim3A_98 : f32 to vector<8x128xf32>
      %swap3A_100 = arith.constant 0 : index
      %swap3A_101 = arith.constant 0 : index
      %swap3A_102 = vector.load %arg16[%swap3A_100, %swap3A_101] : memref<8x128xf32, #tpu.memory_space<vmem>>, vector<8x128xf32>
      tpu.vector_store %arg16[%swap3A_100, %swap3A_101], %broadcast_in_dim3A_99 {strides = array<i32>} : memref<8x128xf32, #tpu.memory_space<vmem>>, vector<8x128xf32>,
    } else {
    }
    %get3A = arith.constant 0 : index
    %get3A_2 = arith.constant 0 : index
    %get3A_3 = arith.constant 0 : index
    %get3A_4 = vector.load %arg1[%get3A, %get3A_2, %get3A_3] : memref<128x16x16xf32, #tpu.memory_space<vmem>>, vector<128x16x16xf32>
    %get3A_5 = arith.constant 0 : index
    %get3A_6 = arith.constant 0 : index
    %get3A_7 = vector.load %arg2[%get3A_5, %get3A_6] : memref<128x3xf32, #tpu.memory_space<vmem>>, vector<128x3xf32>
    %get3A_8 = arith.constant 0 : index
    %get3A_9 = arith.constant 0 : index
    %get3A_10 = vector.load %arg5[%get3A_8, %get3A_9] : memref<3x3xf32, #tpu.memory_space<vmem>>, vector<3x3xf32>
    %get3A_11 = arith.constant 0 : index
    %get3A_12 = arith.constant 0 : index
    %get3A_13 = vector.load %arg6[%get3A_11, %get3A_12] : memref<1x3xf32, #tpu.memory_space<vmem>>, vector<1x3xf32>
    %get3A_14 = arith.constant 0 : index
    %get3A_15 = arith.constant 0 : index
    %get3A_16 = vector.load %arg7[%get3A_14, %get3A_15] : memref<1x3xf32, #tpu.memory_space<vmem>>, vector<1x3xf32>
    %get3A_17 = arith.constant 0 : index
    %get3A_18 = arith.constant 0 : index
    %get3A_19 = vector.load %arg8[%get3A_17, %get3A_18] : memref<1x3xf32, #tpu.memory_space<vmem>>, vector<1x3xf32>
    %get3A_20 = arith.constant 0 : index
    %get3A_21 = arith.constant 0 : index
    %get3A_22 = vector.load %arg9[%get3A_20, %get3A_21] : memref<3x256xf32, #tpu.memory_space<vmem>>, vector<3x256xf32>
    %get3A_23 = arith.constant 0 : index
    %get3A_24 = arith.constant 0 : index
    %get3A_25 = vector.load %arg10[%get3A_23, %get3A_24] : memref<1x256xf32, #tpu.memory_space<vmem>>, vector<1x256xf32>
    %slice3A = vector.extract_strided_slice %get3A_4 {offsets = [0, 0, 0], sizes = [128, 16, 3], strides = [1, 1, 1]} : vector<128x16x16xf32> to vector<128x16x3xf32>
    %reshape3A = vector.shape_cast %get3A_7 : vector<128x3xf32> to vector<128x1x3xf32>
    %sub3A = vector.broadcast %reshape3A : vector<128x1x3xf32> to vector<128x16x3xf32>
    %sub3A_26 = arith.subf %slice3A, %sub3A : vector<128x16x3xf32>
    %reshape3A_27 = vector.shape_cast %sub3A_26 : vector<128x16x3xf32> to vector<2048x3xf32>
    %dot_general3A = arith.constant dense<0.000000e+00> : vector<2048x3xf32>
    %dot_general3A_28 = tpu.matmul %reshape3A_27, %get3A_10, %dot_general3A {dimension_numbers = #tpu.dot_dimension_numbers<[1], [0], [0], [1], [0, 0, 1, 1], [], []>, transpose_lhs_hint = false} : vector<2048x3xf32>, vector<3x3xf32>, vector<2048x3xf32> -> vector<2048x3xf32>
    %add3A = vector.broadcast %get3A_13 : vector<1x3xf32> to vector<2048x3xf32>
    %add3A_29 = arith.addf %dot_general3A_28, %add3A : vector<2048x3xf32>
    %mul3A = vector.broadcast %get3A_16 : vector<1x3xf32> to vector<2048x3xf32>
    %mul3A_30 = arith.mulf %add3A_29, %mul3A : vector<2048x3xf32>
    %add3A_31 = vector.broadcast %get3A_19 : vector<1x3xf32> to vector<2048x3xf32>
    %add3A_32 = arith.addf %mul3A_30, %add3A_31 : vector<2048x3xf32>
    %max3A = arith.constant 0.000000e+00 : f32
    %max3A_33 = vector.broadcast %max3A : f32 to vector<2048x3xf32>
    %max3A_34 = arith.maximumf %add3A_32, %max3A_33 : vector<2048x3xf32>
    %dot_general3A_35 = arith.constant dense<0.000000e+00> : vector<2048x256xf32>
    %dot_general3A_36 = tpu.matmul %max3A_34, %get3A_22, %dot_general3A_35 {dimension_numbers = #tpu.dot_dimension_numbers<[1], [0], [0], [1], [0, 0, 1, 1], [], []>, transpose_lhs_hint = false} : vector<2048x3xf32>, vector<3x256xf32>, vector<2048x256xf32> -> vector<2048x256xf32>
    %add3A_37 = vector.broadcast %get3A_25 : vector<1x256xf32> to vector<2048x256xf32>
    %add3A_38 = arith.addf %dot_general3A_36, %add3A_37 : vector<2048x256xf32>
    %reshape3A_39 = vector.shape_cast %add3A_38 : vector<2048x256xf32> to vector<128x16x256xf32>
    %get3A_40 = arith.constant 0 : index
    %get3A_41 = arith.constant 0 : index
    %get3A_42 = arith.constant 0 : index
    %get3A_43 = vector.load %arg4[%get3A_40, %get3A_41, %get3A_42] : memref<128x16x256xf32, #tpu.memory_space<vmem>>, vector<128x16x256xf32>
    %get3A_44 = arith.constant 0 : index
    %get3A_45 = arith.constant 0 : index
    %get3A_46 = vector.load %arg3[%get3A_44, %get3A_45] : memref<128x256xf32, #tpu.memory_space<vmem>>, vector<128x256xf32>
    %reshape3A_47 = vector.shape_cast %get3A_46 : vector<128x256xf32> to vector<128x1x256xf32>
    %sub3A_48 = vector.broadcast %reshape3A_47 : vector<128x1x256xf32> to vector<128x16x256xf32>
    %sub3A_49 = arith.subf %get3A_43, %sub3A_48 : vector<128x16x256xf32>
    %add3A_50 = arith.addf %sub3A_49, %reshape3A_39 : vector<128x16x256xf32>
    %reshape3A_51 = vector.shape_cast %add3A_50 : vector<128x16x256xf32> to vector<2048x256xf32>
    %get3A_52 = arith.constant 0 : index
    %get3A_53 = arith.constant 0 : index
    %get3A_54 = vector.load %arg11[%get3A_52, %get3A_53] : memref<1x256xf32, #tpu.memory_space<vmem>>, vector<1x256xf32>
    %mul3A_55 = vector.broadcast %get3A_54 : vector<1x256xf32> to vector<2048x256xf32>
    %mul3A_56 = arith.mulf %reshape3A_51, %mul3A_55 : vector<2048x256xf32>
    %get3A_57 = arith.constant 0 : index
    %get3A_58 = arith.constant 0 : index
    %get3A_59 = vector.load %arg12[%get3A_57, %get3A_58] : memref<1x256xf32, #tpu.memory_space<vmem>>, vector<1x256xf32>
    %add3A_60 = vector.broadcast %get3A_59 : vector<1x256xf32> to vector<2048x256xf32>
    %add3A_61 = arith.addf %mul3A_56, %add3A_60 : vector<2048x256xf32>
    %max3A_62 = arith.constant 0.000000e+00 : f32
    %max3A_63 = vector.broadcast %max3A_62 : f32 to vector<2048x256xf32>
    %max3A_64 = arith.maximumf %add3A_61, %max3A_63 : vector<2048x256xf32>
    %get3A_65 = arith.constant 0 : index
    %get3A_66 = arith.constant 0 : index
    %get3A_67 = vector.load %arg13[%get3A_65, %get3A_66] : memref<256x32xf32, #tpu.memory_space<vmem>>, vector<256x32xf32>
    %dot_general3A_68 = arith.constant dense<0.000000e+00> : vector<2048x32xf32>
    %dot_general3A_69 = tpu.matmul %max3A_64, %get3A_67, %dot_general3A_68 {dimension_numbers = #tpu.dot_dimension_numbers<[1], [0], [0], [1], [0, 0, 1, 1], [], []>, transpose_lhs_hint = false} : vector<2048x256xf32>, vector<256x32xf32>, vector<2048x32xf32> -> vector<2048x32xf32>
    %get3A_70 = arith.constant 0 : index
    %get3A_71 = arith.constant 0 : index
    %get3A_72 = vector.load %arg14[%get3A_70, %get3A_71] : memref<1x32xf32, #tpu.memory_space<vmem>>, vector<1x32xf32>
    %add3A_73 = vector.broadcast %get3A_72 : vector<1x32xf32> to vector<2048x32xf32>
    %add3A_74 = arith.addf %dot_general3A_69, %add3A_73 : vector<2048x32xf32>
    %reshape3A_75 = vector.shape_cast %add3A_74 : vector<2048x32xf32> to vector<128x16x32xf32>
    %swap3A = arith.constant 0 : index
    %swap3A_76 = arith.constant 0 : index
    %swap3A_77 = arith.constant 0 : index
    %swap3A_78 = vector.load %arg15[%swap3A, %swap3A_76, %swap3A_77] : memref<128x16x32xf32, #tpu.memory_space<vmem>>, vector<128x16x32xf32>
    tpu.vector_store %arg15[%swap3A, %swap3A_76, %swap3A_77], %reshape3A_75 {strides = array<i32>} : memref<128x16x32xf32, #tpu.memory_space<vmem>>, vector<128x16x32xf32>,
    %get3A_79 = arith.constant 0 : index
    %get3A_80 = arith.constant 0 : index
    %get3A_81 = vector.load %arg16[%get3A_79, %get3A_80] : memref<8x128xf32, #tpu.memory_space<vmem>>, vector<1x32xf32>
    %reduce_sum3A = arith.constant dense<0.000000e+00> : vector<32xf32>
    %reduce_sum3A_82 = vector.multi_reduction <add>, %add3A_74, %reduce_sum3A [0] : vector<2048x32xf32> to vector<32xf32>
    %broadcast_in_dim3A = vector.shape_cast %reduce_sum3A_82 : vector<32xf32> to vector<1x32xf32>
    %add3A_83 = arith.addf %get3A_81, %broadcast_in_dim3A : vector<1x32xf32>
    %swap3A_84 = arith.constant 0 : index
    %swap3A_85 = arith.constant 0 : index
    %swap3A_86 = vector.load %arg16[%swap3A_84, %swap3A_85] : memref<8x128xf32, #tpu.memory_space<vmem>>, vector<1x32xf32>
    tpu.vector_store %arg16[%swap3A_84, %swap3A_85], %add3A_83 {strides = array<i32>} : memref<8x128xf32, #tpu.memory_space<vmem>>, vector<1x32xf32>,
    %get3A_87 = arith.constant 1 : index
    %get3A_88 = arith.constant 0 : index
    %get3A_89 = vector.load %arg16[%get3A_87, %get3A_88] : memref<8x128xf32, #tpu.memory_space<vmem>>, vector<1x32xf32>
    %mul3A_90 = arith.mulf %add3A_74, %add3A_74 : vector<2048x32xf32>
    %reduce_sum3A_91 = arith.constant dense<0.000000e+00> : vector<32xf32>
    %reduce_sum3A_92 = vector.multi_reduction <add>, %mul3A_90, %reduce_sum3A_91 [0] : vector<2048x32xf32> to vector<32xf32>
    %broadcast_in_dim3A_93 = vector.shape_cast %reduce_sum3A_92 : vector<32xf32> to vector<1x32xf32>
    %add3A_94 = arith.addf %get3A_89, %broadcast_in_dim3A_93 : vector<1x32xf32>
    %swap3A_95 = arith.constant 1 : index
    %swap3A_96 = arith.constant 0 : index
    %swap3A_97 = vector.load %arg16[%swap3A_95, %swap3A_96] : memref<8x128xf32, #tpu.memory_space<vmem>>, vector<1x32xf32>
    tpu.vector_store %arg16[%swap3A_95, %swap3A_96], %add3A_94 {strides = array<i32>} : memref<8x128xf32, #tpu.memory_space<vmem>>, vector<1x32xf32>,
    return
  }
  func.func @transform_0(%arg0: i32) -> (i32, i32, i32) {
    %c0_i32 = arith.constant 0 : i32
    %c0_i32_0 = arith.constant 0 : i32
    %c0_i32_1 = arith.constant 0 : i32
    return %arg0, %c0_i32, %c0_i32_0 : i32, i32, i32
  }
  func.func @transform_1(%arg0: i32) -> (i32, i32) {
    %c0_i32 = arith.constant 0 : i32
    %c0_i32_0 = arith.constant 0 : i32
    return %arg0, %c0_i32 : i32, i32
  }
  func.func @transform_2(%arg0: i32) -> (i32, i32) {
    %c0_i32 = arith.constant 0 : i32
    %c0_i32_0 = arith.constant 0 : i32
    return %arg0, %c0_i32 : i32, i32
  }
  func.func @transform_3(%arg0: i32) -> (i32, i32, i32) {
    %c0_i32 = arith.constant 0 : i32
    %c0_i32_0 = arith.constant 0 : i32
    %c0_i32_1 = arith.constant 0 : i32
    return %arg0, %c0_i32, %c0_i32_0 : i32, i32, i32
  }
  func.func @transform_4(%arg0: i32) -> (i32, i32) {
    %c0_i32 = arith.constant 0 : i32
    %c0_i32_0 = arith.constant 0 : i32
    %c0_i32_1 = arith.constant 0 : i32
    return %c0_i32, %c0_i32_0 : i32, i32
  }
  func.func @transform_5(%arg0: i32) -> (i32, i32) {
    %c0_i32 = arith.constant 0 : i32
    %c0_i32_0 = arith.constant 0 : i32
    %c0_i32_1 = arith.constant 0 : i32
    return %c0_i32, %c0_i32_0 : i32, i32
  }
  func.func @transform_6(%arg0: i32) -> (i32, i32) {
    %c0_i32 = arith.constant 0 : i32
    %c0_i32_0 = arith.constant 0 : i32
    %c0_i32_1 = arith.constant 0 : i32
    return %c0_i32, %c0_i32_0 : i32, i32
  }
  func.func @transform_7(%arg0: i32) -> (i32, i32) {
    %c0_i32 = arith.constant 0 : i32
    %c0_i32_0 = arith.constant 0 : i32
    %c0_i32_1 = arith.constant 0 : i32
    return %c0_i32, %c0_i32_0 : i32, i32
  }
  func.func @transform_8(%arg0: i32) -> (i32, i32) {
    %c0_i32 = arith.constant 0 : i32
    %c0_i32_0 = arith.constant 0 : i32
    %c0_i32_1 = arith.constant 0 : i32
    return %c0_i32, %c0_i32_0 : i32, i32
  }
  func.func @transform_9(%arg0: i32) -> (i32, i32) {
    %c0_i32 = arith.constant 0 : i32
    %c0_i32_0 = arith.constant 0 : i32
    %c0_i32_1 = arith.constant 0 : i32
    return %c0_i32, %c0_i32_0 : i32, i32
  }
  func.func @transform_10(%arg0: i32) -> (i32, i32) {
    %c0_i32 = arith.constant 0 : i32
    %c0_i32_0 = arith.constant 0 : i32
    %c0_i32_1 = arith.constant 0 : i32
    return %c0_i32, %c0_i32_0 : i32, i32
  }
  func.func @transform_11(%arg0: i32) -> (i32, i32) {
    %c0_i32 = arith.constant 0 : i32
    %c0_i32_0 = arith.constant 0 : i32
    %c0_i32_1 = arith.constant 0 : i32
    return %c0_i32, %c0_i32_0 : i32, i32
  }
  func.func @transform_12(%arg0: i32) -> (i32, i32) {
    %c0_i32 = arith.constant 0 : i32
    %c0_i32_0 = arith.constant 0 : i32
    %c0_i32_1 = arith.constant 0 : i32
    return %c0_i32, %c0_i32_0 : i32, i32
  }
  func.func @transform_13(%arg0: i32) -> (i32, i32) {
    %c0_i32 = arith.constant 0 : i32
    %c0_i32_0 = arith.constant 0 : i32
    %c0_i32_1 = arith.constant 0 : i32
    return %c0_i32, %c0_i32_0 : i32, i32
  }
  func.func @transform_14(%arg0: i32) -> (i32, i32, i32) {
    %c0_i32 = arith.constant 0 : i32
    %c0_i32_0 = arith.constant 0 : i32
    %c0_i32_1 = arith.constant 0 : i32
    return %arg0, %c0_i32, %c0_i32_0 : i32, i32, i32
  }
  func.func @transform_15(%arg0: i32) -> (i32, i32) {
    %c0_i32 = arith.constant 0 : i32
    %c0_i32_0 = arith.constant 0 : i32
    %c0_i32_1 = arith.constant 0 : i32
    return %c0_i32, %c0_i32_0 : i32, i32
  }
}

module attributes {stable_mosaic.version = 14 : i64} {
  func.func @_final_body(%arg0: i32, %arg1: memref<128x16x16xf32, #tpu.memory_space<vmem>>, %arg2: memref<128x3xf32, #tpu.memory_space<vmem>>, %arg3: memref<128x16x32xf32, #tpu.memory_space<vmem>>, %arg4: memref<128x16x256xf32, #tpu.memory_space<vmem>>, %arg5: memref<3x3xf32, #tpu.memory_space<vmem>>, %arg6: memref<1x3xf32, #tpu.memory_space<vmem>>, %arg7: memref<1x3xf32, #tpu.memory_space<vmem>>, %arg8: memref<1x3xf32, #tpu.memory_space<vmem>>, %arg9: memref<3x256xf32, #tpu.memory_space<vmem>>, %arg10: memref<1x256xf32, #tpu.memory_space<vmem>>, %arg11: memref<1x32xf32, #tpu.memory_space<vmem>>, %arg12: memref<1x32xf32, #tpu.memory_space<vmem>>, %arg13: memref<32x32xf32, #tpu.memory_space<vmem>>, %arg14: memref<1x32xf32, #tpu.memory_space<vmem>>, %arg15: memref<128x256xf32, #tpu.memory_space<vmem>>) attributes {dimension_semantics = [#tpu.dimension_semantics<arbitrary>], iteration_bounds = array<i64: 64>, scalar_prefetch = 0 : i64, scratch_operands = 0 : i64, tpu.core_type = #tpu.core_type<tc>, window_params = [{transform_indices = @transform_0, window_bounds = array<i64: 128, 16, 16>}, {transform_indices = @transform_1, window_bounds = array<i64: 128, 3>}, {transform_indices = @transform_2, window_bounds = array<i64: 128, 16, 32>}, {transform_indices = @transform_3, window_bounds = array<i64: 128, 16, 256>}, {pipeline_mode = #tpu.pipeline_mode<synchronous>, transform_indices = @transform_4, window_bounds = array<i64: 3, 3>}, {pipeline_mode = #tpu.pipeline_mode<synchronous>, transform_indices = @transform_5, window_bounds = array<i64: 1, 3>}, {pipeline_mode = #tpu.pipeline_mode<synchronous>, transform_indices = @transform_6, window_bounds = array<i64: 1, 3>}, {pipeline_mode = #tpu.pipeline_mode<synchronous>, transform_indices = @transform_7, window_bounds = array<i64: 1, 3>}, {pipeline_mode = #tpu.pipeline_mode<synchronous>, transform_indices = @transform_8, window_bounds = array<i64: 3, 256>}, {pipeline_mode = #tpu.pipeline_mode<synchronous>, transform_indices = @transform_9, window_bounds = array<i64: 1, 256>}, {pipeline_mode = #tpu.pipeline_mode<synchronous>, transform_indices = @transform_10, window_bounds = array<i64: 1, 32>}, {pipeline_mode = #tpu.pipeline_mode<synchronous>, transform_indices = @transform_11, window_bounds = array<i64: 1, 32>}, {pipeline_mode = #tpu.pipeline_mode<synchronous>, transform_indices = @transform_12, window_bounds = array<i64: 32, 32>}, {pipeline_mode = #tpu.pipeline_mode<synchronous>, transform_indices = @transform_13, window_bounds = array<i64: 1, 32>}, {transform_indices = @transform_14, window_bounds = array<i64: 128, 256>}]} {
    %get3A = arith.constant 0 : index
    %get3A_0 = arith.constant 0 : index
    %get3A_1 = arith.constant 0 : index
    %get3A_2 = vector.load %arg3[%get3A, %get3A_0, %get3A_1] : memref<128x16x32xf32, #tpu.memory_space<vmem>>, vector<128x16x32xf32>
    %reshape3A = vector.shape_cast %get3A_2 : vector<128x16x32xf32> to vector<2048x32xf32>
    %get3A_3 = arith.constant 0 : index
    %get3A_4 = arith.constant 0 : index
    %get3A_5 = vector.load %arg11[%get3A_3, %get3A_4] : memref<1x32xf32, #tpu.memory_space<vmem>>, vector<1x32xf32>
    %mul3A = vector.broadcast %get3A_5 : vector<1x32xf32> to vector<2048x32xf32>
    %mul3A_6 = arith.mulf %reshape3A, %mul3A : vector<2048x32xf32>
    %get3A_7 = arith.constant 0 : index
    %get3A_8 = arith.constant 0 : index
    %get3A_9 = vector.load %arg12[%get3A_7, %get3A_8] : memref<1x32xf32, #tpu.memory_space<vmem>>, vector<1x32xf32>
    %add3A = vector.broadcast %get3A_9 : vector<1x32xf32> to vector<2048x32xf32>
    %add3A_10 = arith.addf %mul3A_6, %add3A : vector<2048x32xf32>
    %max3A = arith.constant 0.000000e+00 : f32
    %max3A_11 = vector.broadcast %max3A : f32 to vector<2048x32xf32>
    %max3A_12 = arith.maximumf %add3A_10, %max3A_11 : vector<2048x32xf32>
    %get3A_13 = arith.constant 0 : index
    %get3A_14 = arith.constant 0 : index
    %get3A_15 = vector.load %arg13[%get3A_13, %get3A_14] : memref<32x32xf32, #tpu.memory_space<vmem>>, vector<32x32xf32>
    %dot_general3A = arith.constant dense<0.000000e+00> : vector<2048x32xf32>
    %dot_general3A_16 = tpu.matmul %max3A_12, %get3A_15, %dot_general3A {dimension_numbers = #tpu.dot_dimension_numbers<[1], [0], [0], [1], [0, 0, 1, 1], [], []>, transpose_lhs_hint = false} : vector<2048x32xf32>, vector<32x32xf32>, vector<2048x32xf32> -> vector<2048x32xf32>
    %get3A_17 = arith.constant 0 : index
    %get3A_18 = arith.constant 0 : index
    %get3A_19 = vector.load %arg14[%get3A_17, %get3A_18] : memref<1x32xf32, #tpu.memory_space<vmem>>, vector<1x32xf32>
    %add3A_20 = vector.broadcast %get3A_19 : vector<1x32xf32> to vector<2048x32xf32>
    %add3A_21 = arith.addf %dot_general3A_16, %add3A_20 : vector<2048x32xf32>
    %reshape3A_22 = vector.shape_cast %add3A_21 : vector<2048x32xf32> to vector<128x16x32xf32>
    %reduce_max3A = arith.constant dense<0xFF800000> : vector<128x32xf32>
    %reduce_max3A_23 = vector.multi_reduction <maximumf>, %reshape3A_22, %reduce_max3A [1] : vector<128x16x32xf32> to vector<128x32xf32>
    %broadcast_in_dim3A = vector.shape_cast %reduce_max3A_23 : vector<128x32xf32> to vector<128x1x32xf32>
    %sub3A = vector.broadcast %broadcast_in_dim3A : vector<128x1x32xf32> to vector<128x16x32xf32>
    %sub3A_24 = arith.subf %reshape3A_22, %sub3A : vector<128x16x32xf32>
    %exp3A = math.exp %sub3A_24 : vector<128x16x32xf32>
    %reduce_sum3A = arith.constant dense<0.000000e+00> : vector<128x32xf32>
    %reduce_sum3A_25 = vector.multi_reduction <add>, %exp3A, %reduce_sum3A [1] : vector<128x16x32xf32> to vector<128x32xf32>
    %broadcast_in_dim3A_26 = vector.shape_cast %reduce_sum3A_25 : vector<128x32xf32> to vector<128x1x32xf32>
    %div3A = vector.broadcast %broadcast_in_dim3A_26 : vector<128x1x32xf32> to vector<128x16x32xf32>
    %div3A_27 = arith.divf %exp3A, %div3A : vector<128x16x32xf32>
    %get3A_28 = arith.constant 0 : index
    %get3A_29 = arith.constant 0 : index
    %get3A_30 = arith.constant 0 : index
    %get3A_31 = vector.load %arg1[%get3A_28, %get3A_29, %get3A_30] : memref<128x16x16xf32, #tpu.memory_space<vmem>>, vector<128x16x16xf32>
    %get3A_32 = arith.constant 0 : index
    %get3A_33 = arith.constant 0 : index
    %get3A_34 = vector.load %arg2[%get3A_32, %get3A_33] : memref<128x3xf32, #tpu.memory_space<vmem>>, vector<128x3xf32>
    %get3A_35 = arith.constant 0 : index
    %get3A_36 = arith.constant 0 : index
    %get3A_37 = vector.load %arg5[%get3A_35, %get3A_36] : memref<3x3xf32, #tpu.memory_space<vmem>>, vector<3x3xf32>
    %get3A_38 = arith.constant 0 : index
    %get3A_39 = arith.constant 0 : index
    %get3A_40 = vector.load %arg6[%get3A_38, %get3A_39] : memref<1x3xf32, #tpu.memory_space<vmem>>, vector<1x3xf32>
    %get3A_41 = arith.constant 0 : index
    %get3A_42 = arith.constant 0 : index
    %get3A_43 = vector.load %arg7[%get3A_41, %get3A_42] : memref<1x3xf32, #tpu.memory_space<vmem>>, vector<1x3xf32>
    %get3A_44 = arith.constant 0 : index
    %get3A_45 = arith.constant 0 : index
    %get3A_46 = vector.load %arg8[%get3A_44, %get3A_45] : memref<1x3xf32, #tpu.memory_space<vmem>>, vector<1x3xf32>
    %get3A_47 = arith.constant 0 : index
    %get3A_48 = arith.constant 0 : index
    %get3A_49 = vector.load %arg9[%get3A_47, %get3A_48] : memref<3x256xf32, #tpu.memory_space<vmem>>, vector<3x256xf32>
    %get3A_50 = arith.constant 0 : index
    %get3A_51 = arith.constant 0 : index
    %get3A_52 = vector.load %arg10[%get3A_50, %get3A_51] : memref<1x256xf32, #tpu.memory_space<vmem>>, vector<1x256xf32>
    %slice3A = vector.extract_strided_slice %get3A_31 {offsets = [0, 0, 0], sizes = [128, 16, 3], strides = [1, 1, 1]} : vector<128x16x16xf32> to vector<128x16x3xf32>
    %reshape3A_53 = vector.shape_cast %get3A_34 : vector<128x3xf32> to vector<128x1x3xf32>
    %sub3A_54 = vector.broadcast %reshape3A_53 : vector<128x1x3xf32> to vector<128x16x3xf32>
    %sub3A_55 = arith.subf %slice3A, %sub3A_54 : vector<128x16x3xf32>
    %reshape3A_56 = vector.shape_cast %sub3A_55 : vector<128x16x3xf32> to vector<2048x3xf32>
    %dot_general3A_57 = arith.constant dense<0.000000e+00> : vector<2048x3xf32>
    %dot_general3A_58 = tpu.matmul %reshape3A_56, %get3A_37, %dot_general3A_57 {dimension_numbers = #tpu.dot_dimension_numbers<[1], [0], [0], [1], [0, 0, 1, 1], [], []>, transpose_lhs_hint = false} : vector<2048x3xf32>, vector<3x3xf32>, vector<2048x3xf32> -> vector<2048x3xf32>
    %add3A_59 = vector.broadcast %get3A_40 : vector<1x3xf32> to vector<2048x3xf32>
    %add3A_60 = arith.addf %dot_general3A_58, %add3A_59 : vector<2048x3xf32>
    %mul3A_61 = vector.broadcast %get3A_43 : vector<1x3xf32> to vector<2048x3xf32>
    %mul3A_62 = arith.mulf %add3A_60, %mul3A_61 : vector<2048x3xf32>
    %add3A_63 = vector.broadcast %get3A_46 : vector<1x3xf32> to vector<2048x3xf32>
    %add3A_64 = arith.addf %mul3A_62, %add3A_63 : vector<2048x3xf32>
    %max3A_65 = arith.constant 0.000000e+00 : f32
    %max3A_66 = vector.broadcast %max3A_65 : f32 to vector<2048x3xf32>
    %max3A_67 = arith.maximumf %add3A_64, %max3A_66 : vector<2048x3xf32>
    %dot_general3A_68 = arith.constant dense<0.000000e+00> : vector<2048x256xf32>
    %dot_general3A_69 = tpu.matmul %max3A_67, %get3A_49, %dot_general3A_68 {dimension_numbers = #tpu.dot_dimension_numbers<[1], [0], [0], [1], [0, 0, 1, 1], [], []>, transpose_lhs_hint = false} : vector<2048x3xf32>, vector<3x256xf32>, vector<2048x256xf32> -> vector<2048x256xf32>
    %add3A_70 = vector.broadcast %get3A_52 : vector<1x256xf32> to vector<2048x256xf32>
    %add3A_71 = arith.addf %dot_general3A_69, %add3A_70 : vector<2048x256xf32>
    %reshape3A_72 = vector.shape_cast %add3A_71 : vector<2048x256xf32> to vector<128x16x256xf32>
    %get3A_73 = arith.constant 0 : index
    %get3A_74 = arith.constant 0 : index
    %get3A_75 = arith.constant 0 : index
    %get3A_76 = vector.load %arg4[%get3A_73, %get3A_74, %get3A_75] : memref<128x16x256xf32, #tpu.memory_space<vmem>>, vector<128x16x256xf32>
    %add3A_77 = arith.addf %get3A_76, %reshape3A_72 : vector<128x16x256xf32>
    %concatenate3A = tpu.concatenate %div3A_27, %div3A_27, %div3A_27, %div3A_27, %div3A_27, %div3A_27, %div3A_27, %div3A_27 in 2 : vector<128x16x32xf32>, vector<128x16x32xf32>, vector<128x16x32xf32>, vector<128x16x32xf32>, vector<128x16x32xf32>, vector<128x16x32xf32>, vector<128x16x32xf32>, vector<128x16x32xf32> -> vector<128x16x256xf32>
    %mul3A_78 = arith.mulf %add3A_77, %concatenate3A : vector<128x16x256xf32>
    %reduce_sum3A_79 = arith.constant dense<0.000000e+00> : vector<128x256xf32>
    %reduce_sum3A_80 = vector.multi_reduction <add>, %mul3A_78, %reduce_sum3A_79 [1] : vector<128x16x256xf32> to vector<128x256xf32>
    %swap3A = arith.constant 0 : index
    %swap3A_81 = arith.constant 0 : index
    %swap3A_82 = vector.load %arg15[%swap3A, %swap3A_81] : memref<128x256xf32, #tpu.memory_space<vmem>>, vector<128x256xf32>
    tpu.vector_store %arg15[%swap3A, %swap3A_81], %reduce_sum3A_80 {strides = array<i32>} : memref<128x256xf32, #tpu.memory_space<vmem>>, vector<128x256xf32>,
    return
  }
  func.func @transform_0(%arg0: i32) -> (i32, i32, i32) {
    %c0_i32 = arith.constant 0 : i32
    %c0_i32_0 = arith.constant 0 : i32
    %c0_i32_1 = arith.constant 0 : i32
    return %arg0, %c0_i32, %c0_i32_0 : i32, i32, i32
  }
  func.func @transform_1(%arg0: i32) -> (i32, i32) {
    %c0_i32 = arith.constant 0 : i32
    %c0_i32_0 = arith.constant 0 : i32
    return %arg0, %c0_i32 : i32, i32
  }
  func.func @transform_2(%arg0: i32) -> (i32, i32, i32) {
    %c0_i32 = arith.constant 0 : i32
    %c0_i32_0 = arith.constant 0 : i32
    %c0_i32_1 = arith.constant 0 : i32
    return %arg0, %c0_i32, %c0_i32_0 : i32, i32, i32
  }
  func.func @transform_3(%arg0: i32) -> (i32, i32, i32) {
    %c0_i32 = arith.constant 0 : i32
    %c0_i32_0 = arith.constant 0 : i32
    %c0_i32_1 = arith.constant 0 : i32
    return %arg0, %c0_i32, %c0_i32_0 : i32, i32, i32
  }
  func.func @transform_4(%arg0: i32) -> (i32, i32) {
    %c0_i32 = arith.constant 0 : i32
    %c0_i32_0 = arith.constant 0 : i32
    %c0_i32_1 = arith.constant 0 : i32
    return %c0_i32, %c0_i32_0 : i32, i32
  }
  func.func @transform_5(%arg0: i32) -> (i32, i32) {
    %c0_i32 = arith.constant 0 : i32
    %c0_i32_0 = arith.constant 0 : i32
    %c0_i32_1 = arith.constant 0 : i32
    return %c0_i32, %c0_i32_0 : i32, i32
  }
  func.func @transform_6(%arg0: i32) -> (i32, i32) {
    %c0_i32 = arith.constant 0 : i32
    %c0_i32_0 = arith.constant 0 : i32
    %c0_i32_1 = arith.constant 0 : i32
    return %c0_i32, %c0_i32_0 : i32, i32
  }
  func.func @transform_7(%arg0: i32) -> (i32, i32) {
    %c0_i32 = arith.constant 0 : i32
    %c0_i32_0 = arith.constant 0 : i32
    %c0_i32_1 = arith.constant 0 : i32
    return %c0_i32, %c0_i32_0 : i32, i32
  }
  func.func @transform_8(%arg0: i32) -> (i32, i32) {
    %c0_i32 = arith.constant 0 : i32
    %c0_i32_0 = arith.constant 0 : i32
    %c0_i32_1 = arith.constant 0 : i32
    return %c0_i32, %c0_i32_0 : i32, i32
  }
  func.func @transform_9(%arg0: i32) -> (i32, i32) {
    %c0_i32 = arith.constant 0 : i32
    %c0_i32_0 = arith.constant 0 : i32
    %c0_i32_1 = arith.constant 0 : i32
    return %c0_i32, %c0_i32_0 : i32, i32
  }
  func.func @transform_10(%arg0: i32) -> (i32, i32) {
    %c0_i32 = arith.constant 0 : i32
    %c0_i32_0 = arith.constant 0 : i32
    %c0_i32_1 = arith.constant 0 : i32
    return %c0_i32, %c0_i32_0 : i32, i32
  }
  func.func @transform_11(%arg0: i32) -> (i32, i32) {
    %c0_i32 = arith.constant 0 : i32
    %c0_i32_0 = arith.constant 0 : i32
    %c0_i32_1 = arith.constant 0 : i32
    return %c0_i32, %c0_i32_0 : i32, i32
  }
  func.func @transform_12(%arg0: i32) -> (i32, i32) {
    %c0_i32 = arith.constant 0 : i32
    %c0_i32_0 = arith.constant 0 : i32
    %c0_i32_1 = arith.constant 0 : i32
    return %c0_i32, %c0_i32_0 : i32, i32
  }
  func.func @transform_13(%arg0: i32) -> (i32, i32) {
    %c0_i32 = arith.constant 0 : i32
    %c0_i32_0 = arith.constant 0 : i32
    %c0_i32_1 = arith.constant 0 : i32
    return %c0_i32, %c0_i32_0 : i32, i32
  }
  func.func @transform_14(%arg0: i32) -> (i32, i32) {
    %c0_i32 = arith.constant 0 : i32
    %c0_i32_0 = arith.constant 0 : i32
    return %arg0, %c0_i32 : i32, i32
  }
}

</mosaic_0001>

<sc_bundles>
// kernel: kernel.10.cloned.1.call-start
scs
__scs_entry_jumppad:
0x0: {  	(pc) =	sbr.rel $0x88, $3  }
0x1: {  	(tag) =	ssettag $0x0;
	lr =	simm.s32 $0x1  }
0x2: {  	[smem:$0x3F8B] =	sst lr;
	_ =	strace $0xD0000000  }
0x3: {  	_ = 	snop  }
0x4: {  	_ = 	snop  }
0x5: {  	_ = 	snop  }
0x6: {  	_ = 	snop  }
0x7: {  	_ = 	snop  }
__scs_overlays_trampoline_lowered:
0x8: {  	[smem:$0x3F9A] =	sst s0  }
0x9: {  	[smem:$0x3F9B] =	sst s1  }
0xa: {  	[smem:$0x3F9C] =	sst s2  }
0xb: {  	[smem:$0x3F9D] =	sst s3  }
0xc: {  	[smem:$0x3F9E] =	sst s4  }
0xd: {  	[smem:$0x3F9F] =	sst s5  }
0xe: {  	[smem:$0x3FA0] =	sst s6  }
0xf: {  	[smem:$0x3FA1] =	sst s7  }
0x10: {  	[smem:$0x3FA2] =	sst s8  }
0x11: {  	[smem:$0x3FA3] =	sst s9;
	s0 =	simm.s32 @!p0 $0x0  }
0x12: {  	s1 =	sld [smem:$0x3F89];
	s0 =	simm.s32 @p0 $0x1  }
0x13: {  	[smem:$0x3FA4] =	sst s0;
	s0 =	simm.s32 @!p1 $0x0  }
0x14: {  	s2 =	sld [smem:$0x3F88];
	s0 =	simm.s32 @p1 $0x1  }
0x15: {  	[smem:$0x3FA5] =	sst s0;
	s0 =	simm.s32 @!p2 $0x0  }
0x16: {  	s3 =	sld [smem:$0x3FDB];
	s0 =	simm.s32 @p2 $0x1  }
0x17: {  	s4 =	simm.s32 $0x1BF5;
	[smem:$0x3FA7] =	sst s0  }
0x18: {  	s0 =	sld [smem:$0x3F8A];
	_ =	swait.ge [sflag:s4], $0x0  }
0x19: {  	s7 =	sld [smem:$0x3F8B]  }
0x1a: {  	s8 =	sadd.s32 $0xFFFFE003, lr  }
0x1b: {  	s9 =	sadd.s32 $0xFFFFFEF7, lr;
	s5 =	simm.s32 $0xFFFFFFFF;
	p2 =	slt.u32 s8, $0xFFFFF086  }
0x1c: {  	p1 =	slt.u32 s9, $0xF7A;
	s5 =	simm.s32 @!p2 $0x0  }
0x1d: {  	s5 =	simm.s32 @p1 $0x1;
	p0 =	seq.s32 s7, s2  }
0x1e: {  	s7 =	smul.u32 @!p0 $0xF7A, s2;
	p2 =	seq.s32 @!p0 s5, $0x0  }
0x1f: {  	s9 =	smul.u32 $0xF7A, s1;
	s8 =	simm.s32 @!p0 $0x1BF5;
	p2 =	por !p2, p0  }
0x20: {  	[sflag:s8] =	ssyncset.s32 @!p0 $0xFFFFF086;
	s6 =	sadd.s32 @!p0 s3, s7;
	s7 =	simm.s32 @!p0 $0x108  }
0x21: {  	s3 =	sadd.s32 s3, s9;
	s6 =	sadd.s32 @!p0 $0x88, s6;
	s7 =	simm.s32 @p2 $0x1082  }
0x22: {  	[simem:s7], [sflag:s8] =	dma.local @!p0 [hbm:s6], $0xF7A  }
0x23: {  	s9 =	sor.u32 $0xD0000000, s2;
	s6 =	simm.s32 $0x108;
	_ =	swait.ge @!p0 [sflag:s8], $0x0  }
0x24: {  	s3 =	sadd.s32 $0x88, s3;
	s6 =	simm.s32 @!p1 $0x1082;
	[sflag:s4] =	ssyncset.s32 $0xFFFFF086  }
0x25: {  	[simem:s6], [sflag:s4] =	dma.local [hbm:s3], $0xF7A  }
0x26: {  	[smem:$0x3F8B] =	sst s1;
	(tag) =	ssettag s2;
	_ =	strace s9  }
0x27: {  	s1 =	sld [smem:$0x3F9B]  }
0x28: {  	s2 =	sld [smem:$0x3F9C]  }
0x29: {  	s4 =	sld [smem:$0x3F9E]  }
0x2a: {  	p0 =	seq.s32 s5, $0x0;
	s5 =	sld [smem:$0x3F9F]  }
0x2b: {  	s6 =	sld [smem:$0x3FA0]  }
0x2c: {  	s7 =	sld [smem:$0x3FA1]  }
0x2d: {  	s3 =	simm.s32 $0x108;
	s8 =	sld [smem:$0x3FA2]  }
0x2e: {  	s3 =	simm.s32 @!p0 $0x1082;
	s9 =	sld [smem:$0x3FA3]  }
0x2f: {  	lr =	sadd.s32 s0, s3;
	s0 =	sld [smem:$0x3F9A]  }
0x30: {  	s3 =	sld [smem:$0x3F9D]  }
0x31: {  	[smem:$0x3FA6] =	sst s10  }
0x32: {  	s10 =	sld [smem:$0x3FA4];
	_ =	sdelay $0x3  }
0x33: {  	p0 =	seq.s32 s10, $0x1;
	s10 =	sld [smem:$0x3FA6];
	_ =	sdelay $0x3  }
0x34: {  	[smem:$0x3FA6] =	sst s10  }
0x35: {  	s10 =	sld [smem:$0x3FA5];
	_ =	sdelay $0x3  }
0x36: {  	p1 =	seq.s32 s10, $0x1;
	s10 =	sld [smem:$0x3FA6];
	_ =	sdelay $0x3  }
0x37: {  	[smem:$0x3FA6] =	sst s10  }
0x38: {  	s10 =	sld [smem:$0x3FA7]  }
0x39: {  	_ = 	snop;
	(pc) =	sbr.ind lr, $3  }
0x3a: {  	_ = 	snop  }
0x3b: {  	_ = 	snop  }
0x3c: {  	p2 =	seq.s32 s10, $0x1;
	s10 =	sld [smem:$0x3FA6]  }
0x3d: {  	_ =	shalt  }
0x3e: {  	_ =	shalt  }
0x3f: {  	_ =	shalt  }
0x40: {  	_ =	shalt  }
0x41: {  	_ =	shalt  }
0x42: {  	_ =	shalt  }
0x43: {  	_ =	shalt  }
0x44: {  	_ =	shalt  }
0x45: {  	_ =	shalt  }
0x46: {  	_ =	shalt  }
0x47: {  	_ =	shalt  }
0x48: {  	_ =	shalt  }
0x49: {  	_ =	shalt  }
0x4a: {  	_ =	shalt  }
0x4b: {  	_ =	shalt  }
0x4c: {  	_ =	shalt  }
0x4d: {  	_ =	shalt  }
0x4e: {  	_ =	shalt  }
0x4f: {  	_ =	shalt  }
0x50: {  	_ =	shalt  }
0x51: {  	_ =	shalt  }
0x52: {  	_ =	shalt  }
0x53: {  	_ =	shalt  }
0x54: {  	_ =	shalt  }
0x55: {  	_ =	shalt  }
0x56: {  	_ =	shalt  }
0x57: {  	_ =	shalt  }
0x58: {  	_ =	shalt  }
0x59: {  	_ =	shalt  }
0x5a: {  	_ =	shalt  }
0x5b: {  	_ =	shalt  }
0x5c: {  	_ =	shalt  }
0x5d: {  	_ =	shalt  }
0x5e: {  	_ =	shalt  }
0x5f: {  	_ =	shalt  }
0x60: {  	_ =	shalt  }
0x61: {  	_ =	shalt  }
0x62: {  	_ =	shalt  }
0x63: {  	_ =	shalt  }
0x64: {  	_ =	shalt  }
0x65: {  	_ =	shalt  }
0x66: {  	_ =	shalt  }
0x67: {  	_ =	shalt  }
0x68: {  	_ =	shalt  }
0x69: {  	_ =	shalt  }
0x6a: {  	_ =	shalt  }
0x6b: {  	_ =	shalt  }
0x6c: {  	_ =	shalt  }
0x6d: {  	_ =	shalt  }
0x6e: {  	_ =	shalt  }
0x6f: {  	_ =	shalt  }
0x70: {  	_ =	shalt  }
0x71: {  	_ =	shalt  }
0x72: {  	_ =	shalt  }
0x73: {  	_ =	shalt  }
0x74: {  	_ =	shalt  }
0x75: {  	_ =	shalt  }
0x76: {  	_ =	shalt  }
0x77: {  	_ =	shalt  }
0x78: {  	_ =	shalt  }
0x79: {  	_ =	shalt  }
0x7a: {  	_ =	shalt  }
0x7b: {  	_ =	shalt  }
0x7c: {  	_ =	shalt  }
0x7d: {  	_ =	shalt  }
0x7e: {  	_ =	shalt  }
0x7f: {  	_ =	shalt  }
0x80: {  	_ =	shalt  }
0x81: {  	_ =	shalt  }
0x82: {  	_ =	shalt  }
0x83: {  	_ =	shalt  }
0x84: {  	_ =	shalt  }
0x85: {  	_ =	shalt  }
0x86: {  	_ =	shalt  }
0x87: {  	_ =	shalt  }
.Lfunc_end0:
.L_simem_size_0:
called_computation_lowered:
.L_overlay_start_0:
0x88: {  	s2 =	sld [smem:$0x3FD9]  }
0x89: {  	s3 =	sld [smem:$0x3FFE];
	_ =	sdelay $0x1  }
0x8a: {  	s1 =	srdreg.scid  }
0x8b: {  	s0 =	sand.u32 $0x1, s1  }
0x8c: {  	s16 =	sshll.u32 s0, $0xA;
	s2 =	sadd.s32 s3, s2  }
0x8d: {  	s2 =	sadd.s32 s2, s16  }
0x8e: {  	[smem:$0x3FB2] =	sst s2  }
0x8f: {  	_ = 	snop  }
0x90: {  	(tm) =	ssettm $0x1  }
0x91: {  	s17 =	sld [smem:$0x3FFB];
	_ =	sdelay $0x3  }
0x92: {  	_ =	strace s17  }
0x93: {  	s2 =	sld [smem:$0x3FFC];
	_ =	sdelay $0x3  }
0x94: {  	_ =	strace s2  }
0x95: {  	s2 =	sld [smem:$0x3FFD];
	_ =	sdelay $0x3  }
0x96: {  	_ =	strace s2  }
0x97: {  	_ =	strace $0x8FFFFFFF  }
0x98: {  	s18 =	sld [smem:$0x3FDB];
	_ =	sdelay $0x1  }
0x99: {  	s19 =	simm.s32 $_scs_section_size  }
0x9a: {  	s4 =	simm.s32 $_size__tile_overlayer_lowered;
	s5 =	simm.s32 $_tile_overlayer_lowered  }
0x9b: {  	s22 =	simm.s32 $0x1BFF;
	s21 =	sshll.u32 s5, $0x1;
	s2 =	sadd.s32 s19, s18  }
0x9c: {  	s6 =	simm.s32 $0x0;
	s20 =	sshll.u32 s4, $0x1;
	s4 =	sadd.s32 s21, s2  }
0x9d: {  	[timem:s6], [sflag:s22] =	dma.local [hbm:s4], s20  }
0x9e: {  	_ =	swait.ge [sflag:s22], s20  }
0x9f: {  	s3 =	ssub.s32 $0x0, s20;
	[sflag:s22] =	ssyncset.done $0x0  }
0xa0: {  	[sflag:s22] =	ssyncadd.s32 s3;
	_ =	sdelay $0x1  }
0xa1: {  	s23 =	simm.s32 $0x1B8B  }
0xa2: {  	_ =	swait.ge [sflag:s23], $0x1  }
0xa3: {  	[sflag:s23] =	ssyncset.done $0x0  }
0xa4: {  	s25 =	simm.s32 $0x1B8E;
	s24 =	sld [smem:$0x3FFE];
	[sflag:s23] =	ssyncadd.s32 $0xFFFFFFFF  }
0xa5: {  	s26 =	simm.s32 $execute0_lowered;
	[smem:$0x3FD2] =	sst s25  }
0xa6: {  	s4 =	sshll.u32 s26, $0x1;
	_ =	strace $0x80000046;
	[dreg:$0x1] =	wrdreg $0xFFFFFFFF  }
0xa7: {  	s28 =	simm.s32 $_size_execute0_lowered;
	s2 =	sadd.s32 s2, s4;
	[dreg:$0x0] =	wrdreg $0x0  }
0xa8: {  	s4 =	sshll.u32 s28, $0x1;
	[dreg:$0x2] =	wrdreg s2  }
0xa9: {  	[dreg:$0x3] =	wrdreg s4  }
0xaa: {  	[dreg:$0x4] =	wrdreg $0xC0  }
0xab: {  	_ =	task [dreg:s6], $0x5FFFF  }
0xac: {  	[dreg:$0x1] =	wrdreg $0xFFFFFFFF  }
0xad: {  	[dreg:$0x0] =	wrdreg $0x60  }
0xae: {  	[dreg:$0x2] =	wrdreg s24  }
0xaf: {  	[dreg:$0x3] =	wrdreg $0x9  }
0xb0: {  	_ =	task.clear_ibuf [dreg:s6], $0x4FFFF;
	_ =	strace $0x90000046  }
0xb1: {  	s29 =	simm.s32 $0x9;
	_ =	strace $0x80000048  }
0xb2: {  	_ =	swait.ge [sflag:s29], $0x1  }
0xb3: {  	[sflag:s29] =	ssyncadd.s32 $0xFFFFFFFF  }
0xb4: {  	_ =	strace $0x90000048  }
0xb5: {  	_ =	sfence  }
0xb6: {  	s30 =	sld [smem:$0x0];
	_ =	sdelay $0x2  }
0xb7: {  	s31 =	sshll.u32 s1, $0xD;
	s1 =	sshrl.u32 s1, $0x2  }
0xb8: {  	s3 =	sand.u32 $0x4000, s31;
	s1 =	sadd.s32 s1, s30  }
0xb9: {  	s0 =	sor.u32 s3, s0;
	s1 =	sshll.u32 s1, $0x11  }
0xba: {  	s0 =	sor.u32 s1, s0  }
0xbb: {  	s0 =	sadd.s32 $0x8F2B, s0  }
0xbc: {  	[sflag:s0] =	ssyncadd.remote.s32 $0x1  }
0xbd: {  	_ =	sfence.sel $0xFFFF  }
0xbe: {  	[dreg:$0x0] =	wrdreg $0xFFFFFFFF;
	(pc) =	sbr.abs _section_cstart, $3  }
0xbf: {  	[dreg:$0x1] =	wrdreg $0xFFFFFFFF  }
0xc0: {  	_ =	task.clear_ibuf [dreg:s6], $0x2FFFF;
	_ =	strace $0x9FFFFFFF  }
0xc1: {  	(tm) =	ssettm $0x7FFFFFFF  }
tec
execute0_lowered:
.L_overlay_start_1:
0x0: {  	(tag) =	ssettag $0x1  }
0x1: {  	s0 =	rddreg [dreg:$0x0];
	s1 =	simm.s32 $0x0  }
0x2: {  	s2 =	srdreg.scid;
	s5 =	stileid.u32;
	s14 =	simm.s32 $0x5  }
0x3: {  	s15 =	simm.s32 $0x100;
	s23 =	simm.s32 $0x40;
	s25 =	simm.s32 $0x80  }
0x4: {  	s29 =	simm.s32 $0x5100;
	s30 =	simm.s32 $0x5900;
	s31 =	simm.s32 $0x6100  }
0x5: {  	s12 =	simm.s32 $0xA100;
	s13 =	simm.s32 $0x1;
	s16 =	simm.s32 $0xC100  }
0x6: {  	s17 =	simm.s32 $0x2;
	s18 =	simm.s32 $0x4;
	s20 =	simm.s32 $0x0  }
0x7: {  	[smem:$0x7FF] =	sst s1;
	s3 =	sadd.s32 $0x48C00, s0;
	s4 =	sadd.s32 $0x28C00, s0  }
0x8: {  	s2 =	sand.u32 $0x1, s2;
	s7 =	sshll.u32 s5, $0x1;
	s5 =	sadd.s32 $0x24C00, s0  }
0x9: {  	s6 =	sadd.s32 $0xC8C00, s0;
	_ =	strace $0x80000047;
	s8 =	sor.u32 s2, s7  }
0xa: {  	s7 =	sadd.s32 $0x4C8C00, s0;
	s26 =	ssub.s32 $0x2, s2;
	s28 =	sshll.u32 s8, $0x9  }
0xb: {  	s9 =	sshrl.u32 s26, $0x1;
	s8 =	sshll.u32 s8, $0xC;
	s2 =	sor.u32 $0x1F8, s28  }
0xc: {  	s0 =	ssub.s32 s26, s9;
	s9 =	sadd.s32 $0xFFFFFFC0, s8;
	s10 =	sor.u32 $0x40, s8  }
0xd: {  	s26 =	simm.s32 $0x4100;
	s11 =	sshll.u32 s2, $0x8;
	s0 =	smax.u32 s0, $0x1  }
0xe: {  	v2 =	vlaneseq.u32;
	s2 =	sshll.u32 s2, $0x7;
	s11 =	sadd.s32 s6, s11;
	[dreg:$0x4] =	wrdreg s0  }
0xf: {  	vm0 =	vmmov $0xffff;
	v1 =	vshrl.u32 v2, $0x3;
	s2 =	sadd.s32 s7, s2;
	s0 =	simm.s32 $0x6900;
	[dreg:$0x2] =	wrdreg s11  }
0x10: {  	v0 =	vand.u32 $0x7, v2;
	v2 =	vor.u32 $0x8, v2;
	v1 =	vmul.u32 $0x8, v1;
	[dreg:$0x3] =	wrdreg s2;
	s2 =	simm.s32 $0x7100;
	s11 =	simm.s32 $0x7900  }
.LBB2_1:
0x11: {  	[dreg:$0x5] =	wrdreg s20;
	s19 =	simm.s32 $0x0  }
.LBB2_2:
0x12: {  	p0 =	seq.s32 s19, $0x0  }
0x13: {  	s22 =	simm.s32 @!p0 $0x3  }
0x14: {  	_ =	swait.ge @!p0 [sflag:s22], $0x4000  }
0x15: {  	[sflag:s22] =	ssyncset.done @!p0 $0x0  }
0x16: {  	s21 =	sshll.u32 s19, $0x7;
	[sflag:s22] =	ssyncadd.s32 @!p0 $0xFFFFC000  }
0x17: {  	s20 =	sor.u32 s8, s21;
	_ =	swait.ge @!p0 [sflag:s22], $0x2000  }
0x18: {  	s24 =	sshrl.u32 s20, $0x3;
	[sflag:s22] =	ssyncset.done @!p0 $0x0  }
0x19: {  	s28 =	sadd.s32 s5, s24;
	[sflag:s22] =	ssyncadd.s32 @!p0 $0xFFFFE000  }
0x1a: {  	[tilespmem:s1], [sflag:$0x5] =	stream.linear.gather [hbm4b:s28+s1], $0x40, $0x38;
	[tilespmem:$0x10100] =	vst v63  }
0x1b: {  	_ =	swait.ge [sflag:s14], $0x40  }
0x1c: {  	[sflag:s14] =	ssyncset.done $0x0  }
0x1d: {  	[sflag:s14] =	ssyncadd.s32 $0xFFFFFFC0  }
0x1e: {  	v3 =	vld [tilespmem:$0x0];
	_ =	sdelay $0x4  }
0x1f: {  	v4 =	vshll.u32 v3, $0x1  }
0x20: {  	v3 =	vand.u32 $0x7, v3;
	v4 =	vand.u32 $0xFFFFFFF0, v4  }
0x21: {  	v3 =	vor.u32 v3, v4  }
0x22: {  	v4 =	vperm.xlane v3, v0;
	_ =	sdelay $0x1  }
0x23: {  	v3 =	vperm.xlane v3, v2;
	v4 =	vadd.s32 v1, v4;
	_ =	sdelay $0x1  }
0x24: {  	v3 =	vadd.s32 v1, v3;
	_ =	sdelay $0x2  }
0x25: {  	[tilespmem:s15], [sflag:$0x1] =	stream.indirect_vreg.gather [hbm4b:s3+s1], $0x80, v4, vm0, $0xb8;
	[tilespmem:$0x10100] =	vst v63  }
0x26: {  	s24 =	simm.s32 $0x900  }
0x27: {  	[tilespmem:s24], [sflag:$0x1] =	stream.indirect_vreg.gather [hbm4b:s3+s1], $0x80, v3, vm0, $0xb8;
	[tilespmem:$0x10100] =	vst v63  }
0x28: {  	v3 =	vld [tilespmem:$0x10];
	_ =	sdelay $0x4  }
0x29: {  	v61 =	vshll.u32 v3, $0x1  }
0x2a: {  	v3 =	vand.u32 $0x7, v3;
	v4 =	vand.u32 $0xFFFFFFF0, v61  }
0x2b: {  	v3 =	vor.u32 v3, v4  }
0x2c: {  	v4 =	vperm.xlane v3, v0;
	_ =	sdelay $0x1  }
0x2d: {  	v3 =	vperm.xlane v3, v2;
	v4 =	vadd.s32 v1, v4;
	_ =	sdelay $0x1  }
0x2e: {  	v3 =	vadd.s32 v1, v3;
	_ =	sdelay $0x1  }
0x2f: {  	s28 =	simm.s32 $0x1100  }
0x30: {  	[tilespmem:s28], [sflag:$0x1] =	stream.indirect_vreg.gather [hbm4b:s3+s1], $0x80, v4, vm0, $0xb8;
	[tilespmem:$0x10100] =	vst v63  }
0x31: {  	s24 =	simm.s32 $0x1900  }
0x32: {  	[tilespmem:s24], [sflag:$0x1] =	stream.indirect_vreg.gather [hbm4b:s3+s1], $0x80, v3, vm0, $0xb8;
	[tilespmem:$0x10100] =	vst v63  }
0x33: {  	v3 =	vld [tilespmem:$0x20];
	_ =	sdelay $0x4  }
0x34: {  	v62 =	vshll.u32 v3, $0x1  }
0x35: {  	v3 =	vand.u32 $0x7, v3;
	v4 =	vand.u32 $0xFFFFFFF0, v62  }
0x36: {  	v3 =	vor.u32 v3, v4  }
0x37: {  	v4 =	vperm.xlane v3, v0;
	_ =	sdelay $0x1  }
0x38: {  	v3 =	vperm.xlane v3, v2;
	v4 =	vadd.s32 v1, v4;
	_ =	sdelay $0x1  }
0x39: {  	v3 =	vadd.s32 v1, v3;
	_ =	sdelay $0x1  }
0x3a: {  	s28 =	simm.s32 $0x2100  }
0x3b: {  	[tilespmem:s28], [sflag:$0x1] =	stream.indirect_vreg.gather [hbm4b:s3+s1], $0x80, v4, vm0, $0xb8;
	[tilespmem:$0x10100] =	vst v63  }
0x3c: {  	s24 =	simm.s32 $0x2900  }
0x3d: {  	[tilespmem:s24], [sflag:$0x1] =	stream.indirect_vreg.gather [hbm4b:s3+s1], $0x80, v3, vm0, $0xb8;
	[tilespmem:$0x10100] =	vst v63  }
0x3e: {  	v3 =	vld [tilespmem:$0x30];
	_ =	sdelay $0x4  }
0x3f: {  	v63 =	vshll.u32 v3, $0x1  }
0x40: {  	v3 =	vand.u32 $0x7, v3;
	v4 =	vand.u32 $0xFFFFFFF0, v63  }
0x41: {  	v3 =	vor.u32 v3, v4  }
0x42: {  	v4 =	vperm.xlane v3, v0;
	_ =	sdelay $0x1  }
0x43: {  	v4 =	vadd.s32 v1, v4  }
0x44: {  	v3 =	vperm.xlane v3, v2;
	_ =	sdelay $0x1  }
0x45: {  	v3 =	vadd.s32 v1, v3  }
0x46: {  	s28 =	simm.s32 $0x3100  }
0x47: {  	[tilespmem:s28], [sflag:$0x1] =	stream.indirect_vreg.gather [hbm4b:s3+s1], $0x80, v4, vm0, $0xb8;
	[tilespmem:$0x10100] =	vst v63  }
.Ltmp0:
0x48: {  	_ = 	snop;
	(pc) =	sbr.rel @p0 .LBB2_6-.Ltmp0, $4  }
0x49: {  	s24 =	simm.s32 $0x3900  }
0x4a: {  	[tilespmem:s24], [sflag:$0x1] =	stream.indirect_vreg.gather [hbm4b:s3+s1], $0x80, v3, vm0, $0xb8;
	[tilespmem:$0x10100] =	vst v63  }
0x4b: {  	s28 =	simm.s32 $0x8100  }
0x4c: {  	[tilespmem:s28], [sflag:$0x1] =	stream.indirect.gather [hbm4b:s4+s23], $0x80, s1, s23, $0xb8;
	[tilespmem:$0x10100] =	vst v63  }
0x4d: {  	_ =	swait.ge [sflag:s17], $0x4000  }
0x4e: {  	[sflag:s17] =	ssyncset.done $0x0  }
0x4f: {  	[sflag:s17] =	ssyncadd.s32 $0xFFFFC000  }
0x50: {  	_ =	swait.ge [sflag:s17], $0x2000  }
0x51: {  	[sflag:s17] =	ssyncset.done $0x0  }
0x52: {  	s22 =	simm.s32 $0x0;
	[sflag:s17] =	ssyncadd.s32 $0xFFFFE000  }
0x53: {  	s24 =	simm.s32 $0x200;
	v3 =	vld [tilespmem:s22+$0xA100]  }
.LBB2_4:
0x54: {  	p0 =	sne.s32 s24, $0x7E00  }
.Ltmp1:
0x55: {  	_ = 	snop;
	(pc) =	sbr.rel @p0 .LBB2_4-.Ltmp1, $3  }
0x56: {  	_ =	sdelay $0x1  }
0x57: {  	[tilespmem:s22+$0xE100] =	vst v3;
	s22 =	sshra.s32 s24, $0x2;
	s24 =	sadd.s32 $0x200, s24  }
0x58: {  	v3 =	vld [tilespmem:s22+$0xA100]  }
0x59: {  	_ =	sdelay $0x1  }
0x5a: {  	s24 =	sadd.s32 s21, s9  }
0x5b: {  	s28 =	sshll.u32 s24, $0x5  }
0x5c: {  	s24 =	sshll.u32 s24, $0x4;
	s28 =	sadd.s32 s6, s28;
	[tilespmem:s22+$0xE100] =	vst v3  }
0x5d: {  	[hbm4b:s28+s1] =	stream.linear.scatter [tilespmem:s26], [sflag:$0x4], $0x4000, $0x38;
	[tilespmem:$0x10100] =	vst v63  }
0x5e: {  	s22 =	sadd.s32 s7, s24;
	s28 =	simm.s32 $0xE100  }
0x5f: {  	[hbm4b:s22+s1] =	stream.linear.scatter [tilespmem:s28], [sflag:$0x4], $0x2000, $0x38;
	[tilespmem:$0x10100] =	vst v63  }
0x60: {  	_ =	swait.ge [sflag:s18], $0x4000  }
0x61: {  	[sflag:s18] =	ssyncset.done $0x0  }
0x62: {  	[sflag:s18] =	ssyncadd.s32 $0xFFFFC000  }
0x63: {  	_ =	swait.ge [sflag:s18], $0x2000  }
0x64: {  	[sflag:s18] =	ssyncset.done $0x0  }
0x65: {  	[sflag:s18] =	ssyncadd.s32 $0xFFFFE000  }
.LBB2_6:
0x66: {  	s21 =	sor.u32 s10, s21  }
0x67: {  	s21 =	sshrl.u32 s21, $0x3  }
0x68: {  	s22 =	simm.s32 $0x0;
	s21 =	sadd.s32 s5, s21  }
0x69: {  	[tilespmem:s25], [sflag:$0x5] =	stream.linear.gather [hbm4b:s21+s22], $0x40, $0x38;
	[tilespmem:$0x10100] =	vst v63  }
0x6a: {  	_ =	swait.ge [sflag:s14], $0x40  }
0x6b: {  	[sflag:s14] =	ssyncset.done $0x0  }
0x6c: {  	[sflag:s14] =	ssyncadd.s32 $0xFFFFFFC0  }
0x6d: {  	v3 =	vld [tilespmem:$0x80];
	_ =	sdelay $0x4  }
0x6e: {  	v4 =	vshll.u32 v3, $0x1  }
0x6f: {  	v3 =	vand.u32 $0x7, v3;
	v4 =	vand.u32 $0xFFFFFFF0, v4  }
0x70: {  	v3 =	vor.u32 v3, v4  }
0x71: {  	v4 =	vperm.xlane v3, v0;
	_ =	sdelay $0x1  }
0x72: {  	v3 =	vperm.xlane v3, v2;
	v4 =	vadd.s32 v1, v4;
	_ =	sdelay $0x1  }
0x73: {  	v3 =	vadd.s32 v1, v3;
	_ =	sdelay $0x2  }
0x74: {  	[tilespmem:s26], [sflag:$0x2] =	stream.indirect_vreg.gather [hbm4b:s3+s22], $0x80, v4, vm0, $0xb8;
	[tilespmem:$0x10100] =	vst v63  }
0x75: {  	s28 =	simm.s32 $0x4900  }
0x76: {  	[tilespmem:s28], [sflag:$0x2] =	stream.indirect_vreg.gather [hbm4b:s3+s22], $0x80, v3, vm0, $0xb8;
	[tilespmem:$0x10100] =	vst v63  }
0x77: {  	v3 =	vld [tilespmem:$0x90];
	_ =	sdelay $0x4  }
0x78: {  	v4 =	vshll.u32 v3, $0x1  }
0x79: {  	v3 =	vand.u32 $0x7, v3;
	v4 =	vand.u32 $0xFFFFFFF0, v4  }
0x7a: {  	v3 =	vor.u32 v3, v4  }
0x7b: {  	v4 =	vperm.xlane v3, v0;
	_ =	sdelay $0x1  }
0x7c: {  	v3 =	vperm.xlane v3, v2;
	v4 =	vadd.s32 v1, v4;
	_ =	sdelay $0x1  }
0x7d: {  	v3 =	vadd.s32 v1, v3;
	_ =	sdelay $0x2  }
0x7e: {  	[tilespmem:s29], [sflag:$0x2] =	stream.indirect_vreg.gather [hbm4b:s3+s22], $0x80, v4, vm0, $0xb8;
	[tilespmem:$0x10100] =	vst v63  }
0x7f: {  	_ = 	snop  }
0x80: {  	[tilespmem:s30], [sflag:$0x2] =	stream.indirect_vreg.gather [hbm4b:s3+s22], $0x80, v3, vm0, $0xb8;
	[tilespmem:$0x10100] =	vst v63  }
0x81: {  	v3 =	vld [tilespmem:$0xA0];
	_ =	sdelay $0x4  }
0x82: {  	v4 =	vshll.u32 v3, $0x1  }
0x83: {  	v3 =	vand.u32 $0x7, v3;
	v4 =	vand.u32 $0xFFFFFFF0, v4  }
0x84: {  	v3 =	vor.u32 v3, v4  }
0x85: {  	v4 =	vperm.xlane v3, v0;
	_ =	sdelay $0x1  }
0x86: {  	v3 =	vperm.xlane v3, v2;
	v4 =	vadd.s32 v1, v4;
	_ =	sdelay $0x1  }
0x87: {  	v3 =	vadd.s32 v1, v3;
	_ =	sdelay $0x2  }
0x88: {  	[tilespmem:s31], [sflag:$0x2] =	stream.indirect_vreg.gather [hbm4b:s3+s22], $0x80, v4, vm0, $0xb8;
	[tilespmem:$0x10100] =	vst v63  }
0x89: {  	_ = 	snop  }
0x8a: {  	[tilespmem:s0], [sflag:$0x2] =	stream.indirect_vreg.gather [hbm4b:s3+s22], $0x80, v3, vm0, $0xb8;
	[tilespmem:$0x10100] =	vst v63  }
0x8b: {  	v3 =	vld [tilespmem:$0xB0];
	_ =	sdelay $0x4  }
0x8c: {  	v4 =	vshll.u32 v3, $0x1  }
0x8d: {  	v3 =	vand.u32 $0x7, v3;
	v4 =	vand.u32 $0xFFFFFFF0, v4  }
0x8e: {  	v3 =	vor.u32 v3, v4  }
0x8f: {  	v4 =	vperm.xlane v3, v0;
	_ =	sdelay $0x1  }
0x90: {  	v3 =	vperm.xlane v3, v2;
	v4 =	vadd.s32 v1, v4;
	_ =	sdelay $0x1  }
0x91: {  	v3 =	vadd.s32 v1, v3;
	_ =	sdelay $0x2  }
0x92: {  	[tilespmem:s2], [sflag:$0x2] =	stream.indirect_vreg.gather [hbm4b:s3+s22], $0x80, v4, vm0, $0xb8;
	[tilespmem:$0x10100] =	vst v63  }
0x93: {  	_ = 	snop  }
0x94: {  	[tilespmem:s11], [sflag:$0x2] =	stream.indirect_vreg.gather [hbm4b:s3+s22], $0x80, v3, vm0, $0xb8;
	[tilespmem:$0x10100] =	vst v63  }
0x95: {  	_ = 	snop  }
0x96: {  	[tilespmem:s12], [sflag:$0x2] =	stream.indirect.gather [hbm4b:s4+s23], $0x80, s25, s23, $0xb8;
	[tilespmem:$0x10100] =	vst v63  }
0x97: {  	_ =	swait.ge [sflag:s13], $0x4000  }
0x98: {  	[sflag:s13] =	ssyncset.done $0x0  }
0x99: {  	[sflag:s13] =	ssyncadd.s32 $0xFFFFC000  }
0x9a: {  	_ =	swait.ge [sflag:s13], $0x2000  }
0x9b: {  	[sflag:s13] =	ssyncset.done $0x0  }
0x9c: {  	s21 =	simm.s32 $0x0;
	[sflag:s13] =	ssyncadd.s32 $0xFFFFE000  }
0x9d: {  	s22 =	simm.s32 $0x200;
	v3 =	vld [tilespmem:s21+$0x8100]  }
.LBB2_7:
0x9e: {  	p0 =	sne.s32 s22, $0x7E00  }
.Ltmp2:
0x9f: {  	_ = 	snop;
	(pc) =	sbr.rel @p0 .LBB2_7-.Ltmp2, $3  }
0xa0: {  	_ =	sdelay $0x1  }
0xa1: {  	[tilespmem:s21+$0xC100] =	vst v3;
	s21 =	sshra.s32 s22, $0x2;
	s22 =	sadd.s32 $0x200, s22  }
0xa2: {  	v3 =	vld [tilespmem:s21+$0x8100]  }
0xa3: {  	_ = 	snop  }
0xa4: {  	s19 =	sadd.s32 $0x1, s19  }
0xa5: {  	p0 =	sne.s32 s19, $0x20  }
.Ltmp3:
0xa6: {  	s22 =	sshll.u32 s20, $0x5;
	(pc) =	sbr.rel @p0 .LBB2_2-.Ltmp3, $4  }
0xa7: {  	s28 =	sshll.u32 s20, $0x4;
	s24 =	sadd.s32 s6, s22;
	[tilespmem:s21+$0xC100] =	vst v3  }
0xa8: {  	[hbm4b:s24+s1] =	stream.linear.scatter [tilespmem:s15], [sflag:$0x3], $0x4000, $0x38;
	[tilespmem:$0x10100] =	vst v63  }
0xa9: {  	s20 =	sadd.s32 s7, s28  }
0xaa: {  	[hbm4b:s20+s1] =	stream.linear.scatter [tilespmem:s16], [sflag:$0x3], $0x2000, $0x38;
	[tilespmem:$0x10100] =	vst v63  }
0xab: {  	_ =	swait.ge [sflag:s17], $0x4000  }
0xac: {  	[sflag:s17] =	ssyncset.done $0x0  }
0xad: {  	[sflag:s17] =	ssyncadd.s32 $0xFFFFC000  }
0xae: {  	_ =	swait.ge [sflag:s17], $0x2000  }
0xaf: {  	[sflag:s17] =	ssyncset.done $0x0  }
0xb0: {  	s19 =	simm.s32 $0x0;
	[sflag:s17] =	ssyncadd.s32 $0xFFFFE000  }
0xb1: {  	s20 =	simm.s32 $0x200;
	v3 =	vld [tilespmem:s19+$0xA100]  }
.LBB2_10:
0xb2: {  	p0 =	sne.s32 s20, $0x7E00  }
.Ltmp4:
0xb3: {  	_ = 	snop;
	(pc) =	sbr.rel @p0 .LBB2_10-.Ltmp4, $3  }
0xb4: {  	_ =	sdelay $0x1  }
0xb5: {  	[tilespmem:s19+$0xE100] =	vst v3;
	s19 =	sshra.s32 s20, $0x2;
	s20 =	sadd.s32 $0x200, s20  }
0xb6: {  	v3 =	vld [tilespmem:s19+$0xA100]  }
0xb7: {  	_ =	sdelay $0x3  }
0xb8: {  	s20 =	rddreg [dreg:$0x2];
	[tilespmem:s19+$0xE100] =	vst v3  }
0xb9: {  	[hbm4b:s20+s1] =	stream.linear.scatter [tilespmem:s26], [sflag:$0x4], $0x4000, $0x38;
	[tilespmem:$0x10100] =	vst v63  }
0xba: {  	s21 =	rddreg [dreg:$0x3];
	s22 =	simm.s32 $0x3;
	s20 =	simm.s32 $0xE100  }
0xbb: {  	[hbm4b:s21+s1] =	stream.linear.scatter [tilespmem:s20], [sflag:$0x4], $0x2000, $0x38;
	[tilespmem:$0x10100] =	vst v63  }
0xbc: {  	_ =	swait.ge [sflag:s22], $0x4000  }
0xbd: {  	[sflag:s22] =	ssyncset.done $0x0  }
0xbe: {  	[sflag:s22] =	ssyncadd.s32 $0xFFFFC000  }
0xbf: {  	_ =	swait.ge [sflag:s22], $0x2000  }
0xc0: {  	[sflag:s22] =	ssyncset.done $0x0  }
0xc1: {  	[sflag:s22] =	ssyncadd.s32 $0xFFFFE000  }
0xc2: {  	_ =	swait.ge [sflag:s18], $0x4000  }
0xc3: {  	[sflag:s18] =	ssyncset.done $0x0  }
0xc4: {  	[sflag:s18] =	ssyncadd.s32 $0xFFFFC000  }
0xc5: {  	_ =	swait.ge [sflag:s18], $0x2000  }
0xc6: {  	s24 =	rddreg [dreg:$0x5]  }
0xc7: {  	s28 =	rddreg [dreg:$0x4];
	s20 =	sadd.s32 $0x1, s24  }
0xc8: {  	p0 =	sne.s32 s20, s28  }
.Ltmp5:
0xc9: {  	_ = 	snop;
	(pc) =	sbr.rel @p0 .LBB2_1-.Ltmp5, $3  }
0xca: {  	_ =	sdelay $0x1  }
0xcb: {  	[sflag:s18] =	ssyncset.done $0x0  }
0xcc: {  	[sflag:s18] =	ssyncadd.s32 $0xFFFFE000  }
0xcd: {  	_ =	sfence.sel $0x180000  }
0xce: {  	[bflag:$0x0] =	sbarrier.arrive $0xFFFF  }
0xcf: {  	_ =	strace $0x90000047  }
0xd0: {  	s0 =	stileid.u32;
	[bflag:$0x2] =	sbarrier.arrive $0xFFFF  }
0xd1: {  	p0 =	sne.s32 s0, $0x0;
	s0 =	rddreg [dreg:$0x1]  }
0xd2: {  	s0 =	sadd.s32 @!p0 $0x100000, s0  }
0xd3: {  	[sflag:s0] =	ssyncadd.tile.s32 @!p0 $0x1;
	_ =	shalt  }
.Lfunc_end2:
_tile_overlayer_lowered:
.L_overlay_start_2:
0xd4: {  	(tag) =	ssettag $0x2  }
0xd5: {  	s0 =	rddreg [dreg:$0x0];
	s2 =	stileid.u32  }
0xd6: {  	s1 =	rddreg [dreg:$0x1];
	p0 =	sne.s32 s2, $0x0  }
0xd7: {  	s3 =	rddreg [dreg:$0x2];
	[bflag:$0x3] =	sbarrier.arrive $0xFFFF;
	s2 =	simm.s32 @!p0 $0x1C05  }
0xd8: {  	[timem:s3], [sflag:s2] =	dma.local @!p0 [hbm:s0], s1  }
0xd9: {  	s0 =	simm.s32 @!p0 $0x5  }
0xda: {  	_ =	swait.ge @!p0 [sflag:s0], s1  }
0xdb: {  	s1 =	ssub.s32 @!p0 $0x0, s1;
	[sflag:s0] =	ssyncset.done @!p0 $0x0  }
0xdc: {  	[sflag:s0] =	ssyncadd.s32 @!p0 s1  }
0xdd: {  	[bflag:$0x3] =	sbarrier.arrive $0xFFFF  }
0xde: {  	_ =	shalt  }

// kernel: kernel.13.cloned.1.call-start
scs
__scs_entry_jumppad:
0x0: {  	(pc) =	sbr.rel $0x88, $3  }
0x1: {  	(tag) =	ssettag $0x0;
	lr =	simm.s32 $0x1  }
0x2: {  	[smem:$0x3F8B] =	sst lr;
	_ =	strace $0xD0000000  }
0x3: {  	_ = 	snop  }
0x4: {  	_ = 	snop  }
0x5: {  	_ = 	snop  }
0x6: {  	_ = 	snop  }
0x7: {  	_ = 	snop  }
__scs_overlays_trampoline_lowered:
0x8: {  	[smem:$0x3F9A] =	sst s0  }
0x9: {  	[smem:$0x3F9B] =	sst s1  }
0xa: {  	[smem:$0x3F9C] =	sst s2  }
0xb: {  	[smem:$0x3F9D] =	sst s3  }
0xc: {  	[smem:$0x3F9E] =	sst s4  }
0xd: {  	[smem:$0x3F9F] =	sst s5  }
0xe: {  	[smem:$0x3FA0] =	sst s6  }
0xf: {  	[smem:$0x3FA1] =	sst s7  }
0x10: {  	[smem:$0x3FA2] =	sst s8  }
0x11: {  	[smem:$0x3FA3] =	sst s9;
	s0 =	simm.s32 @!p0 $0x0  }
0x12: {  	s1 =	sld [smem:$0x3F89];
	s0 =	simm.s32 @p0 $0x1  }
0x13: {  	[smem:$0x3FA4] =	sst s0;
	s0 =	simm.s32 @!p1 $0x0  }
0x14: {  	s2 =	sld [smem:$0x3F88];
	s0 =	simm.s32 @p1 $0x1  }
0x15: {  	[smem:$0x3FA5] =	sst s0;
	s0 =	simm.s32 @!p2 $0x0  }
0x16: {  	s3 =	sld [smem:$0x3FDB];
	s0 =	simm.s32 @p2 $0x1  }
0x17: {  	s4 =	simm.s32 $0x1BF5;
	[smem:$0x3FA7] =	sst s0  }
0x18: {  	s0 =	sld [smem:$0x3F8A];
	_ =	swait.ge [sflag:s4], $0x0  }
0x19: {  	s7 =	sld [smem:$0x3F8B]  }
0x1a: {  	s8 =	sadd.s32 $0xFFFFE003, lr  }
0x1b: {  	s9 =	sadd.s32 $0xFFFFFEF7, lr;
	s5 =	simm.s32 $0xFFFFFFFF;
	p2 =	slt.u32 s8, $0xFFFFF086  }
0x1c: {  	p1 =	slt.u32 s9, $0xF7A;
	s5 =	simm.s32 @!p2 $0x0  }
0x1d: {  	s5 =	simm.s32 @p1 $0x1;
	p0 =	seq.s32 s7, s2  }
0x1e: {  	s7 =	smul.u32 @!p0 $0xF7A, s2;
	p2 =	seq.s32 @!p0 s5, $0x0  }
0x1f: {  	s9 =	smul.u32 $0xF7A, s1;
	s8 =	simm.s32 @!p0 $0x1BF5;
	p2 =	por !p2, p0  }
0x20: {  	[sflag:s8] =	ssyncset.s32 @!p0 $0xFFFFF086;
	s6 =	sadd.s32 @!p0 s3, s7;
	s7 =	simm.s32 @!p0 $0x108  }
0x21: {  	s3 =	sadd.s32 s3, s9;
	s6 =	sadd.s32 @!p0 $0x88, s6;
	s7 =	simm.s32 @p2 $0x1082  }
0x22: {  	[simem:s7], [sflag:s8] =	dma.local @!p0 [hbm:s6], $0xF7A  }
0x23: {  	s9 =	sor.u32 $0xD0000000, s2;
	s6 =	simm.s32 $0x108;
	_ =	swait.ge @!p0 [sflag:s8], $0x0  }
0x24: {  	s3 =	sadd.s32 $0x88, s3;
	s6 =	simm.s32 @!p1 $0x1082;
	[sflag:s4] =	ssyncset.s32 $0xFFFFF086  }
0x25: {  	[simem:s6], [sflag:s4] =	dma.local [hbm:s3], $0xF7A  }
0x26: {  	[smem:$0x3F8B] =	sst s1;
	(tag) =	ssettag s2;
	_ =	strace s9  }
0x27: {  	s1 =	sld [smem:$0x3F9B]  }
0x28: {  	s2 =	sld [smem:$0x3F9C]  }
0x29: {  	s4 =	sld [smem:$0x3F9E]  }
0x2a: {  	p0 =	seq.s32 s5, $0x0;
	s5 =	sld [smem:$0x3F9F]  }
0x2b: {  	s6 =	sld [smem:$0x3FA0]  }
0x2c: {  	s7 =	sld [smem:$0x3FA1]  }
0x2d: {  	s3 =	simm.s32 $0x108;
	s8 =	sld [smem:$0x3FA2]  }
0x2e: {  	s3 =	simm.s32 @!p0 $0x1082;
	s9 =	sld [smem:$0x3FA3]  }
0x2f: {  	lr =	sadd.s32 s0, s3;
	s0 =	sld [smem:$0x3F9A]  }
0x30: {  	s3 =	sld [smem:$0x3F9D]  }
0x31: {  	[smem:$0x3FA6] =	sst s10  }
0x32: {  	s10 =	sld [smem:$0x3FA4];
	_ =	sdelay $0x3  }
0x33: {  	p0 =	seq.s32 s10, $0x1;
	s10 =	sld [smem:$0x3FA6];
	_ =	sdelay $0x3  }
0x34: {  	[smem:$0x3FA6] =	sst s10  }
0x35: {  	s10 =	sld [smem:$0x3FA5];
	_ =	sdelay $0x3  }
0x36: {  	p1 =	seq.s32 s10, $0x1;
	s10 =	sld [smem:$0x3FA6];
	_ =	sdelay $0x3  }
0x37: {  	[smem:$0x3FA6] =	sst s10  }
0x38: {  	s10 =	sld [smem:$0x3FA7]  }
0x39: {  	_ = 	snop;
	(pc) =	sbr.ind lr, $3  }
0x3a: {  	_ = 	snop  }
0x3b: {  	_ = 	snop  }
0x3c: {  	p2 =	seq.s32 s10, $0x1;
	s10 =	sld [smem:$0x3FA6]  }
0x3d: {  	_ =	shalt  }
0x3e: {  	_ =	shalt  }
0x3f: {  	_ =	shalt  }
0x40: {  	_ =	shalt  }
0x41: {  	_ =	shalt  }
0x42: {  	_ =	shalt  }
0x43: {  	_ =	shalt  }
0x44: {  	_ =	shalt  }
0x45: {  	_ =	shalt  }
0x46: {  	_ =	shalt  }
0x47: {  	_ =	shalt  }
0x48: {  	_ =	shalt  }
0x49: {  	_ =	shalt  }
0x4a: {  	_ =	shalt  }
0x4b: {  	_ =	shalt  }
0x4c: {  	_ =	shalt  }
0x4d: {  	_ =	shalt  }
0x4e: {  	_ =	shalt  }
0x4f: {  	_ =	shalt  }
0x50: {  	_ =	shalt  }
0x51: {  	_ =	shalt  }
0x52: {  	_ =	shalt  }
0x53: {  	_ =	shalt  }
0x54: {  	_ =	shalt  }
0x55: {  	_ =	shalt  }
0x56: {  	_ =	shalt  }
0x57: {  	_ =	shalt  }
0x58: {  	_ =	shalt  }
0x59: {  	_ =	shalt  }
0x5a: {  	_ =	shalt  }
0x5b: {  	_ =	shalt  }
0x5c: {  	_ =	shalt  }
0x5d: {  	_ =	shalt  }
0x5e: {  	_ =	shalt  }
0x5f: {  	_ =	shalt  }
0x60: {  	_ =	shalt  }
0x61: {  	_ =	shalt  }
0x62: {  	_ =	shalt  }
0x63: {  	_ =	shalt  }
0x64: {  	_ =	shalt  }
0x65: {  	_ =	shalt  }
0x66: {  	_ =	shalt  }
0x67: {  	_ =	shalt  }
0x68: {  	_ =	shalt  }
0x69: {  	_ =	shalt  }
0x6a: {  	_ =	shalt  }
0x6b: {  	_ =	shalt  }
0x6c: {  	_ =	shalt  }
0x6d: {  	_ =	shalt  }
0x6e: {  	_ =	shalt  }
0x6f: {  	_ =	shalt  }
0x70: {  	_ =	shalt  }
0x71: {  	_ =	shalt  }
0x72: {  	_ =	shalt  }
0x73: {  	_ =	shalt  }
0x74: {  	_ =	shalt  }
0x75: {  	_ =	shalt  }
0x76: {  	_ =	shalt  }
0x77: {  	_ =	shalt  }
0x78: {  	_ =	shalt  }
0x79: {  	_ =	shalt  }
0x7a: {  	_ =	shalt  }
0x7b: {  	_ =	shalt  }
0x7c: {  	_ =	shalt  }
0x7d: {  	_ =	shalt  }
0x7e: {  	_ =	shalt  }
0x7f: {  	_ =	shalt  }
0x80: {  	_ =	shalt  }
0x81: {  	_ =	shalt  }
0x82: {  	_ =	shalt  }
0x83: {  	_ =	shalt  }
0x84: {  	_ =	shalt  }
0x85: {  	_ =	shalt  }
0x86: {  	_ =	shalt  }
0x87: {  	_ =	shalt  }
.Lfunc_end0:
.L_simem_size_0:
called_computation.1_lowered:
.L_overlay_start_0:
0x88: {  	s2 =	sld [smem:$0x3FD9]  }
0x89: {  	s3 =	sld [smem:$0x3FFE];
	_ =	sdelay $0x1  }
0x8a: {  	s1 =	srdreg.scid  }
0x8b: {  	s0 =	sand.u32 $0x1, s1  }
0x8c: {  	s17 =	sshll.u32 s0, $0xA;
	s2 =	sadd.s32 s3, s2  }
0x8d: {  	s2 =	sadd.s32 s2, s17  }
0x8e: {  	[smem:$0x3FB2] =	sst s2  }
0x8f: {  	_ = 	snop  }
0x90: {  	s18 =	sld [smem:$0x3FD0];
	(tm) =	ssettm $0x1  }
0x91: {  	s19 =	sld [smem:$0x3FFB];
	_ =	sdelay $0x3  }
0x92: {  	_ =	strace s19  }
0x93: {  	s2 =	sld [smem:$0x3FFC];
	_ =	sdelay $0x3  }
0x94: {  	_ =	strace s2  }
0x95: {  	s2 =	sld [smem:$0x3FFD];
	_ =	sdelay $0x3  }
0x96: {  	_ =	strace s2  }
0x97: {  	_ =	strace $0x8FFFFFFF  }
0x98: {  	s20 =	sld [smem:$0x3FDB];
	_ =	sdelay $0x1  }
0x99: {  	s4 =	simm.s32 $_scs_section_size  }
0x9a: {  	s5 =	simm.s32 $_size__tile_overlayer_lowered;
	s6 =	simm.s32 $_tile_overlayer_lowered  }
0x9b: {  	s7 =	simm.s32 $0x1BFF;
	s21 =	sshll.u32 s6, $0x1;
	s4 =	sadd.s32 s4, s20  }
0x9c: {  	s22 =	simm.s32 $0x0;
	s5 =	sshll.u32 s5, $0x1;
	s6 =	sadd.s32 s21, s4  }
0x9d: {  	[timem:s22], [sflag:s7] =	dma.local [hbm:s6], s5  }
0x9e: {  	_ =	swait.ge [sflag:s7], s5  }
0x9f: {  	s5 =	ssub.s32 $0x0, s5;
	[sflag:s7] =	ssyncset.done $0x0  }
0xa0: {  	[sflag:s7] =	ssyncadd.s32 s5;
	_ =	sdelay $0x1  }
0xa1: {  	s23 =	simm.s32 $0x1B8B  }
0xa2: {  	_ =	swait.ge [sflag:s23], $0x1  }
0xa3: {  	[sflag:s23] =	ssyncset.done $0x0  }
0xa4: {  	[sflag:s23] =	ssyncadd.s32 $0xFFFFFFFF  }
0xa5: {  	s5 =	sld [smem:$0x0]  }
0xa6: {  	s6 =	sand.u32 $0xFFFFFFFE, s1  }
0xa7: {  	p0 =	sne.s32 s1, s6  }
0xa8: {  	s6 =	sshll.u32 @p0 s6, $0xE  }
0xa9: {  	s6 =	sadd.s32 @p0 $0x11B8D, s6;
	s7 =	sshll.u32 @p0 s5, $0x11  }
0xaa: {  	s6 =	sor.u32 @p0 s7, s6  }
0xab: {  	[sflag:s6] =	ssyncadd.remote.s32 @p0 $0x1;
	_ =	sdelay $0x1  }
0xac: {  	s6 =	simm.s32 @p0 $0x1B8D  }
0xad: {  	_ =	swait.eq @p0 [sflag:s6], $0x1  }
0xae: {  	[sflag:s6] =	ssyncadd.s32 @p0 $0xFFFFFFFF  }
0xaf: {  	s7 =	sshll.u32 @!p0 s1, $0xE  }
0xb0: {  	s7 =	sor.u32 @!p0 $0x4000, s7;
	s6 =	simm.s32 @!p0 $0x1B8D  }
0xb1: {  	s5 =	sshll.u32 @!p0 s5, $0x11;
	s7 =	sadd.s32 @!p0 $0x11B8D, s7;
	_ =	swait.eq @!p0 [sflag:s6], $0x1  }
0xb2: {  	s5 =	sor.u32 @!p0 s5, s7;
	[sflag:s6] =	ssyncadd.s32 @!p0 $0xFFFFFFFF  }
0xb3: {  	s25 =	simm.s32 $0x1B8E;
	s24 =	sld [smem:$0x3FFE];
	[sflag:s5] =	ssyncadd.remote.s32 @!p0 $0x1  }
0xb4: {  	s26 =	simm.s32 $execute0_lowered;
	[smem:$0x3FD2] =	sst s25  }
0xb5: {  	s6 =	sshll.u32 s26, $0x1;
	_ =	strace $0x80000049;
	[dreg:$0x1] =	wrdreg $0xFFFFFFFF  }
0xb6: {  	s28 =	simm.s32 $_size_execute0_lowered;
	s4 =	sadd.s32 s4, s6;
	[dreg:$0x0] =	wrdreg $0x0  }
0xb7: {  	s6 =	sshll.u32 s28, $0x1;
	[dreg:$0x2] =	wrdreg s4  }
0xb8: {  	[dreg:$0x3] =	wrdreg s6  }
0xb9: {  	[dreg:$0x4] =	wrdreg $0xC0  }
0xba: {  	_ =	task [dreg:s22], $0x5FFFF  }
0xbb: {  	[dreg:$0x1] =	wrdreg $0xFFFFFFFF  }
0xbc: {  	[dreg:$0x0] =	wrdreg $0x60  }
0xbd: {  	[dreg:$0x2] =	wrdreg s18  }
0xbe: {  	[dreg:$0x3] =	wrdreg s24  }
0xbf: {  	[dreg:$0x4] =	wrdreg $0xA  }
0xc0: {  	_ =	task.clear_ibuf [dreg:s22], $0x5FFFF;
	_ =	strace $0x90000049  }
0xc1: {  	s29 =	simm.s32 $0xA;
	_ =	strace $0x8000004B  }
0xc2: {  	_ =	swait.ge [sflag:s29], $0x1  }
0xc3: {  	[sflag:s29] =	ssyncadd.s32 $0xFFFFFFFF  }
0xc4: {  	_ =	strace $0x9000004B  }
0xc5: {  	_ =	sfence  }
0xc6: {  	s30 =	sld [smem:$0x0];
	_ =	sdelay $0x2  }
0xc7: {  	s31 =	sshll.u32 s1, $0xD;
	s1 =	sshrl.u32 s1, $0x2  }
0xc8: {  	s4 =	sand.u32 $0x4000, s31;
	s1 =	sadd.s32 s1, s30  }
0xc9: {  	s0 =	sor.u32 s4, s0;
	s1 =	sshll.u32 s1, $0x11  }
0xca: {  	s0 =	sor.u32 s1, s0  }
0xcb: {  	s0 =	sadd.s32 $0x8F2B, s0  }
0xcc: {  	[sflag:s0] =	ssyncadd.remote.s32 $0x1  }
0xcd: {  	_ =	sfence.sel $0xFFFF  }
0xce: {  	[dreg:$0x0] =	wrdreg $0xFFFFFFFF;
	(pc) =	sbr.abs _section_cstart, $3  }
0xcf: {  	[dreg:$0x1] =	wrdreg $0xFFFFFFFF  }
0xd0: {  	_ =	task.clear_ibuf [dreg:s22], $0x2FFFF;
	_ =	strace $0x9FFFFFFF  }
0xd1: {  	(tm) =	ssettm $0x7FFFFFFF  }
tec
execute0_lowered:
.L_overlay_start_1:
0x0: {  	(tag) =	ssettag $0x1  }
0x1: {  	s1 =	srdreg.scid;
	s2 =	rddreg [dreg:$0x0]  }
0x2: {  	s0 =	stileid.u32;
	s5 =	rddreg [dreg:$0x1];
	s4 =	sand.u32 $0x1, s1  }
0x3: {  	s30 =	simm.s32 $0x900;
	s26 =	sshll.u32 s0, $0xD;
	s3 =	sshll.u32 s4, $0xC  }
0x4: {  	s31 =	simm.s32 $0x1100;
	s6 =	sor.u32 s3, s26;
	s3 =	simm.s32 $0x0  }
0x5: {  	s10 =	simm.s32 $0x1900;
	s12 =	simm.s32 $0x2100;
	[smem:$0x7FF] =	sst s3  }
0x6: {  	s14 =	simm.s32 $0x2900;
	_ =	strace $0x8000004A;
	[dreg:$0x5] =	wrdreg s30  }
0x7: {  	s15 =	simm.s32 $0x3100;
	s17 =	simm.s32 $0x3900;
	[dreg:$0x6] =	wrdreg s31  }
0x8: {  	s18 =	simm.s32 $0x4100;
	s20 =	simm.s32 $0x4900;
	[dreg:$0x7] =	wrdreg s10  }
0x9: {  	s22 =	simm.s32 $0x5900;
	s23 =	simm.s32 $0x6100;
	[dreg:$0x8] =	wrdreg s12  }
0xa: {  	s24 =	simm.s32 $0x6900;
	s25 =	simm.s32 $0x7100;
	[dreg:$0x9] =	wrdreg s14  }
0xb: {  	s28 =	simm.s32 $0x4;
	s29 =	simm.s32 $0x0;
	[dreg:$0xa] =	wrdreg s15  }
0xc: {  	s8 =	sadd.s32 $0x24C00, s5;
	s1 =	sadd.s32 $0x6C8C00, s5;
	[dreg:$0xb] =	wrdreg s17  }
0xd: {  	s16 =	sshll.u32 s0, $0x12;
	s11 =	ssub.s32 $0x2, s4;
	[dreg:$0xc] =	wrdreg s18  }
0xe: {  	s9 =	sshll.u32 s4, $0x11;
	s13 =	sshrl.u32 s11, $0x1;
	[dreg:$0xd] =	wrdreg s20  }
0xf: {  	s19 =	sor.u32 s9, s16;
	s26 =	simm.s32 $0x7900;
	[dreg:$0xf] =	wrdreg s22  }
0x10: {  	s7 =	sor.u32 $0x80, s6;
	s6 =	sshrl.u32 s6, $0x3;
	[dreg:$0x10] =	wrdreg s23  }
0x11: {  	s5 =	sadd.s32 s19, s1;
	s19 =	simm.s32 $0xD900;
	[dreg:$0x11] =	wrdreg s24  }
0x12: {  	s7 =	sshrl.u32 s7, $0x3;
	s6 =	sadd.s32 s6, s8;
	[dreg:$0x12] =	wrdreg s25  }
0x13: {  	s10 =	simm.s32 $0x5100;
	s21 =	sadd.s32 $0x1F000, s5;
	[dreg:$0x13] =	wrdreg s26  }
0x14: {  	s30 =	simm.s32 $0x80;
	s31 =	simm.s32 $0x8900;
	s12 =	simm.s32 $0xA100  }
0x15: {  	s14 =	simm.s32 $0xB100;
	s15 =	simm.s32 $0xB900;
	s17 =	simm.s32 $0xC900  }
0x16: {  	s18 =	simm.s32 $0xD100;
	s20 =	simm.s32 $0xE100;
	[dreg:$0x4] =	wrdreg s6  }
0x17: {  	s22 =	simm.s32 $0xF100;
	s23 =	simm.s32 $0xF900;
	[dreg:$0x16] =	wrdreg s21  }
0x18: {  	s24 =	simm.s32 $0x1;
	s25 =	simm.s32 $0x2;
	[dreg:$0xe] =	wrdreg s10  }
0x19: {  	s26 =	simm.s32 $0x3;
	s7 =	sadd.s32 s7, s8;
	[dreg:$0x14] =	wrdreg s30  }
0x1a: {  	s6 =	ssub.s32 s11, s13;
	s8 =	simm.s32 $0x100;
	[dreg:$0x15] =	wrdreg s31  }
0x1b: {  	s10 =	simm.s32 $0x9100;
	s11 =	simm.s32 $0x9900;
	s13 =	simm.s32 $0xA900  }
0x1c: {  	v2 =	vlaneseq.u32;
	s21 =	simm.s32 $0xE900;
	[dreg:$0x3] =	wrdreg s7;
	s7 =	sadd.s32 s16, s1  }
0x1d: {  	vm0 =	vmmov $0xffff;
	v1 =	vshrl.u32 v2, $0x3;
	s5 =	smax.u32 s6, $0x1;
	s16 =	simm.s32 $0xC100;
	s7 =	sadd.s32 s9, s7  }
0x1e: {  	v0 =	vand.u32 $0x7, v2;
	v2 =	vor.u32 $0x8, v2;
	v1 =	vmul.u32 $0x8, v1;
	s9 =	simm.s32 $0x8100;
	s6 =	sadd.s32 $0xFFFFF000, s7;
	s7 =	simm.s32 $0x5  }
.LBB2_1:
0x1f: {  	s30 =	smov.u32 s6;
	s31 =	simm.s32 $0x0  }
.LBB2_2:
0x20: {  	p0 =	seq.s32 s31, $0x0  }
0x21: {  	s1 =	simm.s32 @!p0 $0x3  }
0x22: {  	_ =	swait.ge @!p0 [sflag:s1], $0x8000  }
0x23: {  	s0 =	rddreg [dreg:$0x4];
	[sflag:s1] =	ssyncset.done @!p0 $0x0  }
0x24: {  	[sflag:s1] =	ssyncadd.s32 @!p0 $0xFFFF8000;
	s0 =	sadd.s32 s31, s0  }
0x25: {  	[tilespmem:s3], [sflag:$0x5] =	stream.linear.gather [hbm4b:s0+s3], $0x80, $0x38;
	[tilespmem:$0x10100] =	vst v63  }
0x26: {  	_ =	swait.ge [sflag:s7], $0x80  }
0x27: {  	[sflag:s7] =	ssyncset.done $0x0  }
0x28: {  	[sflag:s7] =	ssyncadd.s32 $0xFFFFFF80  }
0x29: {  	v3 =	vld [tilespmem:$0x0];
	_ =	sdelay $0x4  }
0x2a: {  	v4 =	vshll.u32 v3, $0x1  }
0x2b: {  	v3 =	vand.u32 $0x7, v3;
	v4 =	vand.u32 $0xFFFFFFF0, v4  }
0x2c: {  	v3 =	vor.u32 v3, v4  }
0x2d: {  	v4 =	vperm.xlane v3, v0;
	_ =	sdelay $0x1  }
0x2e: {  	v3 =	vperm.xlane v3, v2;
	v4 =	vadd.s32 v1, v4;
	_ =	sdelay $0x1  }
0x2f: {  	v3 =	vadd.s32 v1, v3;
	_ =	sdelay $0x2  }
0x30: {  	[tilespmem:s8], [sflag:$0x1] =	stream.indirect_vreg.gather [hbm4b:s2+s3], $0x80, v4, vm0, $0xb8;
	[tilespmem:$0x10100] =	vst v63  }
0x31: {  	s4 =	rddreg [dreg:$0x5]  }
0x32: {  	[tilespmem:s4], [sflag:$0x1] =	stream.indirect_vreg.gather [hbm4b:s2+s3], $0x80, v3, vm0, $0xb8;
	[tilespmem:$0x10100] =	vst v63  }
0x33: {  	v3 =	vld [tilespmem:$0x10];
	_ =	sdelay $0x4  }
0x34: {  	v49 =	vshll.u32 v3, $0x1  }
0x35: {  	v3 =	vand.u32 $0x7, v3;
	v4 =	vand.u32 $0xFFFFFFF0, v49  }
0x36: {  	v3 =	vor.u32 v3, v4  }
0x37: {  	v4 =	vperm.xlane v3, v0;
	_ =	sdelay $0x1  }
0x38: {  	v3 =	vperm.xlane v3, v2;
	v4 =	vadd.s32 v1, v4;
	_ =	sdelay $0x1  }
0x39: {  	v3 =	vadd.s32 v1, v3;
	_ =	sdelay $0x1  }
0x3a: {  	s1 =	rddreg [dreg:$0x6]  }
0x3b: {  	[tilespmem:s1], [sflag:$0x1] =	stream.indirect_vreg.gather [hbm4b:s2+s3], $0x80, v4, vm0, $0xb8;
	[tilespmem:$0x10100] =	vst v63  }
0x3c: {  	s4 =	rddreg [dreg:$0x7]  }
0x3d: {  	[tilespmem:s4], [sflag:$0x1] =	stream.indirect_vreg.gather [hbm4b:s2+s3], $0x80, v3, vm0, $0xb8;
	[tilespmem:$0x10100] =	vst v63  }
0x3e: {  	v3 =	vld [tilespmem:$0x20];
	_ =	sdelay $0x4  }
0x3f: {  	v50 =	vshll.u32 v3, $0x1  }
0x40: {  	v3 =	vand.u32 $0x7, v3;
	v4 =	vand.u32 $0xFFFFFFF0, v50  }
0x41: {  	v3 =	vor.u32 v3, v4  }
0x42: {  	v4 =	vperm.xlane v3, v0;
	_ =	sdelay $0x1  }
0x43: {  	v3 =	vperm.xlane v3, v2;
	v4 =	vadd.s32 v1, v4;
	_ =	sdelay $0x1  }
0x44: {  	v3 =	vadd.s32 v1, v3;
	_ =	sdelay $0x1  }
0x45: {  	s1 =	rddreg [dreg:$0x8]  }
0x46: {  	[tilespmem:s1], [sflag:$0x1] =	stream.indirect_vreg.gather [hbm4b:s2+s3], $0x80, v4, vm0, $0xb8;
	[tilespmem:$0x10100] =	vst v63  }
0x47: {  	s4 =	rddreg [dreg:$0x9]  }
0x48: {  	[tilespmem:s4], [sflag:$0x1] =	stream.indirect_vreg.gather [hbm4b:s2+s3], $0x80, v3, vm0, $0xb8;
	[tilespmem:$0x10100] =	vst v63  }
0x49: {  	v3 =	vld [tilespmem:$0x30];
	_ =	sdelay $0x4  }
0x4a: {  	v51 =	vshll.u32 v3, $0x1  }
0x4b: {  	v3 =	vand.u32 $0x7, v3;
	v4 =	vand.u32 $0xFFFFFFF0, v51  }
0x4c: {  	v3 =	vor.u32 v3, v4  }
0x4d: {  	v4 =	vperm.xlane v3, v0;
	_ =	sdelay $0x1  }
0x4e: {  	v3 =	vperm.xlane v3, v2;
	v4 =	vadd.s32 v1, v4;
	_ =	sdelay $0x1  }
0x4f: {  	v3 =	vadd.s32 v1, v3;
	_ =	sdelay $0x1  }
0x50: {  	s1 =	rddreg [dreg:$0xa]  }
0x51: {  	[tilespmem:s1], [sflag:$0x1] =	stream.indirect_vreg.gather [hbm4b:s2+s3], $0x80, v4, vm0, $0xb8;
	[tilespmem:$0x10100] =	vst v63  }
0x52: {  	s4 =	rddreg [dreg:$0xb]  }
0x53: {  	[tilespmem:s4], [sflag:$0x1] =	stream.indirect_vreg.gather [hbm4b:s2+s3], $0x80, v3, vm0, $0xb8;
	[tilespmem:$0x10100] =	vst v63  }
0x54: {  	v3 =	vld [tilespmem:$0x40];
	_ =	sdelay $0x4  }
0x55: {  	v52 =	vshll.u32 v3, $0x1  }
0x56: {  	v3 =	vand.u32 $0x7, v3;
	v4 =	vand.u32 $0xFFFFFFF0, v52  }
0x57: {  	v3 =	vor.u32 v3, v4  }
0x58: {  	v4 =	vperm.xlane v3, v0;
	_ =	sdelay $0x1  }
0x59: {  	v3 =	vperm.xlane v3, v2;
	v4 =	vadd.s32 v1, v4;
	_ =	sdelay $0x1  }
0x5a: {  	v3 =	vadd.s32 v1, v3;
	_ =	sdelay $0x1  }
0x5b: {  	s1 =	rddreg [dreg:$0xc]  }
0x5c: {  	[tilespmem:s1], [sflag:$0x1] =	stream.indirect_vreg.gather [hbm4b:s2+s3], $0x80, v4, vm0, $0xb8;
	[tilespmem:$0x10100] =	vst v63  }
0x5d: {  	s4 =	rddreg [dreg:$0xd]  }
0x5e: {  	[tilespmem:s4], [sflag:$0x1] =	stream.indirect_vreg.gather [hbm4b:s2+s3], $0x80, v3, vm0, $0xb8;
	[tilespmem:$0x10100] =	vst v63  }
0x5f: {  	v3 =	vld [tilespmem:$0x50];
	_ =	sdelay $0x4  }
0x60: {  	v53 =	vshll.u32 v3, $0x1  }
0x61: {  	v3 =	vand.u32 $0x7, v3;
	v4 =	vand.u32 $0xFFFFFFF0, v53  }
0x62: {  	v3 =	vor.u32 v3, v4  }
0x63: {  	v4 =	vperm.xlane v3, v0;
	_ =	sdelay $0x1  }
0x64: {  	v3 =	vperm.xlane v3, v2;
	v4 =	vadd.s32 v1, v4;
	_ =	sdelay $0x1  }
0x65: {  	v3 =	vadd.s32 v1, v3;
	_ =	sdelay $0x1  }
0x66: {  	s1 =	rddreg [dreg:$0xe]  }
0x67: {  	[tilespmem:s1], [sflag:$0x1] =	stream.indirect_vreg.gather [hbm4b:s2+s3], $0x80, v4, vm0, $0xb8;
	[tilespmem:$0x10100] =	vst v63  }
0x68: {  	s4 =	rddreg [dreg:$0xf]  }
0x69: {  	[tilespmem:s4], [sflag:$0x1] =	stream.indirect_vreg.gather [hbm4b:s2+s3], $0x80, v3, vm0, $0xb8;
	[tilespmem:$0x10100] =	vst v63  }
0x6a: {  	v3 =	vld [tilespmem:$0x60];
	_ =	sdelay $0x4  }
0x6b: {  	v54 =	vshll.u32 v3, $0x1  }
0x6c: {  	v3 =	vand.u32 $0x7, v3;
	v4 =	vand.u32 $0xFFFFFFF0, v54  }
0x6d: {  	v3 =	vor.u32 v3, v4  }
0x6e: {  	v4 =	vperm.xlane v3, v0;
	_ =	sdelay $0x1  }
0x6f: {  	v3 =	vperm.xlane v3, v2;
	v4 =	vadd.s32 v1, v4;
	_ =	sdelay $0x1  }
0x70: {  	v3 =	vadd.s32 v1, v3;
	_ =	sdelay $0x1  }
0x71: {  	s1 =	rddreg [dreg:$0x10]  }
0x72: {  	[tilespmem:s1], [sflag:$0x1] =	stream.indirect_vreg.gather [hbm4b:s2+s3], $0x80, v4, vm0, $0xb8;
	[tilespmem:$0x10100] =	vst v63  }
0x73: {  	s4 =	rddreg [dreg:$0x11]  }
0x74: {  	[tilespmem:s4], [sflag:$0x1] =	stream.indirect_vreg.gather [hbm4b:s2+s3], $0x80, v3, vm0, $0xb8;
	[tilespmem:$0x10100] =	vst v63  }
0x75: {  	v3 =	vld [tilespmem:$0x70];
	_ =	sdelay $0x4  }
0x76: {  	v55 =	vshll.u32 v3, $0x1  }
0x77: {  	v3 =	vand.u32 $0x7, v3;
	v4 =	vand.u32 $0xFFFFFFF0, v55  }
0x78: {  	v3 =	vor.u32 v3, v4  }
0x79: {  	v4 =	vperm.xlane v3, v0;
	_ =	sdelay $0x1  }
0x7a: {  	v3 =	vperm.xlane v3, v2;
	v4 =	vadd.s32 v1, v4;
	_ =	sdelay $0x1  }
0x7b: {  	v3 =	vadd.s32 v1, v3;
	_ =	sdelay $0x1  }
0x7c: {  	s1 =	rddreg [dreg:$0x12]  }
0x7d: {  	[tilespmem:s1], [sflag:$0x1] =	stream.indirect_vreg.gather [hbm4b:s2+s3], $0x80, v4, vm0, $0xb8;
	[tilespmem:$0x10100] =	vst v63  }
0x7e: {  	s0 =	simm.s32 @!p0 $0x2;
	s4 =	rddreg [dreg:$0x13]  }
0x7f: {  	[tilespmem:s4], [sflag:$0x1] =	stream.indirect_vreg.gather [hbm4b:s2+s3], $0x80, v3, vm0, $0xb8;
	[tilespmem:$0x10100] =	vst v63  }
0x80: {  	_ =	swait.ge @!p0 [sflag:s0], $0x8000  }
0x81: {  	[sflag:s0] =	ssyncset.done @!p0 $0x0  }
0x82: {  	s1 =	simm.s32 @!p0 $0x8100;
	[sflag:s0] =	ssyncadd.s32 @!p0 $0xFFFF8000;
	s0 =	simm.s32 @!p0 $0x0  }
0x83: {  	[hbm4b:s30+s0] =	stream.linear.scatter @!p0 [tilespmem:s1], [sflag:$0x4], $0x8000, $0x38;
	[tilespmem:$0x10100] =	vst v63  }
0x84: {  	s0 =	simm.s32 @!p0 $0x4  }
0x85: {  	_ =	swait.ge @!p0 [sflag:s0], $0x8000  }
0x86: {  	s1 =	rddreg [dreg:$0x3];
	[sflag:s0] =	ssyncset.done @!p0 $0x0  }
0x87: {  	s4 =	rddreg [dreg:$0x14];
	[sflag:s0] =	ssyncadd.s32 @!p0 $0xFFFF8000;
	s1 =	sadd.s32 s31, s1  }
0x88: {  	[tilespmem:s4], [sflag:$0x5] =	stream.linear.gather [hbm4b:s1+s3], $0x80, $0x38;
	[tilespmem:$0x10100] =	vst v63  }
0x89: {  	_ =	swait.ge [sflag:s7], $0x80  }
0x8a: {  	[sflag:s7] =	ssyncset.done $0x0  }
0x8b: {  	[sflag:s7] =	ssyncadd.s32 $0xFFFFFF80  }
0x8c: {  	v3 =	vld [tilespmem:$0x80];
	_ =	sdelay $0x4  }
0x8d: {  	v56 =	vshll.u32 v3, $0x1  }
0x8e: {  	v3 =	vand.u32 $0x7, v3;
	v4 =	vand.u32 $0xFFFFFFF0, v56  }
0x8f: {  	v3 =	vor.u32 v3, v4  }
0x90: {  	v4 =	vperm.xlane v3, v0;
	_ =	sdelay $0x1  }
0x91: {  	v3 =	vperm.xlane v3, v2;
	v4 =	vadd.s32 v1, v4;
	_ =	sdelay $0x1  }
0x92: {  	v3 =	vadd.s32 v1, v3;
	_ =	sdelay $0x2  }
0x93: {  	[tilespmem:s9], [sflag:$0x2] =	stream.indirect_vreg.gather [hbm4b:s2+s3], $0x80, v4, vm0, $0xb8;
	[tilespmem:$0x10100] =	vst v63  }
0x94: {  	s1 =	rddreg [dreg:$0x15]  }
0x95: {  	[tilespmem:s1], [sflag:$0x2] =	stream.indirect_vreg.gather [hbm4b:s2+s3], $0x80, v3, vm0, $0xb8;
	[tilespmem:$0x10100] =	vst v63  }
0x96: {  	v3 =	vld [tilespmem:$0x90];
	_ =	sdelay $0x4  }
0x97: {  	v57 =	vshll.u32 v3, $0x1  }
0x98: {  	v3 =	vand.u32 $0x7, v3;
	v4 =	vand.u32 $0xFFFFFFF0, v57  }
0x99: {  	v3 =	vor.u32 v3, v4  }
0x9a: {  	v4 =	vperm.xlane v3, v0;
	_ =	sdelay $0x1  }
0x9b: {  	v3 =	vperm.xlane v3, v2;
	v4 =	vadd.s32 v1, v4;
	_ =	sdelay $0x1  }
0x9c: {  	v3 =	vadd.s32 v1, v3;
	_ =	sdelay $0x2  }
0x9d: {  	[tilespmem:s10], [sflag:$0x2] =	stream.indirect_vreg.gather [hbm4b:s2+s3], $0x80, v4, vm0, $0xb8;
	[tilespmem:$0x10100] =	vst v63  }
0x9e: {  	_ = 	snop  }
0x9f: {  	[tilespmem:s11], [sflag:$0x2] =	stream.indirect_vreg.gather [hbm4b:s2+s3], $0x80, v3, vm0, $0xb8;
	[tilespmem:$0x10100] =	vst v63  }
0xa0: {  	v3 =	vld [tilespmem:$0xA0];
	_ =	sdelay $0x4  }
0xa1: {  	v58 =	vshll.u32 v3, $0x1  }
0xa2: {  	v3 =	vand.u32 $0x7, v3;
	v4 =	vand.u32 $0xFFFFFFF0, v58  }
0xa3: {  	v3 =	vor.u32 v3, v4  }
0xa4: {  	v4 =	vperm.xlane v3, v0;
	_ =	sdelay $0x1  }
0xa5: {  	v3 =	vperm.xlane v3, v2;
	v4 =	vadd.s32 v1, v4;
	_ =	sdelay $0x1  }
0xa6: {  	v3 =	vadd.s32 v1, v3;
	_ =	sdelay $0x2  }
0xa7: {  	[tilespmem:s12], [sflag:$0x2] =	stream.indirect_vreg.gather [hbm4b:s2+s3], $0x80, v4, vm0, $0xb8;
	[tilespmem:$0x10100] =	vst v63  }
0xa8: {  	_ = 	snop  }
0xa9: {  	[tilespmem:s13], [sflag:$0x2] =	stream.indirect_vreg.gather [hbm4b:s2+s3], $0x80, v3, vm0, $0xb8;
	[tilespmem:$0x10100] =	vst v63  }
0xaa: {  	v3 =	vld [tilespmem:$0xB0];
	_ =	sdelay $0x4  }
0xab: {  	v59 =	vshll.u32 v3, $0x1  }
0xac: {  	v3 =	vand.u32 $0x7, v3;
	v4 =	vand.u32 $0xFFFFFFF0, v59  }
0xad: {  	v3 =	vor.u32 v3, v4  }
0xae: {  	v4 =	vperm.xlane v3, v0;
	_ =	sdelay $0x1  }
0xaf: {  	v3 =	vperm.xlane v3, v2;
	v4 =	vadd.s32 v1, v4;
	_ =	sdelay $0x1  }
0xb0: {  	v3 =	vadd.s32 v1, v3;
	_ =	sdelay $0x2  }
0xb1: {  	[tilespmem:s14], [sflag:$0x2] =	stream.indirect_vreg.gather [hbm4b:s2+s3], $0x80, v4, vm0, $0xb8;
	[tilespmem:$0x10100] =	vst v63  }
0xb2: {  	_ = 	snop  }
0xb3: {  	[tilespmem:s15], [sflag:$0x2] =	stream.indirect_vreg.gather [hbm4b:s2+s3], $0x80, v3, vm0, $0xb8;
	[tilespmem:$0x10100] =	vst v63  }
0xb4: {  	v3 =	vld [tilespmem:$0xC0];
	_ =	sdelay $0x4  }
0xb5: {  	v60 =	vshll.u32 v3, $0x1  }
0xb6: {  	v3 =	vand.u32 $0x7, v3;
	v4 =	vand.u32 $0xFFFFFFF0, v60  }
0xb7: {  	v3 =	vor.u32 v3, v4  }
0xb8: {  	v4 =	vperm.xlane v3, v0;
	_ =	sdelay $0x1  }
0xb9: {  	v3 =	vperm.xlane v3, v2;
	v4 =	vadd.s32 v1, v4;
	_ =	sdelay $0x1  }
0xba: {  	v3 =	vadd.s32 v1, v3;
	_ =	sdelay $0x2  }
0xbb: {  	[tilespmem:s16], [sflag:$0x2] =	stream.indirect_vreg.gather [hbm4b:s2+s3], $0x80, v4, vm0, $0xb8;
	[tilespmem:$0x10100] =	vst v63  }
0xbc: {  	_ = 	snop  }
0xbd: {  	[tilespmem:s17], [sflag:$0x2] =	stream.indirect_vreg.gather [hbm4b:s2+s3], $0x80, v3, vm0, $0xb8;
	[tilespmem:$0x10100] =	vst v63  }
0xbe: {  	v3 =	vld [tilespmem:$0xD0];
	_ =	sdelay $0x4  }
0xbf: {  	v61 =	vshll.u32 v3, $0x1  }
0xc0: {  	v3 =	vand.u32 $0x7, v3;
	v4 =	vand.u32 $0xFFFFFFF0, v61  }
0xc1: {  	v3 =	vor.u32 v3, v4  }
0xc2: {  	v4 =	vperm.xlane v3, v0;
	_ =	sdelay $0x1  }
0xc3: {  	v3 =	vperm.xlane v3, v2;
	v4 =	vadd.s32 v1, v4;
	_ =	sdelay $0x1  }
0xc4: {  	v3 =	vadd.s32 v1, v3;
	_ =	sdelay $0x2  }
0xc5: {  	[tilespmem:s18], [sflag:$0x2] =	stream.indirect_vreg.gather [hbm4b:s2+s3], $0x80, v4, vm0, $0xb8;
	[tilespmem:$0x10100] =	vst v63  }
0xc6: {  	_ = 	snop  }
0xc7: {  	[tilespmem:s19], [sflag:$0x2] =	stream.indirect_vreg.gather [hbm4b:s2+s3], $0x80, v3, vm0, $0xb8;
	[tilespmem:$0x10100] =	vst v63  }
0xc8: {  	v3 =	vld [tilespmem:$0xE0];
	_ =	sdelay $0x4  }
0xc9: {  	v62 =	vshll.u32 v3, $0x1  }
0xca: {  	v3 =	vand.u32 $0x7, v3;
	v4 =	vand.u32 $0xFFFFFFF0, v62  }
0xcb: {  	v3 =	vor.u32 v3, v4  }
0xcc: {  	v4 =	vperm.xlane v3, v0;
	_ =	sdelay $0x1  }
0xcd: {  	v3 =	vperm.xlane v3, v2;
	v4 =	vadd.s32 v1, v4;
	_ =	sdelay $0x1  }
0xce: {  	v3 =	vadd.s32 v1, v3;
	_ =	sdelay $0x2  }
0xcf: {  	[tilespmem:s20], [sflag:$0x2] =	stream.indirect_vreg.gather [hbm4b:s2+s3], $0x80, v4, vm0, $0xb8;
	[tilespmem:$0x10100] =	vst v63  }
0xd0: {  	_ = 	snop  }
0xd1: {  	[tilespmem:s21], [sflag:$0x2] =	stream.indirect_vreg.gather [hbm4b:s2+s3], $0x80, v3, vm0, $0xb8;
	[tilespmem:$0x10100] =	vst v63  }
0xd2: {  	v3 =	vld [tilespmem:$0xF0];
	_ =	sdelay $0x4  }
0xd3: {  	v63 =	vshll.u32 v3, $0x1  }
0xd4: {  	v3 =	vand.u32 $0x7, v3;
	v4 =	vand.u32 $0xFFFFFFF0, v63  }
0xd5: {  	v3 =	vor.u32 v3, v4  }
0xd6: {  	v4 =	vperm.xlane v3, v0;
	_ =	sdelay $0x1  }
0xd7: {  	v3 =	vperm.xlane v3, v2;
	v4 =	vadd.s32 v1, v4;
	_ =	sdelay $0x1  }
0xd8: {  	v3 =	vadd.s32 v1, v3;
	_ =	sdelay $0x1  }
0xd9: {  	s31 =	sadd.s32 $0x20, s31  }
0xda: {  	[tilespmem:s22], [sflag:$0x2] =	stream.indirect_vreg.gather [hbm4b:s2+s3], $0x80, v4, vm0, $0xb8;
	[tilespmem:$0x10100] =	vst v63  }
0xdb: {  	p0 =	sne.s32 s31, $0x200  }
0xdc: {  	[tilespmem:s23], [sflag:$0x2] =	stream.indirect_vreg.gather [hbm4b:s2+s3], $0x80, v3, vm0, $0xb8;
	[tilespmem:$0x10100] =	vst v63  }
.Ltmp0:
0xdd: {  	_ = 	snop;
	(pc) =	sbr.rel @p0 .LBB2_2-.Ltmp0, $4  }
0xde: {  	_ =	swait.ge [sflag:s24], $0x8000  }
0xdf: {  	[sflag:s24] =	ssyncset.done $0x0  }
0xe0: {  	s4 =	sadd.s32 $0x1000, s30;
	s30 =	sadd.s32 $0x2000, s30;
	[sflag:s24] =	ssyncadd.s32 $0xFFFF8000  }
0xe1: {  	[hbm4b:s4+s3] =	stream.linear.scatter [tilespmem:s8], [sflag:$0x3], $0x8000, $0x38;
	[tilespmem:$0x10100] =	vst v63  }
0xe2: {  	_ =	swait.ge [sflag:s25], $0x8000  }
0xe3: {  	[sflag:s25] =	ssyncset.done $0x0  }
0xe4: {  	s29 =	sadd.s32 $0x1, s29;
	s0 =	rddreg [dreg:$0x16];
	[sflag:s25] =	ssyncadd.s32 $0xFFFF8000  }
0xe5: {  	[hbm4b:s0+s3] =	stream.linear.scatter [tilespmem:s9], [sflag:$0x4], $0x8000, $0x38;
	[tilespmem:$0x10100] =	vst v63  }
0xe6: {  	p0 =	sne.s32 s29, s5;
	_ =	swait.ge [sflag:s26], $0x8000  }
.Ltmp1:
0xe7: {  	[sflag:s26] =	ssyncset.done $0x0;
	(pc) =	sbr.rel @p0 .LBB2_1-.Ltmp1, $4  }
0xe8: {  	[sflag:s26] =	ssyncadd.s32 $0xFFFF8000  }
0xe9: {  	_ =	swait.ge [sflag:s28], $0x8000  }
0xea: {  	[sflag:s28] =	ssyncset.done $0x0  }
0xeb: {  	[sflag:s28] =	ssyncadd.s32 $0xFFFF8000  }
0xec: {  	_ =	sfence.sel $0x180000  }
0xed: {  	[bflag:$0x0] =	sbarrier.arrive $0xFFFF  }
0xee: {  	_ =	strace $0x9000004A  }
0xef: {  	s0 =	stileid.u32;
	[bflag:$0x2] =	sbarrier.arrive $0xFFFF  }
0xf0: {  	p0 =	sne.s32 s0, $0x0;
	s0 =	rddreg [dreg:$0x2]  }
0xf1: {  	s0 =	sadd.s32 @!p0 $0x100000, s0  }
0xf2: {  	[sflag:s0] =	ssyncadd.tile.s32 @!p0 $0x1;
	_ =	shalt  }
.Lfunc_end2:
_tile_overlayer_lowered:
.L_overlay_start_2:
0xf3: {  	(tag) =	ssettag $0x2  }
0xf4: {  	s0 =	rddreg [dreg:$0x0];
	s2 =	stileid.u32  }
0xf5: {  	s1 =	rddreg [dreg:$0x1];
	p0 =	sne.s32 s2, $0x0  }
0xf6: {  	s3 =	rddreg [dreg:$0x2];
	[bflag:$0x3] =	sbarrier.arrive $0xFFFF;
	s2 =	simm.s32 @!p0 $0x1C05  }
0xf7: {  	[timem:s3], [sflag:s2] =	dma.local @!p0 [hbm:s0], s1  }
0xf8: {  	s0 =	simm.s32 @!p0 $0x5  }
0xf9: {  	_ =	swait.ge @!p0 [sflag:s0], s1  }
0xfa: {  	s1 =	ssub.s32 @!p0 $0x0, s1;
	[sflag:s0] =	ssyncset.done @!p0 $0x0  }
0xfb: {  	[sflag:s0] =	ssyncadd.s32 @!p0 s1  }
0xfc: {  	[bflag:$0x3] =	sbarrier.arrive $0xFFFF  }
0xfd: {  	_ =	shalt  }

</sc_bundles>
